<compile_context>
chip_gen: v7x
topology: tpu7x:2x2x1
jax: 0.10.2.dev20260603
libtpu: 0.0.44.dev20260713+nightly
codegen_flags: <defaults>
</compile_context>

<pallas_src>
import functools

import jax
import jax.numpy as jnp
from jax import lax
from jax.experimental import pallas as pl
from jax.experimental.pallas import tpu as pltpu
from jax.experimental.pallas import tpu_sc as plsc

_B = 32
_V = 1000000
_N = 64
_BLOCK_W = 16384
_NBLK = (_V + _BLOCK_W - 1) // _BLOCK_W
_LANES = 16


def _sc_gather(scores_flat, allow_ids):
    mesh = plsc.VectorSubcoreMesh(core_axis_name="c", subcore_axis_name="s")

    @functools.partial(
        pl.kernel,
        out_type=jax.ShapeDtypeStruct((_B, _N), jnp.float32),
        mesh=mesh,
        scratch_types=[
            pltpu.VMEM((_N,), jnp.int32),
            pltpu.VMEM((_N,), jnp.float32),
            pltpu.SemaphoreType.DMA,
        ],
    )
    def k(scores_hbm, ids_hbm, out_hbm, idx_v, vals_v, sem):
        nc = 2
        w = lax.axis_index("s") * nc + lax.axis_index("c")
        pltpu.sync_copy(ids_hbm, idx_v)
        off = w * _V
        for c in range(_N // _LANES):
            sl = pl.ds(c * _LANES, _LANES)
            idx_v[sl] = idx_v[sl] + off
        pltpu.async_copy(scores_hbm.at[idx_v], vals_v, sem).wait()
        pltpu.sync_copy(vals_v, out_hbm.at[w])

    return k(scores_flat, allow_ids)


def _tc_fill_insert(vals, allow_ids):

    def body(ids_ref, vals_ref, out_ref):
        i = pl.program_id(0)
        start = i * _BLOCK_W
        out_ref[...] = jnp.full((_B, _BLOCK_W), -jnp.inf, jnp.float32)
        lane = lax.broadcasted_iota(jnp.int32, (1, 128), 1)
        for j in range(_N):
            local = ids_ref[j] - start

            @pl.when(jnp.logical_and(local >= 0, local < _BLOCK_W))
            def _():
                strip = pl.multiple_of((local // 128) * 128, 128)
                sl = pl.ds(strip, 128)
                out_ref[:, sl] = jnp.where(
                    lane == local - strip, vals_ref[:, j : j + 1], out_ref[:, sl]
                )

    grid_spec = pltpu.PrefetchScalarGridSpec(
        num_scalar_prefetch=1,
        grid=(_NBLK,),
        in_specs=[pl.BlockSpec((_B, _N), lambda i, ids: (0, 0))],
        out_specs=pl.BlockSpec((_B, _BLOCK_W), lambda i, ids: (0, i)),
    )
    return pl.pallas_call(
        body,
        grid_spec=grid_spec,
        out_shape=jax.ShapeDtypeStruct((_B, _V), jnp.float32),
    )(allow_ids, vals)


def kernel(scores, allow_ids):
    small = scores[:, :_N].reshape(_B * _N)
    vals = _sc_gather_small(small, allow_ids)
    return _tc_fill_insert(vals, allow_ids)


def _sc_gather_small(flat, allow_ids):
    mesh = plsc.VectorSubcoreMesh(core_axis_name="c", subcore_axis_name="s")

    @functools.partial(
        pl.kernel,
        out_type=jax.ShapeDtypeStruct((_B, _N), jnp.float32),
        mesh=mesh,
        scratch_types=[
            pltpu.VMEM((_N,), jnp.int32),
            pltpu.VMEM((_N,), jnp.float32),
            pltpu.SemaphoreType.DMA,
        ],
    )
    def k(flat_hbm, ids_hbm, out_hbm, idx_v, vals_v, sem):
        nc = 2
        w = lax.axis_index("s") * nc + lax.axis_index("c")
        pltpu.sync_copy(ids_hbm, idx_v)
        for c in range(_N // _LANES):
            sl = pl.ds(c * _LANES, _LANES)
            idx_v[sl] = idx_v[sl] * 0 + (w * _N + c * _LANES) + lax.broadcasted_iota(jnp.int32, (_LANES,), 0)
        pltpu.async_copy(flat_hbm.at[idx_v], vals_v, sem).wait()
        pltpu.sync_copy(vals_v, out_hbm.at[w])

    return k(flat, allow_ids)

# --- scband reference (transcript-rebuilt; emitter-appended) ---
"""Pipeline reference for scband-context-bias-processor-66786741453219 (READ-ONLY COPY).

The authoritative reference and input builder live on the scoring server;
editing this copy changes nothing except your own understanding.
"""

import jax, jax.numpy as jnp
import numpy as np

B = 32
V = 1000000
N_ALLOW = 64
STEP = 15625


def setup_inputs(seed: int = 0) -> dict:
    key = jax.random.key(seed)
    scores = jax.random.normal(key, (B, V), dtype=jnp.float32)
    # allow_ids from init_kwargs: sorted set of allowed token ids
    allow_ids = jnp.arange(N_ALLOW, dtype=jnp.int32) * STEP
    return {"scores": scores, "allow_ids": allow_ids}


def reference(scores, allow_ids):
    # hard_gate=True path: full -inf mask, allowed columns set to 0, then add
    mask = jnp.full(scores.shape, -jnp.inf, dtype=scores.dtype)
    mask = mask.at[:, allow_ids].set(0.0)
    out = scores + mask
    return out

if __name__ == "__main__":
    import jax
    _d = setup_inputs()
    print(jax.jit(kernel)(*tuple(_d.values())))

</pallas_src>

<mosaic_0001>
#map = affine_map<(d0, d1) -> (0)>
#map1 = affine_map<(d0, d1) -> (0, 0)>
module attributes {stable_mosaic.version = 14 : i64} {
  func.func @k(%arg0: i32, %arg1: i32, %arg2: memref<2048xf32, #tpu.memory_space<hbm>>, %arg3: memref<64xi32, #tpu.memory_space<hbm>>, %arg4: memref<32x64xf32, #tpu.memory_space<hbm>>, %arg5: memref<64xi32, #tpu.memory_space<vmem>>, %arg6: memref<64xf32, #tpu.memory_space<vmem>>, %arg7: memref<!tpu.dma_semaphore, #tpu.memory_space<semaphore_mem>>) attributes {dimension_semantics = [#tpu.dimension_semantics<core_parallel>, #tpu.dimension_semantics<subcore_parallel>], iteration_bounds = array<i64: 2, 16>, scalar_prefetch = 0 : i64, scratch_operands = 3 : i64, tpu.core_type = #tpu.core_type<sc_vector_subcore>, window_params = [{transform_indices = #map}, {transform_indices = #map}, {transform_indices = #map1}]} {
    %mul3A = arith.constant 2 : i32
    %mul3A_0 = arith.muli %arg1, %mul3A : i32
    %add3A = arith.addi %mul3A_0, %arg0 : i32
    "tpu.region"() ({
      %run_scoped3A = tpu.sem_alloc : memref<!tpu.dma_semaphore, #tpu.memory_space<semaphore_mem>>
      tpu.enqueue_dma source(%arg3 : memref<64xi32, #tpu.memory_space<hbm>>) target(%arg5 : memref<64xi32, #tpu.memory_space<vmem>>) target_semaphore(%run_scoped3A : memref<!tpu.dma_semaphore, #tpu.memory_space<semaphore_mem>>)
      tpu.wait_dma2 semaphore(%run_scoped3A : memref<!tpu.dma_semaphore, #tpu.memory_space<semaphore_mem>>) src(%arg3 : memref<64xi32, #tpu.memory_space<hbm>>) dst(%arg5 : memref<64xi32, #tpu.memory_space<vmem>>)
      tpu.yield
    }) : () -> ()
    %get3A = arith.constant 0 : index
    %get3A_1 = tpu.vector_load %arg5[%get3A] {strides = array<i32>} : memref<64xi32, #tpu.memory_space<vmem>>, vector<16xi32>,
    %get3A_2 = vector.shape_cast %get3A_1 : vector<16xi32> to vector<16xi32>
    %mul3A_3 = arith.constant 0 : i32
    %mul3A_4 = vector.broadcast %mul3A_3 : i32 to vector<16xi32>
    %mul3A_5 = arith.muli %get3A_2, %mul3A_4 : vector<16xi32>
    %mul3A_6 = arith.constant 64 : i32
    %mul3A_7 = arith.muli %add3A, %mul3A_6 : i32
    %add3A_8 = arith.constant 0 : i32
    %add3A_9 = arith.addi %mul3A_7, %add3A_8 : i32
    %add3A_10 = vector.broadcast %add3A_9 : i32 to vector<16xi32>
    %add3A_11 = arith.addi %mul3A_5, %add3A_10 : vector<16xi32>
    %iota3A = tpu.iota {dimensions = array<i32: 0>} : vector<16xi32>
    %add3A_12 = arith.addi %add3A_11, %iota3A : vector<16xi32>
    %swap3A = arith.constant 0 : index
    %swap3A_13 = tpu.vector_load %arg5[%swap3A] {strides = array<i32>} : memref<64xi32, #tpu.memory_space<vmem>>, vector<16xi32>,
    %swap3A_14 = vector.shape_cast %swap3A_13 : vector<16xi32> to vector<16xi32>
    %swap3A_15 = vector.shape_cast %add3A_12 : vector<16xi32> to vector<16xi32>
    tpu.vector_store %arg5[%swap3A], %swap3A_15 {strides = array<i32>} : memref<64xi32, #tpu.memory_space<vmem>>, vector<16xi32>,
    %get3A_16 = arith.constant 16 : index
    %get3A_17 = tpu.vector_load %arg5[%get3A_16] {strides = array<i32>} : memref<64xi32, #tpu.memory_space<vmem>>, vector<16xi32>,
    %get3A_18 = vector.shape_cast %get3A_17 : vector<16xi32> to vector<16xi32>
    %mul3A_19 = arith.constant 0 : i32
    %mul3A_20 = vector.broadcast %mul3A_19 : i32 to vector<16xi32>
    %mul3A_21 = arith.muli %get3A_18, %mul3A_20 : vector<16xi32>
    %mul3A_22 = arith.constant 64 : i32
    %mul3A_23 = arith.muli %add3A, %mul3A_22 : i32
    %add3A_24 = arith.constant 16 : i32
    %add3A_25 = arith.addi %mul3A_23, %add3A_24 : i32
    %add3A_26 = vector.broadcast %add3A_25 : i32 to vector<16xi32>
    %add3A_27 = arith.addi %mul3A_21, %add3A_26 : vector<16xi32>
    %iota3A_28 = tpu.iota {dimensions = array<i32: 0>} : vector<16xi32>
    %add3A_29 = arith.addi %add3A_27, %iota3A_28 : vector<16xi32>
    %swap3A_30 = arith.constant 16 : index
    %swap3A_31 = tpu.vector_load %arg5[%swap3A_30] {strides = array<i32>} : memref<64xi32, #tpu.memory_space<vmem>>, vector<16xi32>,
    %swap3A_32 = vector.shape_cast %swap3A_31 : vector<16xi32> to vector<16xi32>
    %swap3A_33 = vector.shape_cast %add3A_29 : vector<16xi32> to vector<16xi32>
    tpu.vector_store %arg5[%swap3A_30], %swap3A_33 {strides = array<i32>} : memref<64xi32, #tpu.memory_space<vmem>>, vector<16xi32>,
    %get3A_34 = arith.constant 32 : index
    %get3A_35 = tpu.vector_load %arg5[%get3A_34] {strides = array<i32>} : memref<64xi32, #tpu.memory_space<vmem>>, vector<16xi32>,
    %get3A_36 = vector.shape_cast %get3A_35 : vector<16xi32> to vector<16xi32>
    %mul3A_37 = arith.constant 0 : i32
    %mul3A_38 = vector.broadcast %mul3A_37 : i32 to vector<16xi32>
    %mul3A_39 = arith.muli %get3A_36, %mul3A_38 : vector<16xi32>
    %mul3A_40 = arith.constant 64 : i32
    %mul3A_41 = arith.muli %add3A, %mul3A_40 : i32
    %add3A_42 = arith.constant 32 : i32
    %add3A_43 = arith.addi %mul3A_41, %add3A_42 : i32
    %add3A_44 = vector.broadcast %add3A_43 : i32 to vector<16xi32>
    %add3A_45 = arith.addi %mul3A_39, %add3A_44 : vector<16xi32>
    %iota3A_46 = tpu.iota {dimensions = array<i32: 0>} : vector<16xi32>
    %add3A_47 = arith.addi %add3A_45, %iota3A_46 : vector<16xi32>
    %swap3A_48 = arith.constant 32 : index
    %swap3A_49 = tpu.vector_load %arg5[%swap3A_48] {strides = array<i32>} : memref<64xi32, #tpu.memory_space<vmem>>, vector<16xi32>,
    %swap3A_50 = vector.shape_cast %swap3A_49 : vector<16xi32> to vector<16xi32>
    %swap3A_51 = vector.shape_cast %add3A_47 : vector<16xi32> to vector<16xi32>
    tpu.vector_store %arg5[%swap3A_48], %swap3A_51 {strides = array<i32>} : memref<64xi32, #tpu.memory_space<vmem>>, vector<16xi32>,
    %get3A_52 = arith.constant 48 : index
    %get3A_53 = tpu.vector_load %arg5[%get3A_52] {strides = array<i32>} : memref<64xi32, #tpu.memory_space<vmem>>, vector<16xi32>,
    %get3A_54 = vector.shape_cast %get3A_53 : vector<16xi32> to vector<16xi32>
    %mul3A_55 = arith.constant 0 : i32
    %mul3A_56 = vector.broadcast %mul3A_55 : i32 to vector<16xi32>
    %mul3A_57 = arith.muli %get3A_54, %mul3A_56 : vector<16xi32>
    %mul3A_58 = arith.constant 64 : i32
    %mul3A_59 = arith.muli %add3A, %mul3A_58 : i32
    %add3A_60 = arith.constant 48 : i32
    %add3A_61 = arith.addi %mul3A_59, %add3A_60 : i32
    %add3A_62 = vector.broadcast %add3A_61 : i32 to vector<16xi32>
    %add3A_63 = arith.addi %mul3A_57, %add3A_62 : vector<16xi32>
    %iota3A_64 = tpu.iota {dimensions = array<i32: 0>} : vector<16xi32>
    %add3A_65 = arith.addi %add3A_63, %iota3A_64 : vector<16xi32>
    %swap3A_66 = arith.constant 48 : index
    %swap3A_67 = tpu.vector_load %arg5[%swap3A_66] {strides = array<i32>} : memref<64xi32, #tpu.memory_space<vmem>>, vector<16xi32>,
    %swap3A_68 = vector.shape_cast %swap3A_67 : vector<16xi32> to vector<16xi32>
    %swap3A_69 = vector.shape_cast %add3A_65 : vector<16xi32> to vector<16xi32>
    tpu.vector_store %arg5[%swap3A_66], %swap3A_69 {strides = array<i32>} : memref<64xi32, #tpu.memory_space<vmem>>, vector<16xi32>,
    %dma_start3A = arith.constant 0 : i32
    %dma_start3A_70 = tpu.memref_slice %arg2[%dma_start3A] : memref<2048xf32, #tpu.memory_space<hbm>> -> memref<2048xf32, #tpu.memory_space<hbm>>
    tpu.enqueue_indirect_dma source(%dma_start3A_70 : memref<2048xf32, #tpu.memory_space<hbm>>) target(%arg6 : memref<64xf32, #tpu.memory_space<vmem>>) offsets(%arg5 : memref<64xi32, #tpu.memory_space<vmem>>) semaphore(%arg7 : memref<!tpu.dma_semaphore, #tpu.memory_space<semaphore_mem>>)
    %dma_wait3A = arith.constant 0 : i32
    %dma_wait3A_71 = tpu.memref_slice %arg2[%dma_wait3A] : memref<2048xf32, #tpu.memory_space<hbm>> -> memref<2048xf32, #tpu.memory_space<hbm>>
    tpu.wait_indirect_dma semaphore(%arg7 : memref<!tpu.dma_semaphore, #tpu.memory_space<semaphore_mem>>) src(%dma_wait3A_71 : memref<2048xf32, #tpu.memory_space<hbm>>) dst(%arg6 : memref<64xf32, #tpu.memory_space<vmem>>)
    "tpu.region"() ({
      %run_scoped3A = tpu.sem_alloc : memref<!tpu.dma_semaphore, #tpu.memory_space<semaphore_mem>>
      %dma_start3A_72 = arith.constant 0 : i32
      %dma_start3A_73 = tpu.memref_slice %arg4[%add3A, %dma_start3A_72] : memref<32x64xf32, #tpu.memory_space<hbm>> -> memref<1x64xf32, #tpu.memory_space<hbm>>
      %dma_start3A_74 = tpu.memref_squeeze %dma_start3A_73 : memref<1x64xf32, #tpu.memory_space<hbm>> -> memref<64xf32, #tpu.memory_space<hbm>>
      %dma_start3A_75 = arith.constant 0 : i32
      %dma_start3A_76 = tpu.memref_slice %arg4[%add3A, %dma_start3A_75] : memref<32x64xf32, #tpu.memory_space<hbm>> -> memref<1x64xf32, #tpu.memory_space<hbm>>
      %dma_start3A_77 = tpu.memref_squeeze %dma_start3A_76 : memref<1x64xf32, #tpu.memory_space<hbm>> -> memref<64xf32, #tpu.memory_space<hbm>>
      tpu.enqueue_dma source(%arg6 : memref<64xf32, #tpu.memory_space<vmem>>) target(%dma_start3A_77 : memref<64xf32, #tpu.memory_space<hbm>>) target_semaphore(%run_scoped3A : memref<!tpu.dma_semaphore, #tpu.memory_space<semaphore_mem>>)
      %dma_wait3A_78 = arith.constant 0 : i32
      %dma_wait3A_79 = tpu.memref_slice %arg4[%add3A, %dma_wait3A_78] : memref<32x64xf32, #tpu.memory_space<hbm>> -> memref<1x64xf32, #tpu.memory_space<hbm>>
      %dma_wait3A_80 = tpu.memref_squeeze %dma_wait3A_79 : memref<1x64xf32, #tpu.memory_space<hbm>> -> memref<64xf32, #tpu.memory_space<hbm>>
      %dma_wait3A_81 = arith.constant 0 : i32
      %dma_wait3A_82 = tpu.memref_slice %arg4[%add3A, %dma_wait3A_81] : memref<32x64xf32, #tpu.memory_space<hbm>> -> memref<1x64xf32, #tpu.memory_space<hbm>>
      %dma_wait3A_83 = tpu.memref_squeeze %dma_wait3A_82 : memref<1x64xf32, #tpu.memory_space<hbm>> -> memref<64xf32, #tpu.memory_space<hbm>>
      tpu.wait_dma2 semaphore(%run_scoped3A : memref<!tpu.dma_semaphore, #tpu.memory_space<semaphore_mem>>) src(%arg6 : memref<64xf32, #tpu.memory_space<vmem>>) dst(%dma_wait3A_83 : memref<64xf32, #tpu.memory_space<hbm>>)
      tpu.yield
    }) : () -> ()
    return
  }
}

module attributes {stable_mosaic.version = 14 : i64} {
  func.func @body(%arg0: i32, %arg1: memref<64xi32, #tpu.memory_space<smem>>, %arg2: memref<32x64xf32, #tpu.memory_space<vmem>>, %arg3: memref<32x16384xf32, #tpu.memory_space<vmem>>) attributes {dimension_semantics = [#tpu.dimension_semantics<arbitrary>], iteration_bounds = array<i64: 62>, scalar_prefetch = 1 : i64, scratch_operands = 0 : i64, tpu.core_type = #tpu.core_type<tc>, window_params = [{pipeline_mode = #tpu.pipeline_mode<synchronous>, transform_indices = @transform_0, window_bounds = array<i64: 32, 64>}, {transform_indices = @transform_1, window_bounds = array<i64: 32, 16384>}]} {
    %mul3A = arith.constant 16384 : i32
    %mul3A_0 = arith.muli %arg0, %mul3A : i32
    %broadcast_in_dim3A = arith.constant 0xFF800000 : f32
    %broadcast_in_dim3A_1 = vector.broadcast %broadcast_in_dim3A : f32 to vector<32x16384xf32>
    %swap3A = arith.constant 0 : index
    %swap3A_2 = arith.constant 0 : index
    %swap3A_3 = vector.load %arg3[%swap3A, %swap3A_2] : memref<32x16384xf32, #tpu.memory_space<vmem>>, vector<32x16384xf32>
    tpu.vector_store %arg3[%swap3A, %swap3A_2], %broadcast_in_dim3A_1 {strides = array<i32>} : memref<32x16384xf32, #tpu.memory_space<vmem>>, vector<32x16384xf32>,
    %iota3A = tpu.iota {dimensions = array<i32: 1>} : vector<1x128xi32>
    %get3A = arith.constant 0 : index
    %get3A_4 = memref.load %arg1[%get3A] : memref<64xi32, #tpu.memory_space<smem>>
    %sub3A = arith.subi %get3A_4, %mul3A_0 : i32
    %ge3A = arith.constant 0 : i32
    %ge3A_5 = arith.cmpi sge, %sub3A, %ge3A : i32
    %lt3A = arith.constant 16384 : i32
    %lt3A_6 = arith.cmpi slt, %sub3A, %lt3A : i32
    %and3A = arith.andi %ge3A_5, %lt3A_6 : i1
    %convert_element_type3A = arith.extui %and3A : i1 to i32
    %cond3A = arith.constant 0 : i32
    %cond3A_7 = arith.cmpi ne, %convert_element_type3A, %cond3A : i32
    scf.if %cond3A_7 {
      %jit3A = arith.constant 128 : i32
      %div3A = arith.divsi %sub3A, %jit3A : i32
      %sign3A = arith.constant 0 : i32
      %sign3A_701 = arith.cmpi sgt, %sub3A, %sign3A : i32
      %sign3A_702 = arith.extui %sign3A_701 : i1 to i32
      %sign3A_703 = arith.constant 0 : i32
      %sign3A_704 = arith.cmpi slt, %sub3A, %sign3A_703 : i32
      %sign3A_705 = arith.extui %sign3A_704 : i1 to i32
      %sign3A_706 = arith.subi %sign3A_702, %sign3A_705 : i32
      %sign3A_707 = arith.constant 0 : i32
      %sign3A_708 = arith.cmpi sgt, %jit3A, %sign3A_707 : i32
      %sign3A_709 = arith.extui %sign3A_708 : i1 to i32
      %sign3A_710 = arith.constant 0 : i32
      %sign3A_711 = arith.cmpi slt, %jit3A, %sign3A_710 : i32
      %sign3A_712 = arith.extui %sign3A_711 : i1 to i32
      %sign3A_713 = arith.subi %sign3A_709, %sign3A_712 : i32
      %ne3A = arith.cmpi ne, %sign3A_706, %sign3A_713 : i32
      %rem3A = arith.remsi %sub3A, %jit3A : i32
      %ne3A_714 = arith.constant 0 : i32
      %ne3A_715 = arith.cmpi ne, %rem3A, %ne3A_714 : i32
      %and3A_716 = arith.andi %ne3A, %ne3A_715 : i1
      %sub3A_717 = arith.constant 1 : i32
      %sub3A_718 = arith.subi %div3A, %sub3A_717 : i32
      %select_n3A = arith.select %and3A_716, %sub3A_718, %div3A : i32
      %mul3A_719 = arith.constant 128 : i32
      %mul3A_720 = arith.muli %select_n3A, %mul3A_719 : i32
      %multiple_of3A = tpu.assume_multiple %mul3A_720, 128 : i32
      %sub3A_721 = arith.subi %sub3A, %multiple_of3A : i32
      %eq3A = vector.broadcast %sub3A_721 : i32 to vector<1x128xi32>
      %eq3A_722 = arith.cmpi eq, %iota3A, %eq3A : vector<1x128xi32>
      %get3A_723 = arith.constant 0 : index
      %get3A_724 = arith.constant 0 : index
      %get3A_725 = vector.load %arg2[%get3A_723, %get3A_724] : memref<32x64xf32, #tpu.memory_space<vmem>>, vector<32x1xf32>
      %get3A_726 = arith.constant 0 : index
      %get3A_727 = arith.index_cast %multiple_of3A : i32 to index
      %get3A_728 = vector.load %arg3[%get3A_726, %get3A_727] : memref<32x16384xf32, #tpu.memory_space<vmem>>, vector<32x128xf32>
      %broadcast_in_dim3A_729 = vector.shape_cast %eq3A_722 : vector<1x128xi1> to vector<1x128xi1>
      %broadcast_in_dim3A_730 = vector.broadcast %broadcast_in_dim3A_729 : vector<1x128xi1> to vector<32x128xi1>
      %broadcast_in_dim3A_731 = vector.shape_cast %get3A_725 : vector<32x1xf32> to vector<32x1xf32>
      %broadcast_in_dim3A_732 = vector.broadcast %broadcast_in_dim3A_731 : vector<32x1xf32> to vector<32x128xf32>
      %select_n3A_733 = arith.select %broadcast_in_dim3A_730, %broadcast_in_dim3A_732, %get3A_728 : vector<32x128xi1>, vector<32x128xf32>
      %swap3A_734 = arith.constant 0 : index
      %swap3A_735 = arith.index_cast %multiple_of3A : i32 to index
      %swap3A_736 = vector.load %arg3[%swap3A_734, %swap3A_735] : memref<32x16384xf32, #tpu.memory_space<vmem>>, vector<32x128xf32>
      tpu.vector_store %arg3[%swap3A_734, %swap3A_735], %select_n3A_733 {strides = array<i32>} : memref<32x16384xf32, #tpu.memory_space<vmem>>, vector<32x128xf32>,
    } else {
    }
    %get3A_8 = arith.constant 1 : index
    %get3A_9 = memref.load %arg1[%get3A_8] : memref<64xi32, #tpu.memory_space<smem>>
    %sub3A_10 = arith.subi %get3A_9, %mul3A_0 : i32
    %ge3A_11 = arith.constant 0 : i32
    %ge3A_12 = arith.cmpi sge, %sub3A_10, %ge3A_11 : i32
    %lt3A_13 = arith.constant 16384 : i32
    %lt3A_14 = arith.cmpi slt, %sub3A_10, %lt3A_13 : i32
    %and3A_15 = arith.andi %ge3A_12, %lt3A_14 : i1
    %convert_element_type3A_16 = arith.extui %and3A_15 : i1 to i32
    %cond3A_17 = arith.constant 0 : i32
    %cond3A_18 = arith.cmpi ne, %convert_element_type3A_16, %cond3A_17 : i32
    scf.if %cond3A_18 {
      %jit3A = arith.constant 128 : i32
      %div3A = arith.divsi %sub3A_10, %jit3A : i32
      %sign3A = arith.constant 0 : i32
      %sign3A_701 = arith.cmpi sgt, %sub3A_10, %sign3A : i32
      %sign3A_702 = arith.extui %sign3A_701 : i1 to i32
      %sign3A_703 = arith.constant 0 : i32
      %sign3A_704 = arith.cmpi slt, %sub3A_10, %sign3A_703 : i32
      %sign3A_705 = arith.extui %sign3A_704 : i1 to i32
      %sign3A_706 = arith.subi %sign3A_702, %sign3A_705 : i32
      %sign3A_707 = arith.constant 0 : i32
      %sign3A_708 = arith.cmpi sgt, %jit3A, %sign3A_707 : i32
      %sign3A_709 = arith.extui %sign3A_708 : i1 to i32
      %sign3A_710 = arith.constant 0 : i32
      %sign3A_711 = arith.cmpi slt, %jit3A, %sign3A_710 : i32
      %sign3A_712 = arith.extui %sign3A_711 : i1 to i32
      %sign3A_713 = arith.subi %sign3A_709, %sign3A_712 : i32
      %ne3A = arith.cmpi ne, %sign3A_706, %sign3A_713 : i32
      %rem3A = arith.remsi %sub3A_10, %jit3A : i32
      %ne3A_714 = arith.constant 0 : i32
      %ne3A_715 = arith.cmpi ne, %rem3A, %ne3A_714 : i32
      %and3A_716 = arith.andi %ne3A, %ne3A_715 : i1
      %sub3A_717 = arith.constant 1 : i32
      %sub3A_718 = arith.subi %div3A, %sub3A_717 : i32
      %select_n3A = arith.select %and3A_716, %sub3A_718, %div3A : i32
      %mul3A_719 = arith.constant 128 : i32
      %mul3A_720 = arith.muli %select_n3A, %mul3A_719 : i32
      %multiple_of3A = tpu.assume_multiple %mul3A_720, 128 : i32
      %sub3A_721 = arith.subi %sub3A_10, %multiple_of3A : i32
      %eq3A = vector.broadcast %sub3A_721 : i32 to vector<1x128xi32>
      %eq3A_722 = arith.cmpi eq, %iota3A, %eq3A : vector<1x128xi32>
      %get3A_723 = arith.constant 0 : index
      %get3A_724 = arith.constant 1 : index
      %get3A_725 = vector.load %arg2[%get3A_723, %get3A_724] : memref<32x64xf32, #tpu.memory_space<vmem>>, vector<32x1xf32>
      %get3A_726 = arith.constant 0 : index
      %get3A_727 = arith.index_cast %multiple_of3A : i32 to index
      %get3A_728 = vector.load %arg3[%get3A_726, %get3A_727] : memref<32x16384xf32, #tpu.memory_space<vmem>>, vector<32x128xf32>
      %broadcast_in_dim3A_729 = vector.shape_cast %eq3A_722 : vector<1x128xi1> to vector<1x128xi1>
      %broadcast_in_dim3A_730 = vector.broadcast %broadcast_in_dim3A_729 : vector<1x128xi1> to vector<32x128xi1>
      %broadcast_in_dim3A_731 = vector.shape_cast %get3A_725 : vector<32x1xf32> to vector<32x1xf32>
      %broadcast_in_dim3A_732 = vector.broadcast %broadcast_in_dim3A_731 : vector<32x1xf32> to vector<32x128xf32>
      %select_n3A_733 = arith.select %broadcast_in_dim3A_730, %broadcast_in_dim3A_732, %get3A_728 : vector<32x128xi1>, vector<32x128xf32>
      %swap3A_734 = arith.constant 0 : index
      %swap3A_735 = arith.index_cast %multiple_of3A : i32 to index
      %swap3A_736 = vector.load %arg3[%swap3A_734, %swap3A_735] : memref<32x16384xf32, #tpu.memory_space<vmem>>, vector<32x128xf32>
      tpu.vector_store %arg3[%swap3A_734, %swap3A_735], %select_n3A_733 {strides = array<i32>} : memref<32x16384xf32, #tpu.memory_space<vmem>>, vector<32x128xf32>,
    } else {
    }
    %get3A_19 = arith.constant 2 : index
    %get3A_20 = memref.load %arg1[%get3A_19] : memref<64xi32, #tpu.memory_space<smem>>
    %sub3A_21 = arith.subi %get3A_20, %mul3A_0 : i32
    %ge3A_22 = arith.constant 0 : i32
    %ge3A_23 = arith.cmpi sge, %sub3A_21, %ge3A_22 : i32
    %lt3A_24 = arith.constant 16384 : i32
    %lt3A_25 = arith.cmpi slt, %sub3A_21, %lt3A_24 : i32
    %and3A_26 = arith.andi %ge3A_23, %lt3A_25 : i1
    %convert_element_type3A_27 = arith.extui %and3A_26 : i1 to i32
    %cond3A_28 = arith.constant 0 : i32
    %cond3A_29 = arith.cmpi ne, %convert_element_type3A_27, %cond3A_28 : i32
    scf.if %cond3A_29 {
      %jit3A = arith.constant 128 : i32
      %div3A = arith.divsi %sub3A_21, %jit3A : i32
      %sign3A = arith.constant 0 : i32
      %sign3A_701 = arith.cmpi sgt, %sub3A_21, %sign3A : i32
      %sign3A_702 = arith.extui %sign3A_701 : i1 to i32
      %sign3A_703 = arith.constant 0 : i32
      %sign3A_704 = arith.cmpi slt, %sub3A_21, %sign3A_703 : i32
      %sign3A_705 = arith.extui %sign3A_704 : i1 to i32
      %sign3A_706 = arith.subi %sign3A_702, %sign3A_705 : i32
      %sign3A_707 = arith.constant 0 : i32
      %sign3A_708 = arith.cmpi sgt, %jit3A, %sign3A_707 : i32
      %sign3A_709 = arith.extui %sign3A_708 : i1 to i32
      %sign3A_710 = arith.constant 0 : i32
      %sign3A_711 = arith.cmpi slt, %jit3A, %sign3A_710 : i32
      %sign3A_712 = arith.extui %sign3A_711 : i1 to i32
      %sign3A_713 = arith.subi %sign3A_709, %sign3A_712 : i32
      %ne3A = arith.cmpi ne, %sign3A_706, %sign3A_713 : i32
      %rem3A = arith.remsi %sub3A_21, %jit3A : i32
      %ne3A_714 = arith.constant 0 : i32
      %ne3A_715 = arith.cmpi ne, %rem3A, %ne3A_714 : i32
      %and3A_716 = arith.andi %ne3A, %ne3A_715 : i1
      %sub3A_717 = arith.constant 1 : i32
      %sub3A_718 = arith.subi %div3A, %sub3A_717 : i32
      %select_n3A = arith.select %and3A_716, %sub3A_718, %div3A : i32
      %mul3A_719 = arith.constant 128 : i32
      %mul3A_720 = arith.muli %select_n3A, %mul3A_719 : i32
      %multiple_of3A = tpu.assume_multiple %mul3A_720, 128 : i32
      %sub3A_721 = arith.subi %sub3A_21, %multiple_of3A : i32
      %eq3A = vector.broadcast %sub3A_721 : i32 to vector<1x128xi32>
      %eq3A_722 = arith.cmpi eq, %iota3A, %eq3A : vector<1x128xi32>
      %get3A_723 = arith.constant 0 : index
      %get3A_724 = arith.constant 2 : index
      %get3A_725 = vector.load %arg2[%get3A_723, %get3A_724] : memref<32x64xf32, #tpu.memory_space<vmem>>, vector<32x1xf32>
      %get3A_726 = arith.constant 0 : index
      %get3A_727 = arith.index_cast %multiple_of3A : i32 to index
      %get3A_728 = vector.load %arg3[%get3A_726, %get3A_727] : memref<32x16384xf32, #tpu.memory_space<vmem>>, vector<32x128xf32>
      %broadcast_in_dim3A_729 = vector.shape_cast %eq3A_722 : vector<1x128xi1> to vector<1x128xi1>
      %broadcast_in_dim3A_730 = vector.broadcast %broadcast_in_dim3A_729 : vector<1x128xi1> to vector<32x128xi1>
      %broadcast_in_dim3A_731 = vector.shape_cast %get3A_725 : vector<32x1xf32> to vector<32x1xf32>
      %broadcast_in_dim3A_732 = vector.broadcast %broadcast_in_dim3A_731 : vector<32x1xf32> to vector<32x128xf32>
      %select_n3A_733 = arith.select %broadcast_in_dim3A_730, %broadcast_in_dim3A_732, %get3A_728 : vector<32x128xi1>, vector<32x128xf32>
      %swap3A_734 = arith.constant 0 : index
      %swap3A_735 = arith.index_cast %multiple_of3A : i32 to index
      %swap3A_736 = vector.load %arg3[%swap3A_734, %swap3A_735] : memref<32x16384xf32, #tpu.memory_space<vmem>>, vector<32x128xf32>
      tpu.vector_store %arg3[%swap3A_734, %swap3A_735], %select_n3A_733 {strides = array<i32>} : memref<32x16384xf32, #tpu.memory_space<vmem>>, vector<32x128xf32>,
    } else {
    }
    %get3A_30 = arith.constant 3 : index
    %get3A_31 = memref.load %arg1[%get3A_30] : memref<64xi32, #tpu.memory_space<smem>>
    %sub3A_32 = arith.subi %get3A_31, %mul3A_0 : i32
    %ge3A_33 = arith.constant 0 : i32
    %ge3A_34 = arith.cmpi sge, %sub3A_32, %ge3A_33 : i32
    %lt3A_35 = arith.constant 16384 : i32
    %lt3A_36 = arith.cmpi slt, %sub3A_32, %lt3A_35 : i32
    %and3A_37 = arith.andi %ge3A_34, %lt3A_36 : i1
    %convert_element_type3A_38 = arith.extui %and3A_37 : i1 to i32
    %cond3A_39 = arith.constant 0 : i32
    %cond3A_40 = arith.cmpi ne, %convert_element_type3A_38, %cond3A_39 : i32
    scf.if %cond3A_40 {
      %jit3A = arith.constant 128 : i32
      %div3A = arith.divsi %sub3A_32, %jit3A : i32
      %sign3A = arith.constant 0 : i32
      %sign3A_701 = arith.cmpi sgt, %sub3A_32, %sign3A : i32
      %sign3A_702 = arith.extui %sign3A_701 : i1 to i32
      %sign3A_703 = arith.constant 0 : i32
      %sign3A_704 = arith.cmpi slt, %sub3A_32, %sign3A_703 : i32
      %sign3A_705 = arith.extui %sign3A_704 : i1 to i32
      %sign3A_706 = arith.subi %sign3A_702, %sign3A_705 : i32
      %sign3A_707 = arith.constant 0 : i32
      %sign3A_708 = arith.cmpi sgt, %jit3A, %sign3A_707 : i32
      %sign3A_709 = arith.extui %sign3A_708 : i1 to i32
      %sign3A_710 = arith.constant 0 : i32
      %sign3A_711 = arith.cmpi slt, %jit3A, %sign3A_710 : i32
      %sign3A_712 = arith.extui %sign3A_711 : i1 to i32
      %sign3A_713 = arith.subi %sign3A_709, %sign3A_712 : i32
      %ne3A = arith.cmpi ne, %sign3A_706, %sign3A_713 : i32
      %rem3A = arith.remsi %sub3A_32, %jit3A : i32
      %ne3A_714 = arith.constant 0 : i32
      %ne3A_715 = arith.cmpi ne, %rem3A, %ne3A_714 : i32
      %and3A_716 = arith.andi %ne3A, %ne3A_715 : i1
      %sub3A_717 = arith.constant 1 : i32
      %sub3A_718 = arith.subi %div3A, %sub3A_717 : i32
      %select_n3A = arith.select %and3A_716, %sub3A_718, %div3A : i32
      %mul3A_719 = arith.constant 128 : i32
      %mul3A_720 = arith.muli %select_n3A, %mul3A_719 : i32
      %multiple_of3A = tpu.assume_multiple %mul3A_720, 128 : i32
      %sub3A_721 = arith.subi %sub3A_32, %multiple_of3A : i32
      %eq3A = vector.broadcast %sub3A_721 : i32 to vector<1x128xi32>
      %eq3A_722 = arith.cmpi eq, %iota3A, %eq3A : vector<1x128xi32>
      %get3A_723 = arith.constant 0 : index
      %get3A_724 = arith.constant 3 : index
      %get3A_725 = vector.load %arg2[%get3A_723, %get3A_724] : memref<32x64xf32, #tpu.memory_space<vmem>>, vector<32x1xf32>
      %get3A_726 = arith.constant 0 : index
      %get3A_727 = arith.index_cast %multiple_of3A : i32 to index
      %get3A_728 = vector.load %arg3[%get3A_726, %get3A_727] : memref<32x16384xf32, #tpu.memory_space<vmem>>, vector<32x128xf32>
      %broadcast_in_dim3A_729 = vector.shape_cast %eq3A_722 : vector<1x128xi1> to vector<1x128xi1>
      %broadcast_in_dim3A_730 = vector.broadcast %broadcast_in_dim3A_729 : vector<1x128xi1> to vector<32x128xi1>
      %broadcast_in_dim3A_731 = vector.shape_cast %get3A_725 : vector<32x1xf32> to vector<32x1xf32>
      %broadcast_in_dim3A_732 = vector.broadcast %broadcast_in_dim3A_731 : vector<32x1xf32> to vector<32x128xf32>
      %select_n3A_733 = arith.select %broadcast_in_dim3A_730, %broadcast_in_dim3A_732, %get3A_728 : vector<32x128xi1>, vector<32x128xf32>
      %swap3A_734 = arith.constant 0 : index
      %swap3A_735 = arith.index_cast %multiple_of3A : i32 to index
      %swap3A_736 = vector.load %arg3[%swap3A_734, %swap3A_735] : memref<32x16384xf32, #tpu.memory_space<vmem>>, vector<32x128xf32>
      tpu.vector_store %arg3[%swap3A_734, %swap3A_735], %select_n3A_733 {strides = array<i32>} : memref<32x16384xf32, #tpu.memory_space<vmem>>, vector<32x128xf32>,
    } else {
    }
    %get3A_41 = arith.constant 4 : index
    %get3A_42 = memref.load %arg1[%get3A_41] : memref<64xi32, #tpu.memory_space<smem>>
    %sub3A_43 = arith.subi %get3A_42, %mul3A_0 : i32
    %ge3A_44 = arith.constant 0 : i32
    %ge3A_45 = arith.cmpi sge, %sub3A_43, %ge3A_44 : i32
    %lt3A_46 = arith.constant 16384 : i32
    %lt3A_47 = arith.cmpi slt, %sub3A_43, %lt3A_46 : i32
    %and3A_48 = arith.andi %ge3A_45, %lt3A_47 : i1
    %convert_element_type3A_49 = arith.extui %and3A_48 : i1 to i32
    %cond3A_50 = arith.constant 0 : i32
    %cond3A_51 = arith.cmpi ne, %convert_element_type3A_49, %cond3A_50 : i32
    scf.if %cond3A_51 {
      %jit3A = arith.constant 128 : i32
      %div3A = arith.divsi %sub3A_43, %jit3A : i32
      %sign3A = arith.constant 0 : i32
      %sign3A_701 = arith.cmpi sgt, %sub3A_43, %sign3A : i32
      %sign3A_702 = arith.extui %sign3A_701 : i1 to i32
      %sign3A_703 = arith.constant 0 : i32
      %sign3A_704 = arith.cmpi slt, %sub3A_43, %sign3A_703 : i32
      %sign3A_705 = arith.extui %sign3A_704 : i1 to i32
      %sign3A_706 = arith.subi %sign3A_702, %sign3A_705 : i32
      %sign3A_707 = arith.constant 0 : i32
      %sign3A_708 = arith.cmpi sgt, %jit3A, %sign3A_707 : i32
      %sign3A_709 = arith.extui %sign3A_708 : i1 to i32
      %sign3A_710 = arith.constant 0 : i32
      %sign3A_711 = arith.cmpi slt, %jit3A, %sign3A_710 : i32
      %sign3A_712 = arith.extui %sign3A_711 : i1 to i32
      %sign3A_713 = arith.subi %sign3A_709, %sign3A_712 : i32
      %ne3A = arith.cmpi ne, %sign3A_706, %sign3A_713 : i32
      %rem3A = arith.remsi %sub3A_43, %jit3A : i32
      %ne3A_714 = arith.constant 0 : i32
      %ne3A_715 = arith.cmpi ne, %rem3A, %ne3A_714 : i32
      %and3A_716 = arith.andi %ne3A, %ne3A_715 : i1
      %sub3A_717 = arith.constant 1 : i32
      %sub3A_718 = arith.subi %div3A, %sub3A_717 : i32
      %select_n3A = arith.select %and3A_716, %sub3A_718, %div3A : i32
      %mul3A_719 = arith.constant 128 : i32
      %mul3A_720 = arith.muli %select_n3A, %mul3A_719 : i32
      %multiple_of3A = tpu.assume_multiple %mul3A_720, 128 : i32
      %sub3A_721 = arith.subi %sub3A_43, %multiple_of3A : i32
      %eq3A = vector.broadcast %sub3A_721 : i32 to vector<1x128xi32>
      %eq3A_722 = arith.cmpi eq, %iota3A, %eq3A : vector<1x128xi32>
      %get3A_723 = arith.constant 0 : index
      %get3A_724 = arith.constant 4 : index
      %get3A_725 = vector.load %arg2[%get3A_723, %get3A_724] : memref<32x64xf32, #tpu.memory_space<vmem>>, vector<32x1xf32>
      %get3A_726 = arith.constant 0 : index
      %get3A_727 = arith.index_cast %multiple_of3A : i32 to index
      %get3A_728 = vector.load %arg3[%get3A_726, %get3A_727] : memref<32x16384xf32, #tpu.memory_space<vmem>>, vector<32x128xf32>
      %broadcast_in_dim3A_729 = vector.shape_cast %eq3A_722 : vector<1x128xi1> to vector<1x128xi1>
      %broadcast_in_dim3A_730 = vector.broadcast %broadcast_in_dim3A_729 : vector<1x128xi1> to vector<32x128xi1>
      %broadcast_in_dim3A_731 = vector.shape_cast %get3A_725 : vector<32x1xf32> to vector<32x1xf32>
      %broadcast_in_dim3A_732 = vector.broadcast %broadcast_in_dim3A_731 : vector<32x1xf32> to vector<32x128xf32>
      %select_n3A_733 = arith.select %broadcast_in_dim3A_730, %broadcast_in_dim3A_732, %get3A_728 : vector<32x128xi1>, vector<32x128xf32>
      %swap3A_734 = arith.constant 0 : index
      %swap3A_735 = arith.index_cast %multiple_of3A : i32 to index
      %swap3A_736 = vector.load %arg3[%swap3A_734, %swap3A_735] : memref<32x16384xf32, #tpu.memory_space<vmem>>, vector<32x128xf32>
      tpu.vector_store %arg3[%swap3A_734, %swap3A_735], %select_n3A_733 {strides = array<i32>} : memref<32x16384xf32, #tpu.memory_space<vmem>>, vector<32x128xf32>,
    } else {
    }
    %get3A_52 = arith.constant 5 : index
    %get3A_53 = memref.load %arg1[%get3A_52] : memref<64xi32, #tpu.memory_space<smem>>
    %sub3A_54 = arith.subi %get3A_53, %mul3A_0 : i32
    %ge3A_55 = arith.constant 0 : i32
    %ge3A_56 = arith.cmpi sge, %sub3A_54, %ge3A_55 : i32
    %lt3A_57 = arith.constant 16384 : i32
    %lt3A_58 = arith.cmpi slt, %sub3A_54, %lt3A_57 : i32
    %and3A_59 = arith.andi %ge3A_56, %lt3A_58 : i1
    %convert_element_type3A_60 = arith.extui %and3A_59 : i1 to i32
    %cond3A_61 = arith.constant 0 : i32
    %cond3A_62 = arith.cmpi ne, %convert_element_type3A_60, %cond3A_61 : i32
    scf.if %cond3A_62 {
      %jit3A = arith.constant 128 : i32
      %div3A = arith.divsi %sub3A_54, %jit3A : i32
      %sign3A = arith.constant 0 : i32
      %sign3A_701 = arith.cmpi sgt, %sub3A_54, %sign3A : i32
      %sign3A_702 = arith.extui %sign3A_701 : i1 to i32
      %sign3A_703 = arith.constant 0 : i32
      %sign3A_704 = arith.cmpi slt, %sub3A_54, %sign3A_703 : i32
      %sign3A_705 = arith.extui %sign3A_704 : i1 to i32
      %sign3A_706 = arith.subi %sign3A_702, %sign3A_705 : i32
      %sign3A_707 = arith.constant 0 : i32
      %sign3A_708 = arith.cmpi sgt, %jit3A, %sign3A_707 : i32
      %sign3A_709 = arith.extui %sign3A_708 : i1 to i32
      %sign3A_710 = arith.constant 0 : i32
      %sign3A_711 = arith.cmpi slt, %jit3A, %sign3A_710 : i32
      %sign3A_712 = arith.extui %sign3A_711 : i1 to i32
      %sign3A_713 = arith.subi %sign3A_709, %sign3A_712 : i32
      %ne3A = arith.cmpi ne, %sign3A_706, %sign3A_713 : i32
      %rem3A = arith.remsi %sub3A_54, %jit3A : i32
      %ne3A_714 = arith.constant 0 : i32
      %ne3A_715 = arith.cmpi ne, %rem3A, %ne3A_714 : i32
      %and3A_716 = arith.andi %ne3A, %ne3A_715 : i1
      %sub3A_717 = arith.constant 1 : i32
      %sub3A_718 = arith.subi %div3A, %sub3A_717 : i32
      %select_n3A = arith.select %and3A_716, %sub3A_718, %div3A : i32
      %mul3A_719 = arith.constant 128 : i32
      %mul3A_720 = arith.muli %select_n3A, %mul3A_719 : i32
      %multiple_of3A = tpu.assume_multiple %mul3A_720, 128 : i32
      %sub3A_721 = arith.subi %sub3A_54, %multiple_of3A : i32
      %eq3A = vector.broadcast %sub3A_721 : i32 to vector<1x128xi32>
      %eq3A_722 = arith.cmpi eq, %iota3A, %eq3A : vector<1x128xi32>
      %get3A_723 = arith.constant 0 : index
      %get3A_724 = arith.constant 5 : index
      %get3A_725 = vector.load %arg2[%get3A_723, %get3A_724] : memref<32x64xf32, #tpu.memory_space<vmem>>, vector<32x1xf32>
      %get3A_726 = arith.constant 0 : index
      %get3A_727 = arith.index_cast %multiple_of3A : i32 to index
      %get3A_728 = vector.load %arg3[%get3A_726, %get3A_727] : memref<32x16384xf32, #tpu.memory_space<vmem>>, vector<32x128xf32>
      %broadcast_in_dim3A_729 = vector.shape_cast %eq3A_722 : vector<1x128xi1> to vector<1x128xi1>
      %broadcast_in_dim3A_730 = vector.broadcast %broadcast_in_dim3A_729 : vector<1x128xi1> to vector<32x128xi1>
      %broadcast_in_dim3A_731 = vector.shape_cast %get3A_725 : vector<32x1xf32> to vector<32x1xf32>
      %broadcast_in_dim3A_732 = vector.broadcast %broadcast_in_dim3A_731 : vector<32x1xf32> to vector<32x128xf32>
      %select_n3A_733 = arith.select %broadcast_in_dim3A_730, %broadcast_in_dim3A_732, %get3A_728 : vector<32x128xi1>, vector<32x128xf32>
      %swap3A_734 = arith.constant 0 : index
      %swap3A_735 = arith.index_cast %multiple_of3A : i32 to index
      %swap3A_736 = vector.load %arg3[%swap3A_734, %swap3A_735] : memref<32x16384xf32, #tpu.memory_space<vmem>>, vector<32x128xf32>
      tpu.vector_store %arg3[%swap3A_734, %swap3A_735], %select_n3A_733 {strides = array<i32>} : memref<32x16384xf32, #tpu.memory_space<vmem>>, vector<32x128xf32>,
    } else {
    }
    %get3A_63 = arith.constant 6 : index
    %get3A_64 = memref.load %arg1[%get3A_63] : memref<64xi32, #tpu.memory_space<smem>>
    %sub3A_65 = arith.subi %get3A_64, %mul3A_0 : i32
    %ge3A_66 = arith.constant 0 : i32
    %ge3A_67 = arith.cmpi sge, %sub3A_65, %ge3A_66 : i32
    %lt3A_68 = arith.constant 16384 : i32
    %lt3A_69 = arith.cmpi slt, %sub3A_65, %lt3A_68 : i32
    %and3A_70 = arith.andi %ge3A_67, %lt3A_69 : i1
    %convert_element_type3A_71 = arith.extui %and3A_70 : i1 to i32
    %cond3A_72 = arith.constant 0 : i32
    %cond3A_73 = arith.cmpi ne, %convert_element_type3A_71, %cond3A_72 : i32
    scf.if %cond3A_73 {
      %jit3A = arith.constant 128 : i32
      %div3A = arith.divsi %sub3A_65, %jit3A : i32
      %sign3A = arith.constant 0 : i32
      %sign3A_701 = arith.cmpi sgt, %sub3A_65, %sign3A : i32
      %sign3A_702 = arith.extui %sign3A_701 : i1 to i32
      %sign3A_703 = arith.constant 0 : i32
      %sign3A_704 = arith.cmpi slt, %sub3A_65, %sign3A_703 : i32
      %sign3A_705 = arith.extui %sign3A_704 : i1 to i32
      %sign3A_706 = arith.subi %sign3A_702, %sign3A_705 : i32
      %sign3A_707 = arith.constant 0 : i32
      %sign3A_708 = arith.cmpi sgt, %jit3A, %sign3A_707 : i32
      %sign3A_709 = arith.extui %sign3A_708 : i1 to i32
      %sign3A_710 = arith.constant 0 : i32
      %sign3A_711 = arith.cmpi slt, %jit3A, %sign3A_710 : i32
      %sign3A_712 = arith.extui %sign3A_711 : i1 to i32
      %sign3A_713 = arith.subi %sign3A_709, %sign3A_712 : i32
      %ne3A = arith.cmpi ne, %sign3A_706, %sign3A_713 : i32
      %rem3A = arith.remsi %sub3A_65, %jit3A : i32
      %ne3A_714 = arith.constant 0 : i32
      %ne3A_715 = arith.cmpi ne, %rem3A, %ne3A_714 : i32
      %and3A_716 = arith.andi %ne3A, %ne3A_715 : i1
      %sub3A_717 = arith.constant 1 : i32
      %sub3A_718 = arith.subi %div3A, %sub3A_717 : i32
      %select_n3A = arith.select %and3A_716, %sub3A_718, %div3A : i32
      %mul3A_719 = arith.constant 128 : i32
      %mul3A_720 = arith.muli %select_n3A, %mul3A_719 : i32
      %multiple_of3A = tpu.assume_multiple %mul3A_720, 128 : i32
      %sub3A_721 = arith.subi %sub3A_65, %multiple_of3A : i32
      %eq3A = vector.broadcast %sub3A_721 : i32 to vector<1x128xi32>
      %eq3A_722 = arith.cmpi eq, %iota3A, %eq3A : vector<1x128xi32>
      %get3A_723 = arith.constant 0 : index
      %get3A_724 = arith.constant 6 : index
      %get3A_725 = vector.load %arg2[%get3A_723, %get3A_724] : memref<32x64xf32, #tpu.memory_space<vmem>>, vector<32x1xf32>
      %get3A_726 = arith.constant 0 : index
      %get3A_727 = arith.index_cast %multiple_of3A : i32 to index
      %get3A_728 = vector.load %arg3[%get3A_726, %get3A_727] : memref<32x16384xf32, #tpu.memory_space<vmem>>, vector<32x128xf32>
      %broadcast_in_dim3A_729 = vector.shape_cast %eq3A_722 : vector<1x128xi1> to vector<1x128xi1>
      %broadcast_in_dim3A_730 = vector.broadcast %broadcast_in_dim3A_729 : vector<1x128xi1> to vector<32x128xi1>
      %broadcast_in_dim3A_731 = vector.shape_cast %get3A_725 : vector<32x1xf32> to vector<32x1xf32>
      %broadcast_in_dim3A_732 = vector.broadcast %broadcast_in_dim3A_731 : vector<32x1xf32> to vector<32x128xf32>
      %select_n3A_733 = arith.select %broadcast_in_dim3A_730, %broadcast_in_dim3A_732, %get3A_728 : vector<32x128xi1>, vector<32x128xf32>
      %swap3A_734 = arith.constant 0 : index
      %swap3A_735 = arith.index_cast %multiple_of3A : i32 to index
      %swap3A_736 = vector.load %arg3[%swap3A_734, %swap3A_735] : memref<32x16384xf32, #tpu.memory_space<vmem>>, vector<32x128xf32>
      tpu.vector_store %arg3[%swap3A_734, %swap3A_735], %select_n3A_733 {strides = array<i32>} : memref<32x16384xf32, #tpu.memory_space<vmem>>, vector<32x128xf32>,
    } else {
    }
    %get3A_74 = arith.constant 7 : index
    %get3A_75 = memref.load %arg1[%get3A_74] : memref<64xi32, #tpu.memory_space<smem>>
    %sub3A_76 = arith.subi %get3A_75, %mul3A_0 : i32
    %ge3A_77 = arith.constant 0 : i32
    %ge3A_78 = arith.cmpi sge, %sub3A_76, %ge3A_77 : i32
    %lt3A_79 = arith.constant 16384 : i32
    %lt3A_80 = arith.cmpi slt, %sub3A_76, %lt3A_79 : i32
    %and3A_81 = arith.andi %ge3A_78, %lt3A_80 : i1
    %convert_element_type3A_82 = arith.extui %and3A_81 : i1 to i32
    %cond3A_83 = arith.constant 0 : i32
    %cond3A_84 = arith.cmpi ne, %convert_element_type3A_82, %cond3A_83 : i32
    scf.if %cond3A_84 {
      %jit3A = arith.constant 128 : i32
      %div3A = arith.divsi %sub3A_76, %jit3A : i32
      %sign3A = arith.constant 0 : i32
      %sign3A_701 = arith.cmpi sgt, %sub3A_76, %sign3A : i32
      %sign3A_702 = arith.extui %sign3A_701 : i1 to i32
      %sign3A_703 = arith.constant 0 : i32
      %sign3A_704 = arith.cmpi slt, %sub3A_76, %sign3A_703 : i32
      %sign3A_705 = arith.extui %sign3A_704 : i1 to i32
      %sign3A_706 = arith.subi %sign3A_702, %sign3A_705 : i32
      %sign3A_707 = arith.constant 0 : i32
      %sign3A_708 = arith.cmpi sgt, %jit3A, %sign3A_707 : i32
      %sign3A_709 = arith.extui %sign3A_708 : i1 to i32
      %sign3A_710 = arith.constant 0 : i32
      %sign3A_711 = arith.cmpi slt, %jit3A, %sign3A_710 : i32
      %sign3A_712 = arith.extui %sign3A_711 : i1 to i32
      %sign3A_713 = arith.subi %sign3A_709, %sign3A_712 : i32
      %ne3A = arith.cmpi ne, %sign3A_706, %sign3A_713 : i32
      %rem3A = arith.remsi %sub3A_76, %jit3A : i32
      %ne3A_714 = arith.constant 0 : i32
      %ne3A_715 = arith.cmpi ne, %rem3A, %ne3A_714 : i32
      %and3A_716 = arith.andi %ne3A, %ne3A_715 : i1
      %sub3A_717 = arith.constant 1 : i32
      %sub3A_718 = arith.subi %div3A, %sub3A_717 : i32
      %select_n3A = arith.select %and3A_716, %sub3A_718, %div3A : i32
      %mul3A_719 = arith.constant 128 : i32
      %mul3A_720 = arith.muli %select_n3A, %mul3A_719 : i32
      %multiple_of3A = tpu.assume_multiple %mul3A_720, 128 : i32
      %sub3A_721 = arith.subi %sub3A_76, %multiple_of3A : i32
      %eq3A = vector.broadcast %sub3A_721 : i32 to vector<1x128xi32>
      %eq3A_722 = arith.cmpi eq, %iota3A, %eq3A : vector<1x128xi32>
      %get3A_723 = arith.constant 0 : index
      %get3A_724 = arith.constant 7 : index
      %get3A_725 = vector.load %arg2[%get3A_723, %get3A_724] : memref<32x64xf32, #tpu.memory_space<vmem>>, vector<32x1xf32>
      %get3A_726 = arith.constant 0 : index
      %get3A_727 = arith.index_cast %multiple_of3A : i32 to index
      %get3A_728 = vector.load %arg3[%get3A_726, %get3A_727] : memref<32x16384xf32, #tpu.memory_space<vmem>>, vector<32x128xf32>
      %broadcast_in_dim3A_729 = vector.shape_cast %eq3A_722 : vector<1x128xi1> to vector<1x128xi1>
      %broadcast_in_dim3A_730 = vector.broadcast %broadcast_in_dim3A_729 : vector<1x128xi1> to vector<32x128xi1>
      %broadcast_in_dim3A_731 = vector.shape_cast %get3A_725 : vector<32x1xf32> to vector<32x1xf32>
      %broadcast_in_dim3A_732 = vector.broadcast %broadcast_in_dim3A_731 : vector<32x1xf32> to vector<32x128xf32>
      %select_n3A_733 = arith.select %broadcast_in_dim3A_730, %broadcast_in_dim3A_732, %get3A_728 : vector<32x128xi1>, vector<32x128xf32>
      %swap3A_734 = arith.constant 0 : index
      %swap3A_735 = arith.index_cast %multiple_of3A : i32 to index
      %swap3A_736 = vector.load %arg3[%swap3A_734, %swap3A_735] : memref<32x16384xf32, #tpu.memory_space<vmem>>, vector<32x128xf32>
      tpu.vector_store %arg3[%swap3A_734, %swap3A_735], %select_n3A_733 {strides = array<i32>} : memref<32x16384xf32, #tpu.memory_space<vmem>>, vector<32x128xf32>,
    } else {
    }
    %get3A_85 = arith.constant 8 : index
    %get3A_86 = memref.load %arg1[%get3A_85] : memref<64xi32, #tpu.memory_space<smem>>
    %sub3A_87 = arith.subi %get3A_86, %mul3A_0 : i32
    %ge3A_88 = arith.constant 0 : i32
    %ge3A_89 = arith.cmpi sge, %sub3A_87, %ge3A_88 : i32
    %lt3A_90 = arith.constant 16384 : i32
    %lt3A_91 = arith.cmpi slt, %sub3A_87, %lt3A_90 : i32
    %and3A_92 = arith.andi %ge3A_89, %lt3A_91 : i1
    %convert_element_type3A_93 = arith.extui %and3A_92 : i1 to i32
    %cond3A_94 = arith.constant 0 : i32
    %cond3A_95 = arith.cmpi ne, %convert_element_type3A_93, %cond3A_94 : i32
    scf.if %cond3A_95 {
      %jit3A = arith.constant 128 : i32
      %div3A = arith.divsi %sub3A_87, %jit3A : i32
      %sign3A = arith.constant 0 : i32
      %sign3A_701 = arith.cmpi sgt, %sub3A_87, %sign3A : i32
      %sign3A_702 = arith.extui %sign3A_701 : i1 to i32
      %sign3A_703 = arith.constant 0 : i32
      %sign3A_704 = arith.cmpi slt, %sub3A_87, %sign3A_703 : i32
      %sign3A_705 = arith.extui %sign3A_704 : i1 to i32
      %sign3A_706 = arith.subi %sign3A_702, %sign3A_705 : i32
      %sign3A_707 = arith.constant 0 : i32
      %sign3A_708 = arith.cmpi sgt, %jit3A, %sign3A_707 : i32
      %sign3A_709 = arith.extui %sign3A_708 : i1 to i32
      %sign3A_710 = arith.constant 0 : i32
      %sign3A_711 = arith.cmpi slt, %jit3A, %sign3A_710 : i32
      %sign3A_712 = arith.extui %sign3A_711 : i1 to i32
      %sign3A_713 = arith.subi %sign3A_709, %sign3A_712 : i32
      %ne3A = arith.cmpi ne, %sign3A_706, %sign3A_713 : i32
      %rem3A = arith.remsi %sub3A_87, %jit3A : i32
      %ne3A_714 = arith.constant 0 : i32
      %ne3A_715 = arith.cmpi ne, %rem3A, %ne3A_714 : i32
      %and3A_716 = arith.andi %ne3A, %ne3A_715 : i1
      %sub3A_717 = arith.constant 1 : i32
      %sub3A_718 = arith.subi %div3A, %sub3A_717 : i32
      %select_n3A = arith.select %and3A_716, %sub3A_718, %div3A : i32
      %mul3A_719 = arith.constant 128 : i32
      %mul3A_720 = arith.muli %select_n3A, %mul3A_719 : i32
      %multiple_of3A = tpu.assume_multiple %mul3A_720, 128 : i32
      %sub3A_721 = arith.subi %sub3A_87, %multiple_of3A : i32
      %eq3A = vector.broadcast %sub3A_721 : i32 to vector<1x128xi32>
      %eq3A_722 = arith.cmpi eq, %iota3A, %eq3A : vector<1x128xi32>
      %get3A_723 = arith.constant 0 : index
      %get3A_724 = arith.constant 8 : index
      %get3A_725 = vector.load %arg2[%get3A_723, %get3A_724] : memref<32x64xf32, #tpu.memory_space<vmem>>, vector<32x1xf32>
      %get3A_726 = arith.constant 0 : index
      %get3A_727 = arith.index_cast %multiple_of3A : i32 to index
      %get3A_728 = vector.load %arg3[%get3A_726, %get3A_727] : memref<32x16384xf32, #tpu.memory_space<vmem>>, vector<32x128xf32>
      %broadcast_in_dim3A_729 = vector.shape_cast %eq3A_722 : vector<1x128xi1> to vector<1x128xi1>
      %broadcast_in_dim3A_730 = vector.broadcast %broadcast_in_dim3A_729 : vector<1x128xi1> to vector<32x128xi1>
      %broadcast_in_dim3A_731 = vector.shape_cast %get3A_725 : vector<32x1xf32> to vector<32x1xf32>
      %broadcast_in_dim3A_732 = vector.broadcast %broadcast_in_dim3A_731 : vector<32x1xf32> to vector<32x128xf32>
      %select_n3A_733 = arith.select %broadcast_in_dim3A_730, %broadcast_in_dim3A_732, %get3A_728 : vector<32x128xi1>, vector<32x128xf32>
      %swap3A_734 = arith.constant 0 : index
      %swap3A_735 = arith.index_cast %multiple_of3A : i32 to index
      %swap3A_736 = vector.load %arg3[%swap3A_734, %swap3A_735] : memref<32x16384xf32, #tpu.memory_space<vmem>>, vector<32x128xf32>
      tpu.vector_store %arg3[%swap3A_734, %swap3A_735], %select_n3A_733 {strides = array<i32>} : memref<32x16384xf32, #tpu.memory_space<vmem>>, vector<32x128xf32>,
    } else {
    }
    %get3A_96 = arith.constant 9 : index
    %get3A_97 = memref.load %arg1[%get3A_96] : memref<64xi32, #tpu.memory_space<smem>>
    %sub3A_98 = arith.subi %get3A_97, %mul3A_0 : i32
    %ge3A_99 = arith.constant 0 : i32
    %ge3A_100 = arith.cmpi sge, %sub3A_98, %ge3A_99 : i32
    %lt3A_101 = arith.constant 16384 : i32
    %lt3A_102 = arith.cmpi slt, %sub3A_98, %lt3A_101 : i32
    %and3A_103 = arith.andi %ge3A_100, %lt3A_102 : i1
    %convert_element_type3A_104 = arith.extui %and3A_103 : i1 to i32
    %cond3A_105 = arith.constant 0 : i32
    %cond3A_106 = arith.cmpi ne, %convert_element_type3A_104, %cond3A_105 : i32
    scf.if %cond3A_106 {
      %jit3A = arith.constant 128 : i32
      %div3A = arith.divsi %sub3A_98, %jit3A : i32
      %sign3A = arith.constant 0 : i32
      %sign3A_701 = arith.cmpi sgt, %sub3A_98, %sign3A : i32
      %sign3A_702 = arith.extui %sign3A_701 : i1 to i32
      %sign3A_703 = arith.constant 0 : i32
      %sign3A_704 = arith.cmpi slt, %sub3A_98, %sign3A_703 : i32
      %sign3A_705 = arith.extui %sign3A_704 : i1 to i32
      %sign3A_706 = arith.subi %sign3A_702, %sign3A_705 : i32
      %sign3A_707 = arith.constant 0 : i32
      %sign3A_708 = arith.cmpi sgt, %jit3A, %sign3A_707 : i32
      %sign3A_709 = arith.extui %sign3A_708 : i1 to i32
      %sign3A_710 = arith.constant 0 : i32
      %sign3A_711 = arith.cmpi slt, %jit3A, %sign3A_710 : i32
      %sign3A_712 = arith.extui %sign3A_711 : i1 to i32
      %sign3A_713 = arith.subi %sign3A_709, %sign3A_712 : i32
      %ne3A = arith.cmpi ne, %sign3A_706, %sign3A_713 : i32
      %rem3A = arith.remsi %sub3A_98, %jit3A : i32
      %ne3A_714 = arith.constant 0 : i32
      %ne3A_715 = arith.cmpi ne, %rem3A, %ne3A_714 : i32
      %and3A_716 = arith.andi %ne3A, %ne3A_715 : i1
      %sub3A_717 = arith.constant 1 : i32
      %sub3A_718 = arith.subi %div3A, %sub3A_717 : i32
      %select_n3A = arith.select %and3A_716, %sub3A_718, %div3A : i32
      %mul3A_719 = arith.constant 128 : i32
      %mul3A_720 = arith.muli %select_n3A, %mul3A_719 : i32
      %multiple_of3A = tpu.assume_multiple %mul3A_720, 128 : i32
      %sub3A_721 = arith.subi %sub3A_98, %multiple_of3A : i32
      %eq3A = vector.broadcast %sub3A_721 : i32 to vector<1x128xi32>
      %eq3A_722 = arith.cmpi eq, %iota3A, %eq3A : vector<1x128xi32>
      %get3A_723 = arith.constant 0 : index
      %get3A_724 = arith.constant 9 : index
      %get3A_725 = vector.load %arg2[%get3A_723, %get3A_724] : memref<32x64xf32, #tpu.memory_space<vmem>>, vector<32x1xf32>
      %get3A_726 = arith.constant 0 : index
      %get3A_727 = arith.index_cast %multiple_of3A : i32 to index
      %get3A_728 = vector.load %arg3[%get3A_726, %get3A_727] : memref<32x16384xf32, #tpu.memory_space<vmem>>, vector<32x128xf32>
      %broadcast_in_dim3A_729 = vector.shape_cast %eq3A_722 : vector<1x128xi1> to vector<1x128xi1>
      %broadcast_in_dim3A_730 = vector.broadcast %broadcast_in_dim3A_729 : vector<1x128xi1> to vector<32x128xi1>
      %broadcast_in_dim3A_731 = vector.shape_cast %get3A_725 : vector<32x1xf32> to vector<32x1xf32>
      %broadcast_in_dim3A_732 = vector.broadcast %broadcast_in_dim3A_731 : vector<32x1xf32> to vector<32x128xf32>
      %select_n3A_733 = arith.select %broadcast_in_dim3A_730, %broadcast_in_dim3A_732, %get3A_728 : vector<32x128xi1>, vector<32x128xf32>
      %swap3A_734 = arith.constant 0 : index
      %swap3A_735 = arith.index_cast %multiple_of3A : i32 to index
      %swap3A_736 = vector.load %arg3[%swap3A_734, %swap3A_735] : memref<32x16384xf32, #tpu.memory_space<vmem>>, vector<32x128xf32>
      tpu.vector_store %arg3[%swap3A_734, %swap3A_735], %select_n3A_733 {strides = array<i32>} : memref<32x16384xf32, #tpu.memory_space<vmem>>, vector<32x128xf32>,
    } else {
    }
    %get3A_107 = arith.constant 10 : index
    %get3A_108 = memref.load %arg1[%get3A_107] : memref<64xi32, #tpu.memory_space<smem>>
    %sub3A_109 = arith.subi %get3A_108, %mul3A_0 : i32
    %ge3A_110 = arith.constant 0 : i32
    %ge3A_111 = arith.cmpi sge, %sub3A_109, %ge3A_110 : i32
    %lt3A_112 = arith.constant 16384 : i32
    %lt3A_113 = arith.cmpi slt, %sub3A_109, %lt3A_112 : i32
    %and3A_114 = arith.andi %ge3A_111, %lt3A_113 : i1
    %convert_element_type3A_115 = arith.extui %and3A_114 : i1 to i32
    %cond3A_116 = arith.constant 0 : i32
    %cond3A_117 = arith.cmpi ne, %convert_element_type3A_115, %cond3A_116 : i32
    scf.if %cond3A_117 {
      %jit3A = arith.constant 128 : i32
      %div3A = arith.divsi %sub3A_109, %jit3A : i32
      %sign3A = arith.constant 0 : i32
      %sign3A_701 = arith.cmpi sgt, %sub3A_109, %sign3A : i32
      %sign3A_702 = arith.extui %sign3A_701 : i1 to i32
      %sign3A_703 = arith.constant 0 : i32
      %sign3A_704 = arith.cmpi slt, %sub3A_109, %sign3A_703 : i32
      %sign3A_705 = arith.extui %sign3A_704 : i1 to i32
      %sign3A_706 = arith.subi %sign3A_702, %sign3A_705 : i32
      %sign3A_707 = arith.constant 0 : i32
      %sign3A_708 = arith.cmpi sgt, %jit3A, %sign3A_707 : i32
      %sign3A_709 = arith.extui %sign3A_708 : i1 to i32
      %sign3A_710 = arith.constant 0 : i32
      %sign3A_711 = arith.cmpi slt, %jit3A, %sign3A_710 : i32
      %sign3A_712 = arith.extui %sign3A_711 : i1 to i32
      %sign3A_713 = arith.subi %sign3A_709, %sign3A_712 : i32
      %ne3A = arith.cmpi ne, %sign3A_706, %sign3A_713 : i32
      %rem3A = arith.remsi %sub3A_109, %jit3A : i32
      %ne3A_714 = arith.constant 0 : i32
      %ne3A_715 = arith.cmpi ne, %rem3A, %ne3A_714 : i32
      %and3A_716 = arith.andi %ne3A, %ne3A_715 : i1
      %sub3A_717 = arith.constant 1 : i32
      %sub3A_718 = arith.subi %div3A, %sub3A_717 : i32
      %select_n3A = arith.select %and3A_716, %sub3A_718, %div3A : i32
      %mul3A_719 = arith.constant 128 : i32
      %mul3A_720 = arith.muli %select_n3A, %mul3A_719 : i32
      %multiple_of3A = tpu.assume_multiple %mul3A_720, 128 : i32
      %sub3A_721 = arith.subi %sub3A_109, %multiple_of3A : i32
      %eq3A = vector.broadcast %sub3A_721 : i32 to vector<1x128xi32>
      %eq3A_722 = arith.cmpi eq, %iota3A, %eq3A : vector<1x128xi32>
      %get3A_723 = arith.constant 0 : index
      %get3A_724 = arith.constant 10 : index
      %get3A_725 = vector.load %arg2[%get3A_723, %get3A_724] : memref<32x64xf32, #tpu.memory_space<vmem>>, vector<32x1xf32>
      %get3A_726 = arith.constant 0 : index
      %get3A_727 = arith.index_cast %multiple_of3A : i32 to index
      %get3A_728 = vector.load %arg3[%get3A_726, %get3A_727] : memref<32x16384xf32, #tpu.memory_space<vmem>>, vector<32x128xf32>
      %broadcast_in_dim3A_729 = vector.shape_cast %eq3A_722 : vector<1x128xi1> to vector<1x128xi1>
      %broadcast_in_dim3A_730 = vector.broadcast %broadcast_in_dim3A_729 : vector<1x128xi1> to vector<32x128xi1>
      %broadcast_in_dim3A_731 = vector.shape_cast %get3A_725 : vector<32x1xf32> to vector<32x1xf32>
      %broadcast_in_dim3A_732 = vector.broadcast %broadcast_in_dim3A_731 : vector<32x1xf32> to vector<32x128xf32>
      %select_n3A_733 = arith.select %broadcast_in_dim3A_730, %broadcast_in_dim3A_732, %get3A_728 : vector<32x128xi1>, vector<32x128xf32>
      %swap3A_734 = arith.constant 0 : index
      %swap3A_735 = arith.index_cast %multiple_of3A : i32 to index
      %swap3A_736 = vector.load %arg3[%swap3A_734, %swap3A_735] : memref<32x16384xf32, #tpu.memory_space<vmem>>, vector<32x128xf32>
      tpu.vector_store %arg3[%swap3A_734, %swap3A_735], %select_n3A_733 {strides = array<i32>} : memref<32x16384xf32, #tpu.memory_space<vmem>>, vector<32x128xf32>,
    } else {
    }
    %get3A_118 = arith.constant 11 : index
    %get3A_119 = memref.load %arg1[%get3A_118] : memref<64xi32, #tpu.memory_space<smem>>
    %sub3A_120 = arith.subi %get3A_119, %mul3A_0 : i32
    %ge3A_121 = arith.constant 0 : i32
    %ge3A_122 = arith.cmpi sge, %sub3A_120, %ge3A_121 : i32
    %lt3A_123 = arith.constant 16384 : i32
    %lt3A_124 = arith.cmpi slt, %sub3A_120, %lt3A_123 : i32
    %and3A_125 = arith.andi %ge3A_122, %lt3A_124 : i1
    %convert_element_type3A_126 = arith.extui %and3A_125 : i1 to i32
    %cond3A_127 = arith.constant 0 : i32
    %cond3A_128 = arith.cmpi ne, %convert_element_type3A_126, %cond3A_127 : i32
    scf.if %cond3A_128 {
      %jit3A = arith.constant 128 : i32
      %div3A = arith.divsi %sub3A_120, %jit3A : i32
      %sign3A = arith.constant 0 : i32
      %sign3A_701 = arith.cmpi sgt, %sub3A_120, %sign3A : i32
      %sign3A_702 = arith.extui %sign3A_701 : i1 to i32
      %sign3A_703 = arith.constant 0 : i32
      %sign3A_704 = arith.cmpi slt, %sub3A_120, %sign3A_703 : i32
      %sign3A_705 = arith.extui %sign3A_704 : i1 to i32
      %sign3A_706 = arith.subi %sign3A_702, %sign3A_705 : i32
      %sign3A_707 = arith.constant 0 : i32
      %sign3A_708 = arith.cmpi sgt, %jit3A, %sign3A_707 : i32
      %sign3A_709 = arith.extui %sign3A_708 : i1 to i32
      %sign3A_710 = arith.constant 0 : i32
      %sign3A_711 = arith.cmpi slt, %jit3A, %sign3A_710 : i32
      %sign3A_712 = arith.extui %sign3A_711 : i1 to i32
      %sign3A_713 = arith.subi %sign3A_709, %sign3A_712 : i32
      %ne3A = arith.cmpi ne, %sign3A_706, %sign3A_713 : i32
      %rem3A = arith.remsi %sub3A_120, %jit3A : i32
      %ne3A_714 = arith.constant 0 : i32
      %ne3A_715 = arith.cmpi ne, %rem3A, %ne3A_714 : i32
      %and3A_716 = arith.andi %ne3A, %ne3A_715 : i1
      %sub3A_717 = arith.constant 1 : i32
      %sub3A_718 = arith.subi %div3A, %sub3A_717 : i32
      %select_n3A = arith.select %and3A_716, %sub3A_718, %div3A : i32
      %mul3A_719 = arith.constant 128 : i32
      %mul3A_720 = arith.muli %select_n3A, %mul3A_719 : i32
      %multiple_of3A = tpu.assume_multiple %mul3A_720, 128 : i32
      %sub3A_721 = arith.subi %sub3A_120, %multiple_of3A : i32
      %eq3A = vector.broadcast %sub3A_721 : i32 to vector<1x128xi32>
      %eq3A_722 = arith.cmpi eq, %iota3A, %eq3A : vector<1x128xi32>
      %get3A_723 = arith.constant 0 : index
      %get3A_724 = arith.constant 11 : index
      %get3A_725 = vector.load %arg2[%get3A_723, %get3A_724] : memref<32x64xf32, #tpu.memory_space<vmem>>, vector<32x1xf32>
      %get3A_726 = arith.constant 0 : index
      %get3A_727 = arith.index_cast %multiple_of3A : i32 to index
      %get3A_728 = vector.load %arg3[%get3A_726, %get3A_727] : memref<32x16384xf32, #tpu.memory_space<vmem>>, vector<32x128xf32>
      %broadcast_in_dim3A_729 = vector.shape_cast %eq3A_722 : vector<1x128xi1> to vector<1x128xi1>
      %broadcast_in_dim3A_730 = vector.broadcast %broadcast_in_dim3A_729 : vector<1x128xi1> to vector<32x128xi1>
      %broadcast_in_dim3A_731 = vector.shape_cast %get3A_725 : vector<32x1xf32> to vector<32x1xf32>
      %broadcast_in_dim3A_732 = vector.broadcast %broadcast_in_dim3A_731 : vector<32x1xf32> to vector<32x128xf32>
      %select_n3A_733 = arith.select %broadcast_in_dim3A_730, %broadcast_in_dim3A_732, %get3A_728 : vector<32x128xi1>, vector<32x128xf32>
      %swap3A_734 = arith.constant 0 : index
      %swap3A_735 = arith.index_cast %multiple_of3A : i32 to index
      %swap3A_736 = vector.load %arg3[%swap3A_734, %swap3A_735] : memref<32x16384xf32, #tpu.memory_space<vmem>>, vector<32x128xf32>
      tpu.vector_store %arg3[%swap3A_734, %swap3A_735], %select_n3A_733 {strides = array<i32>} : memref<32x16384xf32, #tpu.memory_space<vmem>>, vector<32x128xf32>,
    } else {
    }
    %get3A_129 = arith.constant 12 : index
    %get3A_130 = memref.load %arg1[%get3A_129] : memref<64xi32, #tpu.memory_space<smem>>
    %sub3A_131 = arith.subi %get3A_130, %mul3A_0 : i32
    %ge3A_132 = arith.constant 0 : i32
    %ge3A_133 = arith.cmpi sge, %sub3A_131, %ge3A_132 : i32
    %lt3A_134 = arith.constant 16384 : i32
    %lt3A_135 = arith.cmpi slt, %sub3A_131, %lt3A_134 : i32
    %and3A_136 = arith.andi %ge3A_133, %lt3A_135 : i1
    %convert_element_type3A_137 = arith.extui %and3A_136 : i1 to i32
    %cond3A_138 = arith.constant 0 : i32
    %cond3A_139 = arith.cmpi ne, %convert_element_type3A_137, %cond3A_138 : i32
    scf.if %cond3A_139 {
      %jit3A = arith.constant 128 : i32
      %div3A = arith.divsi %sub3A_131, %jit3A : i32
      %sign3A = arith.constant 0 : i32
      %sign3A_701 = arith.cmpi sgt, %sub3A_131, %sign3A : i32
      %sign3A_702 = arith.extui %sign3A_701 : i1 to i32
      %sign3A_703 = arith.constant 0 : i32
      %sign3A_704 = arith.cmpi slt, %sub3A_131, %sign3A_703 : i32
      %sign3A_705 = arith.extui %sign3A_704 : i1 to i32
      %sign3A_706 = arith.subi %sign3A_702, %sign3A_705 : i32
      %sign3A_707 = arith.constant 0 : i32
      %sign3A_708 = arith.cmpi sgt, %jit3A, %sign3A_707 : i32
      %sign3A_709 = arith.extui %sign3A_708 : i1 to i32
      %sign3A_710 = arith.constant 0 : i32
      %sign3A_711 = arith.cmpi slt, %jit3A, %sign3A_710 : i32
      %sign3A_712 = arith.extui %sign3A_711 : i1 to i32
      %sign3A_713 = arith.subi %sign3A_709, %sign3A_712 : i32
      %ne3A = arith.cmpi ne, %sign3A_706, %sign3A_713 : i32
      %rem3A = arith.remsi %sub3A_131, %jit3A : i32
      %ne3A_714 = arith.constant 0 : i32
      %ne3A_715 = arith.cmpi ne, %rem3A, %ne3A_714 : i32
      %and3A_716 = arith.andi %ne3A, %ne3A_715 : i1
      %sub3A_717 = arith.constant 1 : i32
      %sub3A_718 = arith.subi %div3A, %sub3A_717 : i32
      %select_n3A = arith.select %and3A_716, %sub3A_718, %div3A : i32
      %mul3A_719 = arith.constant 128 : i32
      %mul3A_720 = arith.muli %select_n3A, %mul3A_719 : i32
      %multiple_of3A = tpu.assume_multiple %mul3A_720, 128 : i32
      %sub3A_721 = arith.subi %sub3A_131, %multiple_of3A : i32
      %eq3A = vector.broadcast %sub3A_721 : i32 to vector<1x128xi32>
      %eq3A_722 = arith.cmpi eq, %iota3A, %eq3A : vector<1x128xi32>
      %get3A_723 = arith.constant 0 : index
      %get3A_724 = arith.constant 12 : index
      %get3A_725 = vector.load %arg2[%get3A_723, %get3A_724] : memref<32x64xf32, #tpu.memory_space<vmem>>, vector<32x1xf32>
      %get3A_726 = arith.constant 0 : index
      %get3A_727 = arith.index_cast %multiple_of3A : i32 to index
      %get3A_728 = vector.load %arg3[%get3A_726, %get3A_727] : memref<32x16384xf32, #tpu.memory_space<vmem>>, vector<32x128xf32>
      %broadcast_in_dim3A_729 = vector.shape_cast %eq3A_722 : vector<1x128xi1> to vector<1x128xi1>
      %broadcast_in_dim3A_730 = vector.broadcast %broadcast_in_dim3A_729 : vector<1x128xi1> to vector<32x128xi1>
      %broadcast_in_dim3A_731 = vector.shape_cast %get3A_725 : vector<32x1xf32> to vector<32x1xf32>
      %broadcast_in_dim3A_732 = vector.broadcast %broadcast_in_dim3A_731 : vector<32x1xf32> to vector<32x128xf32>
      %select_n3A_733 = arith.select %broadcast_in_dim3A_730, %broadcast_in_dim3A_732, %get3A_728 : vector<32x128xi1>, vector<32x128xf32>
      %swap3A_734 = arith.constant 0 : index
      %swap3A_735 = arith.index_cast %multiple_of3A : i32 to index
      %swap3A_736 = vector.load %arg3[%swap3A_734, %swap3A_735] : memref<32x16384xf32, #tpu.memory_space<vmem>>, vector<32x128xf32>
      tpu.vector_store %arg3[%swap3A_734, %swap3A_735], %select_n3A_733 {strides = array<i32>} : memref<32x16384xf32, #tpu.memory_space<vmem>>, vector<32x128xf32>,
    } else {
    }
    %get3A_140 = arith.constant 13 : index
    %get3A_141 = memref.load %arg1[%get3A_140] : memref<64xi32, #tpu.memory_space<smem>>
    %sub3A_142 = arith.subi %get3A_141, %mul3A_0 : i32
    %ge3A_143 = arith.constant 0 : i32
    %ge3A_144 = arith.cmpi sge, %sub3A_142, %ge3A_143 : i32
    %lt3A_145 = arith.constant 16384 : i32
    %lt3A_146 = arith.cmpi slt, %sub3A_142, %lt3A_145 : i32
    %and3A_147 = arith.andi %ge3A_144, %lt3A_146 : i1
    %convert_element_type3A_148 = arith.extui %and3A_147 : i1 to i32
    %cond3A_149 = arith.constant 0 : i32
    %cond3A_150 = arith.cmpi ne, %convert_element_type3A_148, %cond3A_149 : i32
    scf.if %cond3A_150 {
      %jit3A = arith.constant 128 : i32
      %div3A = arith.divsi %sub3A_142, %jit3A : i32
      %sign3A = arith.constant 0 : i32
      %sign3A_701 = arith.cmpi sgt, %sub3A_142, %sign3A : i32
      %sign3A_702 = arith.extui %sign3A_701 : i1 to i32
      %sign3A_703 = arith.constant 0 : i32
      %sign3A_704 = arith.cmpi slt, %sub3A_142, %sign3A_703 : i32
      %sign3A_705 = arith.extui %sign3A_704 : i1 to i32
      %sign3A_706 = arith.subi %sign3A_702, %sign3A_705 : i32
      %sign3A_707 = arith.constant 0 : i32
      %sign3A_708 = arith.cmpi sgt, %jit3A, %sign3A_707 : i32
      %sign3A_709 = arith.extui %sign3A_708 : i1 to i32
      %sign3A_710 = arith.constant 0 : i32
      %sign3A_711 = arith.cmpi slt, %jit3A, %sign3A_710 : i32
      %sign3A_712 = arith.extui %sign3A_711 : i1 to i32
      %sign3A_713 = arith.subi %sign3A_709, %sign3A_712 : i32
      %ne3A = arith.cmpi ne, %sign3A_706, %sign3A_713 : i32
      %rem3A = arith.remsi %sub3A_142, %jit3A : i32
      %ne3A_714 = arith.constant 0 : i32
      %ne3A_715 = arith.cmpi ne, %rem3A, %ne3A_714 : i32
      %and3A_716 = arith.andi %ne3A, %ne3A_715 : i1
      %sub3A_717 = arith.constant 1 : i32
      %sub3A_718 = arith.subi %div3A, %sub3A_717 : i32
      %select_n3A = arith.select %and3A_716, %sub3A_718, %div3A : i32
      %mul3A_719 = arith.constant 128 : i32
      %mul3A_720 = arith.muli %select_n3A, %mul3A_719 : i32
      %multiple_of3A = tpu.assume_multiple %mul3A_720, 128 : i32
      %sub3A_721 = arith.subi %sub3A_142, %multiple_of3A : i32
      %eq3A = vector.broadcast %sub3A_721 : i32 to vector<1x128xi32>
      %eq3A_722 = arith.cmpi eq, %iota3A, %eq3A : vector<1x128xi32>
      %get3A_723 = arith.constant 0 : index
      %get3A_724 = arith.constant 13 : index
      %get3A_725 = vector.load %arg2[%get3A_723, %get3A_724] : memref<32x64xf32, #tpu.memory_space<vmem>>, vector<32x1xf32>
      %get3A_726 = arith.constant 0 : index
      %get3A_727 = arith.index_cast %multiple_of3A : i32 to index
      %get3A_728 = vector.load %arg3[%get3A_726, %get3A_727] : memref<32x16384xf32, #tpu.memory_space<vmem>>, vector<32x128xf32>
      %broadcast_in_dim3A_729 = vector.shape_cast %eq3A_722 : vector<1x128xi1> to vector<1x128xi1>
      %broadcast_in_dim3A_730 = vector.broadcast %broadcast_in_dim3A_729 : vector<1x128xi1> to vector<32x128xi1>
      %broadcast_in_dim3A_731 = vector.shape_cast %get3A_725 : vector<32x1xf32> to vector<32x1xf32>
      %broadcast_in_dim3A_732 = vector.broadcast %broadcast_in_dim3A_731 : vector<32x1xf32> to vector<32x128xf32>
      %select_n3A_733 = arith.select %broadcast_in_dim3A_730, %broadcast_in_dim3A_732, %get3A_728 : vector<32x128xi1>, vector<32x128xf32>
      %swap3A_734 = arith.constant 0 : index
      %swap3A_735 = arith.index_cast %multiple_of3A : i32 to index
      %swap3A_736 = vector.load %arg3[%swap3A_734, %swap3A_735] : memref<32x16384xf32, #tpu.memory_space<vmem>>, vector<32x128xf32>
      tpu.vector_store %arg3[%swap3A_734, %swap3A_735], %select_n3A_733 {strides = array<i32>} : memref<32x16384xf32, #tpu.memory_space<vmem>>, vector<32x128xf32>,
    } else {
    }
    %get3A_151 = arith.constant 14 : index
    %get3A_152 = memref.load %arg1[%get3A_151] : memref<64xi32, #tpu.memory_space<smem>>
    %sub3A_153 = arith.subi %get3A_152, %mul3A_0 : i32
    %ge3A_154 = arith.constant 0 : i32
    %ge3A_155 = arith.cmpi sge, %sub3A_153, %ge3A_154 : i32
    %lt3A_156 = arith.constant 16384 : i32
    %lt3A_157 = arith.cmpi slt, %sub3A_153, %lt3A_156 : i32
    %and3A_158 = arith.andi %ge3A_155, %lt3A_157 : i1
    %convert_element_type3A_159 = arith.extui %and3A_158 : i1 to i32
    %cond3A_160 = arith.constant 0 : i32
    %cond3A_161 = arith.cmpi ne, %convert_element_type3A_159, %cond3A_160 : i32
    scf.if %cond3A_161 {
      %jit3A = arith.constant 128 : i32
      %div3A = arith.divsi %sub3A_153, %jit3A : i32
      %sign3A = arith.constant 0 : i32
      %sign3A_701 = arith.cmpi sgt, %sub3A_153, %sign3A : i32
      %sign3A_702 = arith.extui %sign3A_701 : i1 to i32
      %sign3A_703 = arith.constant 0 : i32
      %sign3A_704 = arith.cmpi slt, %sub3A_153, %sign3A_703 : i32
      %sign3A_705 = arith.extui %sign3A_704 : i1 to i32
      %sign3A_706 = arith.subi %sign3A_702, %sign3A_705 : i32
      %sign3A_707 = arith.constant 0 : i32
      %sign3A_708 = arith.cmpi sgt, %jit3A, %sign3A_707 : i32
      %sign3A_709 = arith.extui %sign3A_708 : i1 to i32
      %sign3A_710 = arith.constant 0 : i32
      %sign3A_711 = arith.cmpi slt, %jit3A, %sign3A_710 : i32
      %sign3A_712 = arith.extui %sign3A_711 : i1 to i32
      %sign3A_713 = arith.subi %sign3A_709, %sign3A_712 : i32
      %ne3A = arith.cmpi ne, %sign3A_706, %sign3A_713 : i32
      %rem3A = arith.remsi %sub3A_153, %jit3A : i32
      %ne3A_714 = arith.constant 0 : i32
      %ne3A_715 = arith.cmpi ne, %rem3A, %ne3A_714 : i32
      %and3A_716 = arith.andi %ne3A, %ne3A_715 : i1
      %sub3A_717 = arith.constant 1 : i32
      %sub3A_718 = arith.subi %div3A, %sub3A_717 : i32
      %select_n3A = arith.select %and3A_716, %sub3A_718, %div3A : i32
      %mul3A_719 = arith.constant 128 : i32
      %mul3A_720 = arith.muli %select_n3A, %mul3A_719 : i32
      %multiple_of3A = tpu.assume_multiple %mul3A_720, 128 : i32
      %sub3A_721 = arith.subi %sub3A_153, %multiple_of3A : i32
      %eq3A = vector.broadcast %sub3A_721 : i32 to vector<1x128xi32>
      %eq3A_722 = arith.cmpi eq, %iota3A, %eq3A : vector<1x128xi32>
      %get3A_723 = arith.constant 0 : index
      %get3A_724 = arith.constant 14 : index
      %get3A_725 = vector.load %arg2[%get3A_723, %get3A_724] : memref<32x64xf32, #tpu.memory_space<vmem>>, vector<32x1xf32>
      %get3A_726 = arith.constant 0 : index
      %get3A_727 = arith.index_cast %multiple_of3A : i32 to index
      %get3A_728 = vector.load %arg3[%get3A_726, %get3A_727] : memref<32x16384xf32, #tpu.memory_space<vmem>>, vector<32x128xf32>
      %broadcast_in_dim3A_729 = vector.shape_cast %eq3A_722 : vector<1x128xi1> to vector<1x128xi1>
      %broadcast_in_dim3A_730 = vector.broadcast %broadcast_in_dim3A_729 : vector<1x128xi1> to vector<32x128xi1>
      %broadcast_in_dim3A_731 = vector.shape_cast %get3A_725 : vector<32x1xf32> to vector<32x1xf32>
      %broadcast_in_dim3A_732 = vector.broadcast %broadcast_in_dim3A_731 : vector<32x1xf32> to vector<32x128xf32>
      %select_n3A_733 = arith.select %broadcast_in_dim3A_730, %broadcast_in_dim3A_732, %get3A_728 : vector<32x128xi1>, vector<32x128xf32>
      %swap3A_734 = arith.constant 0 : index
      %swap3A_735 = arith.index_cast %multiple_of3A : i32 to index
      %swap3A_736 = vector.load %arg3[%swap3A_734, %swap3A_735] : memref<32x16384xf32, #tpu.memory_space<vmem>>, vector<32x128xf32>
      tpu.vector_store %arg3[%swap3A_734, %swap3A_735], %select_n3A_733 {strides = array<i32>} : memref<32x16384xf32, #tpu.memory_space<vmem>>, vector<32x128xf32>,
    } else {
    }
    %get3A_162 = arith.constant 15 : index
    %get3A_163 = memref.load %arg1[%get3A_162] : memref<64xi32, #tpu.memory_space<smem>>
    %sub3A_164 = arith.subi %get3A_163, %mul3A_0 : i32
    %ge3A_165 = arith.constant 0 : i32
    %ge3A_166 = arith.cmpi sge, %sub3A_164, %ge3A_165 : i32
    %lt3A_167 = arith.constant 16384 : i32
    %lt3A_168 = arith.cmpi slt, %sub3A_164, %lt3A_167 : i32
    %and3A_169 = arith.andi %ge3A_166, %lt3A_168 : i1
    %convert_element_type3A_170 = arith.extui %and3A_169 : i1 to i32
    %cond3A_171 = arith.constant 0 : i32
    %cond3A_172 = arith.cmpi ne, %convert_element_type3A_170, %cond3A_171 : i32
    scf.if %cond3A_172 {
      %jit3A = arith.constant 128 : i32
      %div3A = arith.divsi %sub3A_164, %jit3A : i32
      %sign3A = arith.constant 0 : i32
      %sign3A_701 = arith.cmpi sgt, %sub3A_164, %sign3A : i32
      %sign3A_702 = arith.extui %sign3A_701 : i1 to i32
      %sign3A_703 = arith.constant 0 : i32
      %sign3A_704 = arith.cmpi slt, %sub3A_164, %sign3A_703 : i32
      %sign3A_705 = arith.extui %sign3A_704 : i1 to i32
      %sign3A_706 = arith.subi %sign3A_702, %sign3A_705 : i32
      %sign3A_707 = arith.constant 0 : i32
      %sign3A_708 = arith.cmpi sgt, %jit3A, %sign3A_707 : i32
      %sign3A_709 = arith.extui %sign3A_708 : i1 to i32
      %sign3A_710 = arith.constant 0 : i32
      %sign3A_711 = arith.cmpi slt, %jit3A, %sign3A_710 : i32
      %sign3A_712 = arith.extui %sign3A_711 : i1 to i32
      %sign3A_713 = arith.subi %sign3A_709, %sign3A_712 : i32
      %ne3A = arith.cmpi ne, %sign3A_706, %sign3A_713 : i32
      %rem3A = arith.remsi %sub3A_164, %jit3A : i32
      %ne3A_714 = arith.constant 0 : i32
      %ne3A_715 = arith.cmpi ne, %rem3A, %ne3A_714 : i32
      %and3A_716 = arith.andi %ne3A, %ne3A_715 : i1
      %sub3A_717 = arith.constant 1 : i32
      %sub3A_718 = arith.subi %div3A, %sub3A_717 : i32
      %select_n3A = arith.select %and3A_716, %sub3A_718, %div3A : i32
      %mul3A_719 = arith.constant 128 : i32
      %mul3A_720 = arith.muli %select_n3A, %mul3A_719 : i32
      %multiple_of3A = tpu.assume_multiple %mul3A_720, 128 : i32
      %sub3A_721 = arith.subi %sub3A_164, %multiple_of3A : i32
      %eq3A = vector.broadcast %sub3A_721 : i32 to vector<1x128xi32>
      %eq3A_722 = arith.cmpi eq, %iota3A, %eq3A : vector<1x128xi32>
      %get3A_723 = arith.constant 0 : index
      %get3A_724 = arith.constant 15 : index
      %get3A_725 = vector.load %arg2[%get3A_723, %get3A_724] : memref<32x64xf32, #tpu.memory_space<vmem>>, vector<32x1xf32>
      %get3A_726 = arith.constant 0 : index
      %get3A_727 = arith.index_cast %multiple_of3A : i32 to index
      %get3A_728 = vector.load %arg3[%get3A_726, %get3A_727] : memref<32x16384xf32, #tpu.memory_space<vmem>>, vector<32x128xf32>
      %broadcast_in_dim3A_729 = vector.shape_cast %eq3A_722 : vector<1x128xi1> to vector<1x128xi1>
      %broadcast_in_dim3A_730 = vector.broadcast %broadcast_in_dim3A_729 : vector<1x128xi1> to vector<32x128xi1>
      %broadcast_in_dim3A_731 = vector.shape_cast %get3A_725 : vector<32x1xf32> to vector<32x1xf32>
      %broadcast_in_dim3A_732 = vector.broadcast %broadcast_in_dim3A_731 : vector<32x1xf32> to vector<32x128xf32>
      %select_n3A_733 = arith.select %broadcast_in_dim3A_730, %broadcast_in_dim3A_732, %get3A_728 : vector<32x128xi1>, vector<32x128xf32>
      %swap3A_734 = arith.constant 0 : index
      %swap3A_735 = arith.index_cast %multiple_of3A : i32 to index
      %swap3A_736 = vector.load %arg3[%swap3A_734, %swap3A_735] : memref<32x16384xf32, #tpu.memory_space<vmem>>, vector<32x128xf32>
      tpu.vector_store %arg3[%swap3A_734, %swap3A_735], %select_n3A_733 {strides = array<i32>} : memref<32x16384xf32, #tpu.memory_space<vmem>>, vector<32x128xf32>,
    } else {
    }
    %get3A_173 = arith.constant 16 : index
    %get3A_174 = memref.load %arg1[%get3A_173] : memref<64xi32, #tpu.memory_space<smem>>
    %sub3A_175 = arith.subi %get3A_174, %mul3A_0 : i32
    %ge3A_176 = arith.constant 0 : i32
    %ge3A_177 = arith.cmpi sge, %sub3A_175, %ge3A_176 : i32
    %lt3A_178 = arith.constant 16384 : i32
    %lt3A_179 = arith.cmpi slt, %sub3A_175, %lt3A_178 : i32
    %and3A_180 = arith.andi %ge3A_177, %lt3A_179 : i1
    %convert_element_type3A_181 = arith.extui %and3A_180 : i1 to i32
    %cond3A_182 = arith.constant 0 : i32
    %cond3A_183 = arith.cmpi ne, %convert_element_type3A_181, %cond3A_182 : i32
    scf.if %cond3A_183 {
      %jit3A = arith.constant 128 : i32
      %div3A = arith.divsi %sub3A_175, %jit3A : i32
      %sign3A = arith.constant 0 : i32
      %sign3A_701 = arith.cmpi sgt, %sub3A_175, %sign3A : i32
      %sign3A_702 = arith.extui %sign3A_701 : i1 to i32
      %sign3A_703 = arith.constant 0 : i32
      %sign3A_704 = arith.cmpi slt, %sub3A_175, %sign3A_703 : i32
      %sign3A_705 = arith.extui %sign3A_704 : i1 to i32
      %sign3A_706 = arith.subi %sign3A_702, %sign3A_705 : i32
      %sign3A_707 = arith.constant 0 : i32
      %sign3A_708 = arith.cmpi sgt, %jit3A, %sign3A_707 : i32
      %sign3A_709 = arith.extui %sign3A_708 : i1 to i32
      %sign3A_710 = arith.constant 0 : i32
      %sign3A_711 = arith.cmpi slt, %jit3A, %sign3A_710 : i32
      %sign3A_712 = arith.extui %sign3A_711 : i1 to i32
      %sign3A_713 = arith.subi %sign3A_709, %sign3A_712 : i32
      %ne3A = arith.cmpi ne, %sign3A_706, %sign3A_713 : i32
      %rem3A = arith.remsi %sub3A_175, %jit3A : i32
      %ne3A_714 = arith.constant 0 : i32
      %ne3A_715 = arith.cmpi ne, %rem3A, %ne3A_714 : i32
      %and3A_716 = arith.andi %ne3A, %ne3A_715 : i1
      %sub3A_717 = arith.constant 1 : i32
      %sub3A_718 = arith.subi %div3A, %sub3A_717 : i32
      %select_n3A = arith.select %and3A_716, %sub3A_718, %div3A : i32
      %mul3A_719 = arith.constant 128 : i32
      %mul3A_720 = arith.muli %select_n3A, %mul3A_719 : i32
      %multiple_of3A = tpu.assume_multiple %mul3A_720, 128 : i32
      %sub3A_721 = arith.subi %sub3A_175, %multiple_of3A : i32
      %eq3A = vector.broadcast %sub3A_721 : i32 to vector<1x128xi32>
      %eq3A_722 = arith.cmpi eq, %iota3A, %eq3A : vector<1x128xi32>
      %get3A_723 = arith.constant 0 : index
      %get3A_724 = arith.constant 16 : index
      %get3A_725 = vector.load %arg2[%get3A_723, %get3A_724] : memref<32x64xf32, #tpu.memory_space<vmem>>, vector<32x1xf32>
      %get3A_726 = arith.constant 0 : index
      %get3A_727 = arith.index_cast %multiple_of3A : i32 to index
      %get3A_728 = vector.load %arg3[%get3A_726, %get3A_727] : memref<32x16384xf32, #tpu.memory_space<vmem>>, vector<32x128xf32>
      %broadcast_in_dim3A_729 = vector.shape_cast %eq3A_722 : vector<1x128xi1> to vector<1x128xi1>
      %broadcast_in_dim3A_730 = vector.broadcast %broadcast_in_dim3A_729 : vector<1x128xi1> to vector<32x128xi1>
      %broadcast_in_dim3A_731 = vector.shape_cast %get3A_725 : vector<32x1xf32> to vector<32x1xf32>
      %broadcast_in_dim3A_732 = vector.broadcast %broadcast_in_dim3A_731 : vector<32x1xf32> to vector<32x128xf32>
      %select_n3A_733 = arith.select %broadcast_in_dim3A_730, %broadcast_in_dim3A_732, %get3A_728 : vector<32x128xi1>, vector<32x128xf32>
      %swap3A_734 = arith.constant 0 : index
      %swap3A_735 = arith.index_cast %multiple_of3A : i32 to index
      %swap3A_736 = vector.load %arg3[%swap3A_734, %swap3A_735] : memref<32x16384xf32, #tpu.memory_space<vmem>>, vector<32x128xf32>
      tpu.vector_store %arg3[%swap3A_734, %swap3A_735], %select_n3A_733 {strides = array<i32>} : memref<32x16384xf32, #tpu.memory_space<vmem>>, vector<32x128xf32>,
    } else {
    }
    %get3A_184 = arith.constant 17 : index
    %get3A_185 = memref.load %arg1[%get3A_184] : memref<64xi32, #tpu.memory_space<smem>>
    %sub3A_186 = arith.subi %get3A_185, %mul3A_0 : i32
    %ge3A_187 = arith.constant 0 : i32
    %ge3A_188 = arith.cmpi sge, %sub3A_186, %ge3A_187 : i32
    %lt3A_189 = arith.constant 16384 : i32
    %lt3A_190 = arith.cmpi slt, %sub3A_186, %lt3A_189 : i32
    %and3A_191 = arith.andi %ge3A_188, %lt3A_190 : i1
    %convert_element_type3A_192 = arith.extui %and3A_191 : i1 to i32
    %cond3A_193 = arith.constant 0 : i32
    %cond3A_194 = arith.cmpi ne, %convert_element_type3A_192, %cond3A_193 : i32
    scf.if %cond3A_194 {
      %jit3A = arith.constant 128 : i32
      %div3A = arith.divsi %sub3A_186, %jit3A : i32
      %sign3A = arith.constant 0 : i32
      %sign3A_701 = arith.cmpi sgt, %sub3A_186, %sign3A : i32
      %sign3A_702 = arith.extui %sign3A_701 : i1 to i32
      %sign3A_703 = arith.constant 0 : i32
      %sign3A_704 = arith.cmpi slt, %sub3A_186, %sign3A_703 : i32
      %sign3A_705 = arith.extui %sign3A_704 : i1 to i32
      %sign3A_706 = arith.subi %sign3A_702, %sign3A_705 : i32
      %sign3A_707 = arith.constant 0 : i32
      %sign3A_708 = arith.cmpi sgt, %jit3A, %sign3A_707 : i32
      %sign3A_709 = arith.extui %sign3A_708 : i1 to i32
      %sign3A_710 = arith.constant 0 : i32
      %sign3A_711 = arith.cmpi slt, %jit3A, %sign3A_710 : i32
      %sign3A_712 = arith.extui %sign3A_711 : i1 to i32
      %sign3A_713 = arith.subi %sign3A_709, %sign3A_712 : i32
      %ne3A = arith.cmpi ne, %sign3A_706, %sign3A_713 : i32
      %rem3A = arith.remsi %sub3A_186, %jit3A : i32
      %ne3A_714 = arith.constant 0 : i32
      %ne3A_715 = arith.cmpi ne, %rem3A, %ne3A_714 : i32
      %and3A_716 = arith.andi %ne3A, %ne3A_715 : i1
      %sub3A_717 = arith.constant 1 : i32
      %sub3A_718 = arith.subi %div3A, %sub3A_717 : i32
      %select_n3A = arith.select %and3A_716, %sub3A_718, %div3A : i32
      %mul3A_719 = arith.constant 128 : i32
      %mul3A_720 = arith.muli %select_n3A, %mul3A_719 : i32
      %multiple_of3A = tpu.assume_multiple %mul3A_720, 128 : i32
      %sub3A_721 = arith.subi %sub3A_186, %multiple_of3A : i32
      %eq3A = vector.broadcast %sub3A_721 : i32 to vector<1x128xi32>
      %eq3A_722 = arith.cmpi eq, %iota3A, %eq3A : vector<1x128xi32>
      %get3A_723 = arith.constant 0 : index
      %get3A_724 = arith.constant 17 : index
      %get3A_725 = vector.load %arg2[%get3A_723, %get3A_724] : memref<32x64xf32, #tpu.memory_space<vmem>>, vector<32x1xf32>
      %get3A_726 = arith.constant 0 : index
      %get3A_727 = arith.index_cast %multiple_of3A : i32 to index
      %get3A_728 = vector.load %arg3[%get3A_726, %get3A_727] : memref<32x16384xf32, #tpu.memory_space<vmem>>, vector<32x128xf32>
      %broadcast_in_dim3A_729 = vector.shape_cast %eq3A_722 : vector<1x128xi1> to vector<1x128xi1>
      %broadcast_in_dim3A_730 = vector.broadcast %broadcast_in_dim3A_729 : vector<1x128xi1> to vector<32x128xi1>
      %broadcast_in_dim3A_731 = vector.shape_cast %get3A_725 : vector<32x1xf32> to vector<32x1xf32>
      %broadcast_in_dim3A_732 = vector.broadcast %broadcast_in_dim3A_731 : vector<32x1xf32> to vector<32x128xf32>
      %select_n3A_733 = arith.select %broadcast_in_dim3A_730, %broadcast_in_dim3A_732, %get3A_728 : vector<32x128xi1>, vector<32x128xf32>
      %swap3A_734 = arith.constant 0 : index
      %swap3A_735 = arith.index_cast %multiple_of3A : i32 to index
      %swap3A_736 = vector.load %arg3[%swap3A_734, %swap3A_735] : memref<32x16384xf32, #tpu.memory_space<vmem>>, vector<32x128xf32>
      tpu.vector_store %arg3[%swap3A_734, %swap3A_735], %select_n3A_733 {strides = array<i32>} : memref<32x16384xf32, #tpu.memory_space<vmem>>, vector<32x128xf32>,
    } else {
    }
    %get3A_195 = arith.constant 18 : index
    %get3A_196 = memref.load %arg1[%get3A_195] : memref<64xi32, #tpu.memory_space<smem>>
    %sub3A_197 = arith.subi %get3A_196, %mul3A_0 : i32
    %ge3A_198 = arith.constant 0 : i32
    %ge3A_199 = arith.cmpi sge, %sub3A_197, %ge3A_198 : i32
    %lt3A_200 = arith.constant 16384 : i32
    %lt3A_201 = arith.cmpi slt, %sub3A_197, %lt3A_200 : i32
    %and3A_202 = arith.andi %ge3A_199, %lt3A_201 : i1
    %convert_element_type3A_203 = arith.extui %and3A_202 : i1 to i32
    %cond3A_204 = arith.constant 0 : i32
    %cond3A_205 = arith.cmpi ne, %convert_element_type3A_203, %cond3A_204 : i32
    scf.if %cond3A_205 {
      %jit3A = arith.constant 128 : i32
      %div3A = arith.divsi %sub3A_197, %jit3A : i32
      %sign3A = arith.constant 0 : i32
      %sign3A_701 = arith.cmpi sgt, %sub3A_197, %sign3A : i32
      %sign3A_702 = arith.extui %sign3A_701 : i1 to i32
      %sign3A_703 = arith.constant 0 : i32
      %sign3A_704 = arith.cmpi slt, %sub3A_197, %sign3A_703 : i32
      %sign3A_705 = arith.extui %sign3A_704 : i1 to i32
      %sign3A_706 = arith.subi %sign3A_702, %sign3A_705 : i32
      %sign3A_707 = arith.constant 0 : i32
      %sign3A_708 = arith.cmpi sgt, %jit3A, %sign3A_707 : i32
      %sign3A_709 = arith.extui %sign3A_708 : i1 to i32
      %sign3A_710 = arith.constant 0 : i32
      %sign3A_711 = arith.cmpi slt, %jit3A, %sign3A_710 : i32
      %sign3A_712 = arith.extui %sign3A_711 : i1 to i32
      %sign3A_713 = arith.subi %sign3A_709, %sign3A_712 : i32
      %ne3A = arith.cmpi ne, %sign3A_706, %sign3A_713 : i32
      %rem3A = arith.remsi %sub3A_197, %jit3A : i32
      %ne3A_714 = arith.constant 0 : i32
      %ne3A_715 = arith.cmpi ne, %rem3A, %ne3A_714 : i32
      %and3A_716 = arith.andi %ne3A, %ne3A_715 : i1
      %sub3A_717 = arith.constant 1 : i32
      %sub3A_718 = arith.subi %div3A, %sub3A_717 : i32
      %select_n3A = arith.select %and3A_716, %sub3A_718, %div3A : i32
      %mul3A_719 = arith.constant 128 : i32
      %mul3A_720 = arith.muli %select_n3A, %mul3A_719 : i32
      %multiple_of3A = tpu.assume_multiple %mul3A_720, 128 : i32
      %sub3A_721 = arith.subi %sub3A_197, %multiple_of3A : i32
      %eq3A = vector.broadcast %sub3A_721 : i32 to vector<1x128xi32>
      %eq3A_722 = arith.cmpi eq, %iota3A, %eq3A : vector<1x128xi32>
      %get3A_723 = arith.constant 0 : index
      %get3A_724 = arith.constant 18 : index
      %get3A_725 = vector.load %arg2[%get3A_723, %get3A_724] : memref<32x64xf32, #tpu.memory_space<vmem>>, vector<32x1xf32>
      %get3A_726 = arith.constant 0 : index
      %get3A_727 = arith.index_cast %multiple_of3A : i32 to index
      %get3A_728 = vector.load %arg3[%get3A_726, %get3A_727] : memref<32x16384xf32, #tpu.memory_space<vmem>>, vector<32x128xf32>
      %broadcast_in_dim3A_729 = vector.shape_cast %eq3A_722 : vector<1x128xi1> to vector<1x128xi1>
      %broadcast_in_dim3A_730 = vector.broadcast %broadcast_in_dim3A_729 : vector<1x128xi1> to vector<32x128xi1>
      %broadcast_in_dim3A_731 = vector.shape_cast %get3A_725 : vector<32x1xf32> to vector<32x1xf32>
      %broadcast_in_dim3A_732 = vector.broadcast %broadcast_in_dim3A_731 : vector<32x1xf32> to vector<32x128xf32>
      %select_n3A_733 = arith.select %broadcast_in_dim3A_730, %broadcast_in_dim3A_732, %get3A_728 : vector<32x128xi1>, vector<32x128xf32>
      %swap3A_734 = arith.constant 0 : index
      %swap3A_735 = arith.index_cast %multiple_of3A : i32 to index
      %swap3A_736 = vector.load %arg3[%swap3A_734, %swap3A_735] : memref<32x16384xf32, #tpu.memory_space<vmem>>, vector<32x128xf32>
      tpu.vector_store %arg3[%swap3A_734, %swap3A_735], %select_n3A_733 {strides = array<i32>} : memref<32x16384xf32, #tpu.memory_space<vmem>>, vector<32x128xf32>,
    } else {
    }
    %get3A_206 = arith.constant 19 : index
    %get3A_207 = memref.load %arg1[%get3A_206] : memref<64xi32, #tpu.memory_space<smem>>
    %sub3A_208 = arith.subi %get3A_207, %mul3A_0 : i32
    %ge3A_209 = arith.constant 0 : i32
    %ge3A_210 = arith.cmpi sge, %sub3A_208, %ge3A_209 : i32
    %lt3A_211 = arith.constant 16384 : i32
    %lt3A_212 = arith.cmpi slt, %sub3A_208, %lt3A_211 : i32
    %and3A_213 = arith.andi %ge3A_210, %lt3A_212 : i1
    %convert_element_type3A_214 = arith.extui %and3A_213 : i1 to i32
    %cond3A_215 = arith.constant 0 : i32
    %cond3A_216 = arith.cmpi ne, %convert_element_type3A_214, %cond3A_215 : i32
    scf.if %cond3A_216 {
      %jit3A = arith.constant 128 : i32
      %div3A = arith.divsi %sub3A_208, %jit3A : i32
      %sign3A = arith.constant 0 : i32
      %sign3A_701 = arith.cmpi sgt, %sub3A_208, %sign3A : i32
      %sign3A_702 = arith.extui %sign3A_701 : i1 to i32
      %sign3A_703 = arith.constant 0 : i32
      %sign3A_704 = arith.cmpi slt, %sub3A_208, %sign3A_703 : i32
      %sign3A_705 = arith.extui %sign3A_704 : i1 to i32
      %sign3A_706 = arith.subi %sign3A_702, %sign3A_705 : i32
      %sign3A_707 = arith.constant 0 : i32
      %sign3A_708 = arith.cmpi sgt, %jit3A, %sign3A_707 : i32
      %sign3A_709 = arith.extui %sign3A_708 : i1 to i32
      %sign3A_710 = arith.constant 0 : i32
      %sign3A_711 = arith.cmpi slt, %jit3A, %sign3A_710 : i32
      %sign3A_712 = arith.extui %sign3A_711 : i1 to i32
      %sign3A_713 = arith.subi %sign3A_709, %sign3A_712 : i32
      %ne3A = arith.cmpi ne, %sign3A_706, %sign3A_713 : i32
      %rem3A = arith.remsi %sub3A_208, %jit3A : i32
      %ne3A_714 = arith.constant 0 : i32
      %ne3A_715 = arith.cmpi ne, %rem3A, %ne3A_714 : i32
      %and3A_716 = arith.andi %ne3A, %ne3A_715 : i1
      %sub3A_717 = arith.constant 1 : i32
      %sub3A_718 = arith.subi %div3A, %sub3A_717 : i32
      %select_n3A = arith.select %and3A_716, %sub3A_718, %div3A : i32
      %mul3A_719 = arith.constant 128 : i32
      %mul3A_720 = arith.muli %select_n3A, %mul3A_719 : i32
      %multiple_of3A = tpu.assume_multiple %mul3A_720, 128 : i32
      %sub3A_721 = arith.subi %sub3A_208, %multiple_of3A : i32
      %eq3A = vector.broadcast %sub3A_721 : i32 to vector<1x128xi32>
      %eq3A_722 = arith.cmpi eq, %iota3A, %eq3A : vector<1x128xi32>
      %get3A_723 = arith.constant 0 : index
      %get3A_724 = arith.constant 19 : index
      %get3A_725 = vector.load %arg2[%get3A_723, %get3A_724] : memref<32x64xf32, #tpu.memory_space<vmem>>, vector<32x1xf32>
      %get3A_726 = arith.constant 0 : index
      %get3A_727 = arith.index_cast %multiple_of3A : i32 to index
      %get3A_728 = vector.load %arg3[%get3A_726, %get3A_727] : memref<32x16384xf32, #tpu.memory_space<vmem>>, vector<32x128xf32>
      %broadcast_in_dim3A_729 = vector.shape_cast %eq3A_722 : vector<1x128xi1> to vector<1x128xi1>
      %broadcast_in_dim3A_730 = vector.broadcast %broadcast_in_dim3A_729 : vector<1x128xi1> to vector<32x128xi1>
      %broadcast_in_dim3A_731 = vector.shape_cast %get3A_725 : vector<32x1xf32> to vector<32x1xf32>
      %broadcast_in_dim3A_732 = vector.broadcast %broadcast_in_dim3A_731 : vector<32x1xf32> to vector<32x128xf32>
      %select_n3A_733 = arith.select %broadcast_in_dim3A_730, %broadcast_in_dim3A_732, %get3A_728 : vector<32x128xi1>, vector<32x128xf32>
      %swap3A_734 = arith.constant 0 : index
      %swap3A_735 = arith.index_cast %multiple_of3A : i32 to index
      %swap3A_736 = vector.load %arg3[%swap3A_734, %swap3A_735] : memref<32x16384xf32, #tpu.memory_space<vmem>>, vector<32x128xf32>
      tpu.vector_store %arg3[%swap3A_734, %swap3A_735], %select_n3A_733 {strides = array<i32>} : memref<32x16384xf32, #tpu.memory_space<vmem>>, vector<32x128xf32>,
    } else {
    }
    %get3A_217 = arith.constant 20 : index
    %get3A_218 = memref.load %arg1[%get3A_217] : memref<64xi32, #tpu.memory_space<smem>>
    %sub3A_219 = arith.subi %get3A_218, %mul3A_0 : i32
    %ge3A_220 = arith.constant 0 : i32
    %ge3A_221 = arith.cmpi sge, %sub3A_219, %ge3A_220 : i32
    %lt3A_222 = arith.constant 16384 : i32
    %lt3A_223 = arith.cmpi slt, %sub3A_219, %lt3A_222 : i32
    %and3A_224 = arith.andi %ge3A_221, %lt3A_223 : i1
    %convert_element_type3A_225 = arith.extui %and3A_224 : i1 to i32
    %cond3A_226 = arith.constant 0 : i32
    %cond3A_227 = arith.cmpi ne, %convert_element_type3A_225, %cond3A_226 : i32
    scf.if %cond3A_227 {
      %jit3A = arith.constant 128 : i32
      %div3A = arith.divsi %sub3A_219, %jit3A : i32
      %sign3A = arith.constant 0 : i32
      %sign3A_701 = arith.cmpi sgt, %sub3A_219, %sign3A : i32
      %sign3A_702 = arith.extui %sign3A_701 : i1 to i32
      %sign3A_703 = arith.constant 0 : i32
      %sign3A_704 = arith.cmpi slt, %sub3A_219, %sign3A_703 : i32
      %sign3A_705 = arith.extui %sign3A_704 : i1 to i32
      %sign3A_706 = arith.subi %sign3A_702, %sign3A_705 : i32
      %sign3A_707 = arith.constant 0 : i32
      %sign3A_708 = arith.cmpi sgt, %jit3A, %sign3A_707 : i32
      %sign3A_709 = arith.extui %sign3A_708 : i1 to i32
      %sign3A_710 = arith.constant 0 : i32
      %sign3A_711 = arith.cmpi slt, %jit3A, %sign3A_710 : i32
      %sign3A_712 = arith.extui %sign3A_711 : i1 to i32
      %sign3A_713 = arith.subi %sign3A_709, %sign3A_712 : i32
      %ne3A = arith.cmpi ne, %sign3A_706, %sign3A_713 : i32
      %rem3A = arith.remsi %sub3A_219, %jit3A : i32
      %ne3A_714 = arith.constant 0 : i32
      %ne3A_715 = arith.cmpi ne, %rem3A, %ne3A_714 : i32
      %and3A_716 = arith.andi %ne3A, %ne3A_715 : i1
      %sub3A_717 = arith.constant 1 : i32
      %sub3A_718 = arith.subi %div3A, %sub3A_717 : i32
      %select_n3A = arith.select %and3A_716, %sub3A_718, %div3A : i32
      %mul3A_719 = arith.constant 128 : i32
      %mul3A_720 = arith.muli %select_n3A, %mul3A_719 : i32
      %multiple_of3A = tpu.assume_multiple %mul3A_720, 128 : i32
      %sub3A_721 = arith.subi %sub3A_219, %multiple_of3A : i32
      %eq3A = vector.broadcast %sub3A_721 : i32 to vector<1x128xi32>
      %eq3A_722 = arith.cmpi eq, %iota3A, %eq3A : vector<1x128xi32>
      %get3A_723 = arith.constant 0 : index
      %get3A_724 = arith.constant 20 : index
      %get3A_725 = vector.load %arg2[%get3A_723, %get3A_724] : memref<32x64xf32, #tpu.memory_space<vmem>>, vector<32x1xf32>
      %get3A_726 = arith.constant 0 : index
      %get3A_727 = arith.index_cast %multiple_of3A : i32 to index
      %get3A_728 = vector.load %arg3[%get3A_726, %get3A_727] : memref<32x16384xf32, #tpu.memory_space<vmem>>, vector<32x128xf32>
      %broadcast_in_dim3A_729 = vector.shape_cast %eq3A_722 : vector<1x128xi1> to vector<1x128xi1>
      %broadcast_in_dim3A_730 = vector.broadcast %broadcast_in_dim3A_729 : vector<1x128xi1> to vector<32x128xi1>
      %broadcast_in_dim3A_731 = vector.shape_cast %get3A_725 : vector<32x1xf32> to vector<32x1xf32>
      %broadcast_in_dim3A_732 = vector.broadcast %broadcast_in_dim3A_731 : vector<32x1xf32> to vector<32x128xf32>
      %select_n3A_733 = arith.select %broadcast_in_dim3A_730, %broadcast_in_dim3A_732, %get3A_728 : vector<32x128xi1>, vector<32x128xf32>
      %swap3A_734 = arith.constant 0 : index
      %swap3A_735 = arith.index_cast %multiple_of3A : i32 to index
      %swap3A_736 = vector.load %arg3[%swap3A_734, %swap3A_735] : memref<32x16384xf32, #tpu.memory_space<vmem>>, vector<32x128xf32>
      tpu.vector_store %arg3[%swap3A_734, %swap3A_735], %select_n3A_733 {strides = array<i32>} : memref<32x16384xf32, #tpu.memory_space<vmem>>, vector<32x128xf32>,
    } else {
    }
    %get3A_228 = arith.constant 21 : index
    %get3A_229 = memref.load %arg1[%get3A_228] : memref<64xi32, #tpu.memory_space<smem>>
    %sub3A_230 = arith.subi %get3A_229, %mul3A_0 : i32
    %ge3A_231 = arith.constant 0 : i32
    %ge3A_232 = arith.cmpi sge, %sub3A_230, %ge3A_231 : i32
    %lt3A_233 = arith.constant 16384 : i32
    %lt3A_234 = arith.cmpi slt, %sub3A_230, %lt3A_233 : i32
    %and3A_235 = arith.andi %ge3A_232, %lt3A_234 : i1
    %convert_element_type3A_236 = arith.extui %and3A_235 : i1 to i32
    %cond3A_237 = arith.constant 0 : i32
    %cond3A_238 = arith.cmpi ne, %convert_element_type3A_236, %cond3A_237 : i32
    scf.if %cond3A_238 {
      %jit3A = arith.constant 128 : i32
      %div3A = arith.divsi %sub3A_230, %jit3A : i32
      %sign3A = arith.constant 0 : i32
      %sign3A_701 = arith.cmpi sgt, %sub3A_230, %sign3A : i32
      %sign3A_702 = arith.extui %sign3A_701 : i1 to i32
      %sign3A_703 = arith.constant 0 : i32
      %sign3A_704 = arith.cmpi slt, %sub3A_230, %sign3A_703 : i32
      %sign3A_705 = arith.extui %sign3A_704 : i1 to i32
      %sign3A_706 = arith.subi %sign3A_702, %sign3A_705 : i32
      %sign3A_707 = arith.constant 0 : i32
      %sign3A_708 = arith.cmpi sgt, %jit3A, %sign3A_707 : i32
      %sign3A_709 = arith.extui %sign3A_708 : i1 to i32
      %sign3A_710 = arith.constant 0 : i32
      %sign3A_711 = arith.cmpi slt, %jit3A, %sign3A_710 : i32
      %sign3A_712 = arith.extui %sign3A_711 : i1 to i32
      %sign3A_713 = arith.subi %sign3A_709, %sign3A_712 : i32
      %ne3A = arith.cmpi ne, %sign3A_706, %sign3A_713 : i32
      %rem3A = arith.remsi %sub3A_230, %jit3A : i32
      %ne3A_714 = arith.constant 0 : i32
      %ne3A_715 = arith.cmpi ne, %rem3A, %ne3A_714 : i32
      %and3A_716 = arith.andi %ne3A, %ne3A_715 : i1
      %sub3A_717 = arith.constant 1 : i32
      %sub3A_718 = arith.subi %div3A, %sub3A_717 : i32
      %select_n3A = arith.select %and3A_716, %sub3A_718, %div3A : i32
      %mul3A_719 = arith.constant 128 : i32
      %mul3A_720 = arith.muli %select_n3A, %mul3A_719 : i32
      %multiple_of3A = tpu.assume_multiple %mul3A_720, 128 : i32
      %sub3A_721 = arith.subi %sub3A_230, %multiple_of3A : i32
      %eq3A = vector.broadcast %sub3A_721 : i32 to vector<1x128xi32>
      %eq3A_722 = arith.cmpi eq, %iota3A, %eq3A : vector<1x128xi32>
      %get3A_723 = arith.constant 0 : index
      %get3A_724 = arith.constant 21 : index
      %get3A_725 = vector.load %arg2[%get3A_723, %get3A_724] : memref<32x64xf32, #tpu.memory_space<vmem>>, vector<32x1xf32>
      %get3A_726 = arith.constant 0 : index
      %get3A_727 = arith.index_cast %multiple_of3A : i32 to index
      %get3A_728 = vector.load %arg3[%get3A_726, %get3A_727] : memref<32x16384xf32, #tpu.memory_space<vmem>>, vector<32x128xf32>
      %broadcast_in_dim3A_729 = vector.shape_cast %eq3A_722 : vector<1x128xi1> to vector<1x128xi1>
      %broadcast_in_dim3A_730 = vector.broadcast %broadcast_in_dim3A_729 : vector<1x128xi1> to vector<32x128xi1>
      %broadcast_in_dim3A_731 = vector.shape_cast %get3A_725 : vector<32x1xf32> to vector<32x1xf32>
      %broadcast_in_dim3A_732 = vector.broadcast %broadcast_in_dim3A_731 : vector<32x1xf32> to vector<32x128xf32>
      %select_n3A_733 = arith.select %broadcast_in_dim3A_730, %broadcast_in_dim3A_732, %get3A_728 : vector<32x128xi1>, vector<32x128xf32>
      %swap3A_734 = arith.constant 0 : index
      %swap3A_735 = arith.index_cast %multiple_of3A : i32 to index
      %swap3A_736 = vector.load %arg3[%swap3A_734, %swap3A_735] : memref<32x16384xf32, #tpu.memory_space<vmem>>, vector<32x128xf32>
      tpu.vector_store %arg3[%swap3A_734, %swap3A_735], %select_n3A_733 {strides = array<i32>} : memref<32x16384xf32, #tpu.memory_space<vmem>>, vector<32x128xf32>,
    } else {
    }
    %get3A_239 = arith.constant 22 : index
    %get3A_240 = memref.load %arg1[%get3A_239] : memref<64xi32, #tpu.memory_space<smem>>
    %sub3A_241 = arith.subi %get3A_240, %mul3A_0 : i32
    %ge3A_242 = arith.constant 0 : i32
    %ge3A_243 = arith.cmpi sge, %sub3A_241, %ge3A_242 : i32
    %lt3A_244 = arith.constant 16384 : i32
    %lt3A_245 = arith.cmpi slt, %sub3A_241, %lt3A_244 : i32
    %and3A_246 = arith.andi %ge3A_243, %lt3A_245 : i1
    %convert_element_type3A_247 = arith.extui %and3A_246 : i1 to i32
    %cond3A_248 = arith.constant 0 : i32
    %cond3A_249 = arith.cmpi ne, %convert_element_type3A_247, %cond3A_248 : i32
    scf.if %cond3A_249 {
      %jit3A = arith.constant 128 : i32
      %div3A = arith.divsi %sub3A_241, %jit3A : i32
      %sign3A = arith.constant 0 : i32
      %sign3A_701 = arith.cmpi sgt, %sub3A_241, %sign3A : i32
      %sign3A_702 = arith.extui %sign3A_701 : i1 to i32
      %sign3A_703 = arith.constant 0 : i32
      %sign3A_704 = arith.cmpi slt, %sub3A_241, %sign3A_703 : i32
      %sign3A_705 = arith.extui %sign3A_704 : i1 to i32
      %sign3A_706 = arith.subi %sign3A_702, %sign3A_705 : i32
      %sign3A_707 = arith.constant 0 : i32
      %sign3A_708 = arith.cmpi sgt, %jit3A, %sign3A_707 : i32
      %sign3A_709 = arith.extui %sign3A_708 : i1 to i32
      %sign3A_710 = arith.constant 0 : i32
      %sign3A_711 = arith.cmpi slt, %jit3A, %sign3A_710 : i32
      %sign3A_712 = arith.extui %sign3A_711 : i1 to i32
      %sign3A_713 = arith.subi %sign3A_709, %sign3A_712 : i32
      %ne3A = arith.cmpi ne, %sign3A_706, %sign3A_713 : i32
      %rem3A = arith.remsi %sub3A_241, %jit3A : i32
      %ne3A_714 = arith.constant 0 : i32
      %ne3A_715 = arith.cmpi ne, %rem3A, %ne3A_714 : i32
      %and3A_716 = arith.andi %ne3A, %ne3A_715 : i1
      %sub3A_717 = arith.constant 1 : i32
      %sub3A_718 = arith.subi %div3A, %sub3A_717 : i32
      %select_n3A = arith.select %and3A_716, %sub3A_718, %div3A : i32
      %mul3A_719 = arith.constant 128 : i32
      %mul3A_720 = arith.muli %select_n3A, %mul3A_719 : i32
      %multiple_of3A = tpu.assume_multiple %mul3A_720, 128 : i32
      %sub3A_721 = arith.subi %sub3A_241, %multiple_of3A : i32
      %eq3A = vector.broadcast %sub3A_721 : i32 to vector<1x128xi32>
      %eq3A_722 = arith.cmpi eq, %iota3A, %eq3A : vector<1x128xi32>
      %get3A_723 = arith.constant 0 : index
      %get3A_724 = arith.constant 22 : index
      %get3A_725 = vector.load %arg2[%get3A_723, %get3A_724] : memref<32x64xf32, #tpu.memory_space<vmem>>, vector<32x1xf32>
      %get3A_726 = arith.constant 0 : index
      %get3A_727 = arith.index_cast %multiple_of3A : i32 to index
      %get3A_728 = vector.load %arg3[%get3A_726, %get3A_727] : memref<32x16384xf32, #tpu.memory_space<vmem>>, vector<32x128xf32>
      %broadcast_in_dim3A_729 = vector.shape_cast %eq3A_722 : vector<1x128xi1> to vector<1x128xi1>
      %broadcast_in_dim3A_730 = vector.broadcast %broadcast_in_dim3A_729 : vector<1x128xi1> to vector<32x128xi1>
      %broadcast_in_dim3A_731 = vector.shape_cast %get3A_725 : vector<32x1xf32> to vector<32x1xf32>
      %broadcast_in_dim3A_732 = vector.broadcast %broadcast_in_dim3A_731 : vector<32x1xf32> to vector<32x128xf32>
      %select_n3A_733 = arith.select %broadcast_in_dim3A_730, %broadcast_in_dim3A_732, %get3A_728 : vector<32x128xi1>, vector<32x128xf32>
      %swap3A_734 = arith.constant 0 : index
      %swap3A_735 = arith.index_cast %multiple_of3A : i32 to index
      %swap3A_736 = vector.load %arg3[%swap3A_734, %swap3A_735] : memref<32x16384xf32, #tpu.memory_space<vmem>>, vector<32x128xf32>
      tpu.vector_store %arg3[%swap3A_734, %swap3A_735], %select_n3A_733 {strides = array<i32>} : memref<32x16384xf32, #tpu.memory_space<vmem>>, vector<32x128xf32>,
    } else {
    }
    %get3A_250 = arith.constant 23 : index
    %get3A_251 = memref.load %arg1[%get3A_250] : memref<64xi32, #tpu.memory_space<smem>>
    %sub3A_252 = arith.subi %get3A_251, %mul3A_0 : i32
    %ge3A_253 = arith.constant 0 : i32
    %ge3A_254 = arith.cmpi sge, %sub3A_252, %ge3A_253 : i32
    %lt3A_255 = arith.constant 16384 : i32
    %lt3A_256 = arith.cmpi slt, %sub3A_252, %lt3A_255 : i32
    %and3A_257 = arith.andi %ge3A_254, %lt3A_256 : i1
    %convert_element_type3A_258 = arith.extui %and3A_257 : i1 to i32
    %cond3A_259 = arith.constant 0 : i32
    %cond3A_260 = arith.cmpi ne, %convert_element_type3A_258, %cond3A_259 : i32
    scf.if %cond3A_260 {
      %jit3A = arith.constant 128 : i32
      %div3A = arith.divsi %sub3A_252, %jit3A : i32
      %sign3A = arith.constant 0 : i32
      %sign3A_701 = arith.cmpi sgt, %sub3A_252, %sign3A : i32
      %sign3A_702 = arith.extui %sign3A_701 : i1 to i32
      %sign3A_703 = arith.constant 0 : i32
      %sign3A_704 = arith.cmpi slt, %sub3A_252, %sign3A_703 : i32
      %sign3A_705 = arith.extui %sign3A_704 : i1 to i32
      %sign3A_706 = arith.subi %sign3A_702, %sign3A_705 : i32
      %sign3A_707 = arith.constant 0 : i32
      %sign3A_708 = arith.cmpi sgt, %jit3A, %sign3A_707 : i32
      %sign3A_709 = arith.extui %sign3A_708 : i1 to i32
      %sign3A_710 = arith.constant 0 : i32
      %sign3A_711 = arith.cmpi slt, %jit3A, %sign3A_710 : i32
      %sign3A_712 = arith.extui %sign3A_711 : i1 to i32
      %sign3A_713 = arith.subi %sign3A_709, %sign3A_712 : i32
      %ne3A = arith.cmpi ne, %sign3A_706, %sign3A_713 : i32
      %rem3A = arith.remsi %sub3A_252, %jit3A : i32
      %ne3A_714 = arith.constant 0 : i32
      %ne3A_715 = arith.cmpi ne, %rem3A, %ne3A_714 : i32
      %and3A_716 = arith.andi %ne3A, %ne3A_715 : i1
      %sub3A_717 = arith.constant 1 : i32
      %sub3A_718 = arith.subi %div3A, %sub3A_717 : i32
      %select_n3A = arith.select %and3A_716, %sub3A_718, %div3A : i32
      %mul3A_719 = arith.constant 128 : i32
      %mul3A_720 = arith.muli %select_n3A, %mul3A_719 : i32
      %multiple_of3A = tpu.assume_multiple %mul3A_720, 128 : i32
      %sub3A_721 = arith.subi %sub3A_252, %multiple_of3A : i32
      %eq3A = vector.broadcast %sub3A_721 : i32 to vector<1x128xi32>
      %eq3A_722 = arith.cmpi eq, %iota3A, %eq3A : vector<1x128xi32>
      %get3A_723 = arith.constant 0 : index
      %get3A_724 = arith.constant 23 : index
      %get3A_725 = vector.load %arg2[%get3A_723, %get3A_724] : memref<32x64xf32, #tpu.memory_space<vmem>>, vector<32x1xf32>
      %get3A_726 = arith.constant 0 : index
      %get3A_727 = arith.index_cast %multiple_of3A : i32 to index
      %get3A_728 = vector.load %arg3[%get3A_726, %get3A_727] : memref<32x16384xf32, #tpu.memory_space<vmem>>, vector<32x128xf32>
      %broadcast_in_dim3A_729 = vector.shape_cast %eq3A_722 : vector<1x128xi1> to vector<1x128xi1>
      %broadcast_in_dim3A_730 = vector.broadcast %broadcast_in_dim3A_729 : vector<1x128xi1> to vector<32x128xi1>
      %broadcast_in_dim3A_731 = vector.shape_cast %get3A_725 : vector<32x1xf32> to vector<32x1xf32>
      %broadcast_in_dim3A_732 = vector.broadcast %broadcast_in_dim3A_731 : vector<32x1xf32> to vector<32x128xf32>
      %select_n3A_733 = arith.select %broadcast_in_dim3A_730, %broadcast_in_dim3A_732, %get3A_728 : vector<32x128xi1>, vector<32x128xf32>
      %swap3A_734 = arith.constant 0 : index
      %swap3A_735 = arith.index_cast %multiple_of3A : i32 to index
      %swap3A_736 = vector.load %arg3[%swap3A_734, %swap3A_735] : memref<32x16384xf32, #tpu.memory_space<vmem>>, vector<32x128xf32>
      tpu.vector_store %arg3[%swap3A_734, %swap3A_735], %select_n3A_733 {strides = array<i32>} : memref<32x16384xf32, #tpu.memory_space<vmem>>, vector<32x128xf32>,
    } else {
    }
    %get3A_261 = arith.constant 24 : index
    %get3A_262 = memref.load %arg1[%get3A_261] : memref<64xi32, #tpu.memory_space<smem>>
    %sub3A_263 = arith.subi %get3A_262, %mul3A_0 : i32
    %ge3A_264 = arith.constant 0 : i32
    %ge3A_265 = arith.cmpi sge, %sub3A_263, %ge3A_264 : i32
    %lt3A_266 = arith.constant 16384 : i32
    %lt3A_267 = arith.cmpi slt, %sub3A_263, %lt3A_266 : i32
    %and3A_268 = arith.andi %ge3A_265, %lt3A_267 : i1
    %convert_element_type3A_269 = arith.extui %and3A_268 : i1 to i32
    %cond3A_270 = arith.constant 0 : i32
    %cond3A_271 = arith.cmpi ne, %convert_element_type3A_269, %cond3A_270 : i32
    scf.if %cond3A_271 {
      %jit3A = arith.constant 128 : i32
      %div3A = arith.divsi %sub3A_263, %jit3A : i32
      %sign3A = arith.constant 0 : i32
      %sign3A_701 = arith.cmpi sgt, %sub3A_263, %sign3A : i32
      %sign3A_702 = arith.extui %sign3A_701 : i1 to i32
      %sign3A_703 = arith.constant 0 : i32
      %sign3A_704 = arith.cmpi slt, %sub3A_263, %sign3A_703 : i32
      %sign3A_705 = arith.extui %sign3A_704 : i1 to i32
      %sign3A_706 = arith.subi %sign3A_702, %sign3A_705 : i32
      %sign3A_707 = arith.constant 0 : i32
      %sign3A_708 = arith.cmpi sgt, %jit3A, %sign3A_707 : i32
      %sign3A_709 = arith.extui %sign3A_708 : i1 to i32
      %sign3A_710 = arith.constant 0 : i32
      %sign3A_711 = arith.cmpi slt, %jit3A, %sign3A_710 : i32
      %sign3A_712 = arith.extui %sign3A_711 : i1 to i32
      %sign3A_713 = arith.subi %sign3A_709, %sign3A_712 : i32
      %ne3A = arith.cmpi ne, %sign3A_706, %sign3A_713 : i32
      %rem3A = arith.remsi %sub3A_263, %jit3A : i32
      %ne3A_714 = arith.constant 0 : i32
      %ne3A_715 = arith.cmpi ne, %rem3A, %ne3A_714 : i32
      %and3A_716 = arith.andi %ne3A, %ne3A_715 : i1
      %sub3A_717 = arith.constant 1 : i32
      %sub3A_718 = arith.subi %div3A, %sub3A_717 : i32
      %select_n3A = arith.select %and3A_716, %sub3A_718, %div3A : i32
      %mul3A_719 = arith.constant 128 : i32
      %mul3A_720 = arith.muli %select_n3A, %mul3A_719 : i32
      %multiple_of3A = tpu.assume_multiple %mul3A_720, 128 : i32
      %sub3A_721 = arith.subi %sub3A_263, %multiple_of3A : i32
      %eq3A = vector.broadcast %sub3A_721 : i32 to vector<1x128xi32>
      %eq3A_722 = arith.cmpi eq, %iota3A, %eq3A : vector<1x128xi32>
      %get3A_723 = arith.constant 0 : index
      %get3A_724 = arith.constant 24 : index
      %get3A_725 = vector.load %arg2[%get3A_723, %get3A_724] : memref<32x64xf32, #tpu.memory_space<vmem>>, vector<32x1xf32>
      %get3A_726 = arith.constant 0 : index
      %get3A_727 = arith.index_cast %multiple_of3A : i32 to index
      %get3A_728 = vector.load %arg3[%get3A_726, %get3A_727] : memref<32x16384xf32, #tpu.memory_space<vmem>>, vector<32x128xf32>
      %broadcast_in_dim3A_729 = vector.shape_cast %eq3A_722 : vector<1x128xi1> to vector<1x128xi1>
      %broadcast_in_dim3A_730 = vector.broadcast %broadcast_in_dim3A_729 : vector<1x128xi1> to vector<32x128xi1>
      %broadcast_in_dim3A_731 = vector.shape_cast %get3A_725 : vector<32x1xf32> to vector<32x1xf32>
      %broadcast_in_dim3A_732 = vector.broadcast %broadcast_in_dim3A_731 : vector<32x1xf32> to vector<32x128xf32>
      %select_n3A_733 = arith.select %broadcast_in_dim3A_730, %broadcast_in_dim3A_732, %get3A_728 : vector<32x128xi1>, vector<32x128xf32>
      %swap3A_734 = arith.constant 0 : index
      %swap3A_735 = arith.index_cast %multiple_of3A : i32 to index
      %swap3A_736 = vector.load %arg3[%swap3A_734, %swap3A_735] : memref<32x16384xf32, #tpu.memory_space<vmem>>, vector<32x128xf32>
      tpu.vector_store %arg3[%swap3A_734, %swap3A_735], %select_n3A_733 {strides = array<i32>} : memref<32x16384xf32, #tpu.memory_space<vmem>>, vector<32x128xf32>,
    } else {
    }
    %get3A_272 = arith.constant 25 : index
    %get3A_273 = memref.load %arg1[%get3A_272] : memref<64xi32, #tpu.memory_space<smem>>
    %sub3A_274 = arith.subi %get3A_273, %mul3A_0 : i32
    %ge3A_275 = arith.constant 0 : i32
    %ge3A_276 = arith.cmpi sge, %sub3A_274, %ge3A_275 : i32
    %lt3A_277 = arith.constant 16384 : i32
    %lt3A_278 = arith.cmpi slt, %sub3A_274, %lt3A_277 : i32
    %and3A_279 = arith.andi %ge3A_276, %lt3A_278 : i1
    %convert_element_type3A_280 = arith.extui %and3A_279 : i1 to i32
    %cond3A_281 = arith.constant 0 : i32
    %cond3A_282 = arith.cmpi ne, %convert_element_type3A_280, %cond3A_281 : i32
    scf.if %cond3A_282 {
      %jit3A = arith.constant 128 : i32
      %div3A = arith.divsi %sub3A_274, %jit3A : i32
      %sign3A = arith.constant 0 : i32
      %sign3A_701 = arith.cmpi sgt, %sub3A_274, %sign3A : i32
      %sign3A_702 = arith.extui %sign3A_701 : i1 to i32
      %sign3A_703 = arith.constant 0 : i32
      %sign3A_704 = arith.cmpi slt, %sub3A_274, %sign3A_703 : i32
      %sign3A_705 = arith.extui %sign3A_704 : i1 to i32
      %sign3A_706 = arith.subi %sign3A_702, %sign3A_705 : i32
      %sign3A_707 = arith.constant 0 : i32
      %sign3A_708 = arith.cmpi sgt, %jit3A, %sign3A_707 : i32
      %sign3A_709 = arith.extui %sign3A_708 : i1 to i32
      %sign3A_710 = arith.constant 0 : i32
      %sign3A_711 = arith.cmpi slt, %jit3A, %sign3A_710 : i32
      %sign3A_712 = arith.extui %sign3A_711 : i1 to i32
      %sign3A_713 = arith.subi %sign3A_709, %sign3A_712 : i32
      %ne3A = arith.cmpi ne, %sign3A_706, %sign3A_713 : i32
      %rem3A = arith.remsi %sub3A_274, %jit3A : i32
      %ne3A_714 = arith.constant 0 : i32
      %ne3A_715 = arith.cmpi ne, %rem3A, %ne3A_714 : i32
      %and3A_716 = arith.andi %ne3A, %ne3A_715 : i1
      %sub3A_717 = arith.constant 1 : i32
      %sub3A_718 = arith.subi %div3A, %sub3A_717 : i32
      %select_n3A = arith.select %and3A_716, %sub3A_718, %div3A : i32
      %mul3A_719 = arith.constant 128 : i32
      %mul3A_720 = arith.muli %select_n3A, %mul3A_719 : i32
      %multiple_of3A = tpu.assume_multiple %mul3A_720, 128 : i32
      %sub3A_721 = arith.subi %sub3A_274, %multiple_of3A : i32
      %eq3A = vector.broadcast %sub3A_721 : i32 to vector<1x128xi32>
      %eq3A_722 = arith.cmpi eq, %iota3A, %eq3A : vector<1x128xi32>
      %get3A_723 = arith.constant 0 : index
      %get3A_724 = arith.constant 25 : index
      %get3A_725 = vector.load %arg2[%get3A_723, %get3A_724] : memref<32x64xf32, #tpu.memory_space<vmem>>, vector<32x1xf32>
      %get3A_726 = arith.constant 0 : index
      %get3A_727 = arith.index_cast %multiple_of3A : i32 to index
      %get3A_728 = vector.load %arg3[%get3A_726, %get3A_727] : memref<32x16384xf32, #tpu.memory_space<vmem>>, vector<32x128xf32>
      %broadcast_in_dim3A_729 = vector.shape_cast %eq3A_722 : vector<1x128xi1> to vector<1x128xi1>
      %broadcast_in_dim3A_730 = vector.broadcast %broadcast_in_dim3A_729 : vector<1x128xi1> to vector<32x128xi1>
      %broadcast_in_dim3A_731 = vector.shape_cast %get3A_725 : vector<32x1xf32> to vector<32x1xf32>
      %broadcast_in_dim3A_732 = vector.broadcast %broadcast_in_dim3A_731 : vector<32x1xf32> to vector<32x128xf32>
      %select_n3A_733 = arith.select %broadcast_in_dim3A_730, %broadcast_in_dim3A_732, %get3A_728 : vector<32x128xi1>, vector<32x128xf32>
      %swap3A_734 = arith.constant 0 : index
      %swap3A_735 = arith.index_cast %multiple_of3A : i32 to index
      %swap3A_736 = vector.load %arg3[%swap3A_734, %swap3A_735] : memref<32x16384xf32, #tpu.memory_space<vmem>>, vector<32x128xf32>
      tpu.vector_store %arg3[%swap3A_734, %swap3A_735], %select_n3A_733 {strides = array<i32>} : memref<32x16384xf32, #tpu.memory_space<vmem>>, vector<32x128xf32>,
    } else {
    }
    %get3A_283 = arith.constant 26 : index
    %get3A_284 = memref.load %arg1[%get3A_283] : memref<64xi32, #tpu.memory_space<smem>>
    %sub3A_285 = arith.subi %get3A_284, %mul3A_0 : i32
    %ge3A_286 = arith.constant 0 : i32
    %ge3A_287 = arith.cmpi sge, %sub3A_285, %ge3A_286 : i32
    %lt3A_288 = arith.constant 16384 : i32
    %lt3A_289 = arith.cmpi slt, %sub3A_285, %lt3A_288 : i32
    %and3A_290 = arith.andi %ge3A_287, %lt3A_289 : i1
    %convert_element_type3A_291 = arith.extui %and3A_290 : i1 to i32
    %cond3A_292 = arith.constant 0 : i32
    %cond3A_293 = arith.cmpi ne, %convert_element_type3A_291, %cond3A_292 : i32
    scf.if %cond3A_293 {
      %jit3A = arith.constant 128 : i32
      %div3A = arith.divsi %sub3A_285, %jit3A : i32
      %sign3A = arith.constant 0 : i32
      %sign3A_701 = arith.cmpi sgt, %sub3A_285, %sign3A : i32
      %sign3A_702 = arith.extui %sign3A_701 : i1 to i32
      %sign3A_703 = arith.constant 0 : i32
      %sign3A_704 = arith.cmpi slt, %sub3A_285, %sign3A_703 : i32
      %sign3A_705 = arith.extui %sign3A_704 : i1 to i32
      %sign3A_706 = arith.subi %sign3A_702, %sign3A_705 : i32
      %sign3A_707 = arith.constant 0 : i32
      %sign3A_708 = arith.cmpi sgt, %jit3A, %sign3A_707 : i32
      %sign3A_709 = arith.extui %sign3A_708 : i1 to i32
      %sign3A_710 = arith.constant 0 : i32
      %sign3A_711 = arith.cmpi slt, %jit3A, %sign3A_710 : i32
      %sign3A_712 = arith.extui %sign3A_711 : i1 to i32
      %sign3A_713 = arith.subi %sign3A_709, %sign3A_712 : i32
      %ne3A = arith.cmpi ne, %sign3A_706, %sign3A_713 : i32
      %rem3A = arith.remsi %sub3A_285, %jit3A : i32
      %ne3A_714 = arith.constant 0 : i32
      %ne3A_715 = arith.cmpi ne, %rem3A, %ne3A_714 : i32
      %and3A_716 = arith.andi %ne3A, %ne3A_715 : i1
      %sub3A_717 = arith.constant 1 : i32
      %sub3A_718 = arith.subi %div3A, %sub3A_717 : i32
      %select_n3A = arith.select %and3A_716, %sub3A_718, %div3A : i32
      %mul3A_719 = arith.constant 128 : i32
      %mul3A_720 = arith.muli %select_n3A, %mul3A_719 : i32
      %multiple_of3A = tpu.assume_multiple %mul3A_720, 128 : i32
      %sub3A_721 = arith.subi %sub3A_285, %multiple_of3A : i32
      %eq3A = vector.broadcast %sub3A_721 : i32 to vector<1x128xi32>
      %eq3A_722 = arith.cmpi eq, %iota3A, %eq3A : vector<1x128xi32>
      %get3A_723 = arith.constant 0 : index
      %get3A_724 = arith.constant 26 : index
      %get3A_725 = vector.load %arg2[%get3A_723, %get3A_724] : memref<32x64xf32, #tpu.memory_space<vmem>>, vector<32x1xf32>
      %get3A_726 = arith.constant 0 : index
      %get3A_727 = arith.index_cast %multiple_of3A : i32 to index
      %get3A_728 = vector.load %arg3[%get3A_726, %get3A_727] : memref<32x16384xf32, #tpu.memory_space<vmem>>, vector<32x128xf32>
      %broadcast_in_dim3A_729 = vector.shape_cast %eq3A_722 : vector<1x128xi1> to vector<1x128xi1>
      %broadcast_in_dim3A_730 = vector.broadcast %broadcast_in_dim3A_729 : vector<1x128xi1> to vector<32x128xi1>
      %broadcast_in_dim3A_731 = vector.shape_cast %get3A_725 : vector<32x1xf32> to vector<32x1xf32>
      %broadcast_in_dim3A_732 = vector.broadcast %broadcast_in_dim3A_731 : vector<32x1xf32> to vector<32x128xf32>
      %select_n3A_733 = arith.select %broadcast_in_dim3A_730, %broadcast_in_dim3A_732, %get3A_728 : vector<32x128xi1>, vector<32x128xf32>
      %swap3A_734 = arith.constant 0 : index
      %swap3A_735 = arith.index_cast %multiple_of3A : i32 to index
      %swap3A_736 = vector.load %arg3[%swap3A_734, %swap3A_735] : memref<32x16384xf32, #tpu.memory_space<vmem>>, vector<32x128xf32>
      tpu.vector_store %arg3[%swap3A_734, %swap3A_735], %select_n3A_733 {strides = array<i32>} : memref<32x16384xf32, #tpu.memory_space<vmem>>, vector<32x128xf32>,
    } else {
    }
    %get3A_294 = arith.constant 27 : index
    %get3A_295 = memref.load %arg1[%get3A_294] : memref<64xi32, #tpu.memory_space<smem>>
    %sub3A_296 = arith.subi %get3A_295, %mul3A_0 : i32
    %ge3A_297 = arith.constant 0 : i32
    %ge3A_298 = arith.cmpi sge, %sub3A_296, %ge3A_297 : i32
    %lt3A_299 = arith.constant 16384 : i32
    %lt3A_300 = arith.cmpi slt, %sub3A_296, %lt3A_299 : i32
    %and3A_301 = arith.andi %ge3A_298, %lt3A_300 : i1
    %convert_element_type3A_302 = arith.extui %and3A_301 : i1 to i32
    %cond3A_303 = arith.constant 0 : i32
    %cond3A_304 = arith.cmpi ne, %convert_element_type3A_302, %cond3A_303 : i32
    scf.if %cond3A_304 {
      %jit3A = arith.constant 128 : i32
      %div3A = arith.divsi %sub3A_296, %jit3A : i32
      %sign3A = arith.constant 0 : i32
      %sign3A_701 = arith.cmpi sgt, %sub3A_296, %sign3A : i32
      %sign3A_702 = arith.extui %sign3A_701 : i1 to i32
      %sign3A_703 = arith.constant 0 : i32
      %sign3A_704 = arith.cmpi slt, %sub3A_296, %sign3A_703 : i32
      %sign3A_705 = arith.extui %sign3A_704 : i1 to i32
      %sign3A_706 = arith.subi %sign3A_702, %sign3A_705 : i32
      %sign3A_707 = arith.constant 0 : i32
      %sign3A_708 = arith.cmpi sgt, %jit3A, %sign3A_707 : i32
      %sign3A_709 = arith.extui %sign3A_708 : i1 to i32
      %sign3A_710 = arith.constant 0 : i32
      %sign3A_711 = arith.cmpi slt, %jit3A, %sign3A_710 : i32
      %sign3A_712 = arith.extui %sign3A_711 : i1 to i32
      %sign3A_713 = arith.subi %sign3A_709, %sign3A_712 : i32
      %ne3A = arith.cmpi ne, %sign3A_706, %sign3A_713 : i32
      %rem3A = arith.remsi %sub3A_296, %jit3A : i32
      %ne3A_714 = arith.constant 0 : i32
      %ne3A_715 = arith.cmpi ne, %rem3A, %ne3A_714 : i32
      %and3A_716 = arith.andi %ne3A, %ne3A_715 : i1
      %sub3A_717 = arith.constant 1 : i32
      %sub3A_718 = arith.subi %div3A, %sub3A_717 : i32
      %select_n3A = arith.select %and3A_716, %sub3A_718, %div3A : i32
      %mul3A_719 = arith.constant 128 : i32
      %mul3A_720 = arith.muli %select_n3A, %mul3A_719 : i32
      %multiple_of3A = tpu.assume_multiple %mul3A_720, 128 : i32
      %sub3A_721 = arith.subi %sub3A_296, %multiple_of3A : i32
      %eq3A = vector.broadcast %sub3A_721 : i32 to vector<1x128xi32>
      %eq3A_722 = arith.cmpi eq, %iota3A, %eq3A : vector<1x128xi32>
      %get3A_723 = arith.constant 0 : index
      %get3A_724 = arith.constant 27 : index
      %get3A_725 = vector.load %arg2[%get3A_723, %get3A_724] : memref<32x64xf32, #tpu.memory_space<vmem>>, vector<32x1xf32>
      %get3A_726 = arith.constant 0 : index
      %get3A_727 = arith.index_cast %multiple_of3A : i32 to index
      %get3A_728 = vector.load %arg3[%get3A_726, %get3A_727] : memref<32x16384xf32, #tpu.memory_space<vmem>>, vector<32x128xf32>
      %broadcast_in_dim3A_729 = vector.shape_cast %eq3A_722 : vector<1x128xi1> to vector<1x128xi1>
      %broadcast_in_dim3A_730 = vector.broadcast %broadcast_in_dim3A_729 : vector<1x128xi1> to vector<32x128xi1>
      %broadcast_in_dim3A_731 = vector.shape_cast %get3A_725 : vector<32x1xf32> to vector<32x1xf32>
      %broadcast_in_dim3A_732 = vector.broadcast %broadcast_in_dim3A_731 : vector<32x1xf32> to vector<32x128xf32>
      %select_n3A_733 = arith.select %broadcast_in_dim3A_730, %broadcast_in_dim3A_732, %get3A_728 : vector<32x128xi1>, vector<32x128xf32>
      %swap3A_734 = arith.constant 0 : index
      %swap3A_735 = arith.index_cast %multiple_of3A : i32 to index
      %swap3A_736 = vector.load %arg3[%swap3A_734, %swap3A_735] : memref<32x16384xf32, #tpu.memory_space<vmem>>, vector<32x128xf32>
      tpu.vector_store %arg3[%swap3A_734, %swap3A_735], %select_n3A_733 {strides = array<i32>} : memref<32x16384xf32, #tpu.memory_space<vmem>>, vector<32x128xf32>,
    } else {
    }
    %get3A_305 = arith.constant 28 : index
    %get3A_306 = memref.load %arg1[%get3A_305] : memref<64xi32, #tpu.memory_space<smem>>
    %sub3A_307 = arith.subi %get3A_306, %mul3A_0 : i32
    %ge3A_308 = arith.constant 0 : i32
    %ge3A_309 = arith.cmpi sge, %sub3A_307, %ge3A_308 : i32
    %lt3A_310 = arith.constant 16384 : i32
    %lt3A_311 = arith.cmpi slt, %sub3A_307, %lt3A_310 : i32
    %and3A_312 = arith.andi %ge3A_309, %lt3A_311 : i1
    %convert_element_type3A_313 = arith.extui %and3A_312 : i1 to i32
    %cond3A_314 = arith.constant 0 : i32
    %cond3A_315 = arith.cmpi ne, %convert_element_type3A_313, %cond3A_314 : i32
    scf.if %cond3A_315 {
      %jit3A = arith.constant 128 : i32
      %div3A = arith.divsi %sub3A_307, %jit3A : i32
      %sign3A = arith.constant 0 : i32
      %sign3A_701 = arith.cmpi sgt, %sub3A_307, %sign3A : i32
      %sign3A_702 = arith.extui %sign3A_701 : i1 to i32
      %sign3A_703 = arith.constant 0 : i32
      %sign3A_704 = arith.cmpi slt, %sub3A_307, %sign3A_703 : i32
      %sign3A_705 = arith.extui %sign3A_704 : i1 to i32
      %sign3A_706 = arith.subi %sign3A_702, %sign3A_705 : i32
      %sign3A_707 = arith.constant 0 : i32
      %sign3A_708 = arith.cmpi sgt, %jit3A, %sign3A_707 : i32
      %sign3A_709 = arith.extui %sign3A_708 : i1 to i32
      %sign3A_710 = arith.constant 0 : i32
      %sign3A_711 = arith.cmpi slt, %jit3A, %sign3A_710 : i32
      %sign3A_712 = arith.extui %sign3A_711 : i1 to i32
      %sign3A_713 = arith.subi %sign3A_709, %sign3A_712 : i32
      %ne3A = arith.cmpi ne, %sign3A_706, %sign3A_713 : i32
      %rem3A = arith.remsi %sub3A_307, %jit3A : i32
      %ne3A_714 = arith.constant 0 : i32
      %ne3A_715 = arith.cmpi ne, %rem3A, %ne3A_714 : i32
      %and3A_716 = arith.andi %ne3A, %ne3A_715 : i1
      %sub3A_717 = arith.constant 1 : i32
      %sub3A_718 = arith.subi %div3A, %sub3A_717 : i32
      %select_n3A = arith.select %and3A_716, %sub3A_718, %div3A : i32
      %mul3A_719 = arith.constant 128 : i32
      %mul3A_720 = arith.muli %select_n3A, %mul3A_719 : i32
      %multiple_of3A = tpu.assume_multiple %mul3A_720, 128 : i32
      %sub3A_721 = arith.subi %sub3A_307, %multiple_of3A : i32
      %eq3A = vector.broadcast %sub3A_721 : i32 to vector<1x128xi32>
      %eq3A_722 = arith.cmpi eq, %iota3A, %eq3A : vector<1x128xi32>
      %get3A_723 = arith.constant 0 : index
      %get3A_724 = arith.constant 28 : index
      %get3A_725 = vector.load %arg2[%get3A_723, %get3A_724] : memref<32x64xf32, #tpu.memory_space<vmem>>, vector<32x1xf32>
      %get3A_726 = arith.constant 0 : index
      %get3A_727 = arith.index_cast %multiple_of3A : i32 to index
      %get3A_728 = vector.load %arg3[%get3A_726, %get3A_727] : memref<32x16384xf32, #tpu.memory_space<vmem>>, vector<32x128xf32>
      %broadcast_in_dim3A_729 = vector.shape_cast %eq3A_722 : vector<1x128xi1> to vector<1x128xi1>
      %broadcast_in_dim3A_730 = vector.broadcast %broadcast_in_dim3A_729 : vector<1x128xi1> to vector<32x128xi1>
      %broadcast_in_dim3A_731 = vector.shape_cast %get3A_725 : vector<32x1xf32> to vector<32x1xf32>
      %broadcast_in_dim3A_732 = vector.broadcast %broadcast_in_dim3A_731 : vector<32x1xf32> to vector<32x128xf32>
      %select_n3A_733 = arith.select %broadcast_in_dim3A_730, %broadcast_in_dim3A_732, %get3A_728 : vector<32x128xi1>, vector<32x128xf32>
      %swap3A_734 = arith.constant 0 : index
      %swap3A_735 = arith.index_cast %multiple_of3A : i32 to index
      %swap3A_736 = vector.load %arg3[%swap3A_734, %swap3A_735] : memref<32x16384xf32, #tpu.memory_space<vmem>>, vector<32x128xf32>
      tpu.vector_store %arg3[%swap3A_734, %swap3A_735], %select_n3A_733 {strides = array<i32>} : memref<32x16384xf32, #tpu.memory_space<vmem>>, vector<32x128xf32>,
    } else {
    }
    %get3A_316 = arith.constant 29 : index
    %get3A_317 = memref.load %arg1[%get3A_316] : memref<64xi32, #tpu.memory_space<smem>>
    %sub3A_318 = arith.subi %get3A_317, %mul3A_0 : i32
    %ge3A_319 = arith.constant 0 : i32
    %ge3A_320 = arith.cmpi sge, %sub3A_318, %ge3A_319 : i32
    %lt3A_321 = arith.constant 16384 : i32
    %lt3A_322 = arith.cmpi slt, %sub3A_318, %lt3A_321 : i32
    %and3A_323 = arith.andi %ge3A_320, %lt3A_322 : i1
    %convert_element_type3A_324 = arith.extui %and3A_323 : i1 to i32
    %cond3A_325 = arith.constant 0 : i32
    %cond3A_326 = arith.cmpi ne, %convert_element_type3A_324, %cond3A_325 : i32
    scf.if %cond3A_326 {
      %jit3A = arith.constant 128 : i32
      %div3A = arith.divsi %sub3A_318, %jit3A : i32
      %sign3A = arith.constant 0 : i32
      %sign3A_701 = arith.cmpi sgt, %sub3A_318, %sign3A : i32
      %sign3A_702 = arith.extui %sign3A_701 : i1 to i32
      %sign3A_703 = arith.constant 0 : i32
      %sign3A_704 = arith.cmpi slt, %sub3A_318, %sign3A_703 : i32
      %sign3A_705 = arith.extui %sign3A_704 : i1 to i32
      %sign3A_706 = arith.subi %sign3A_702, %sign3A_705 : i32
      %sign3A_707 = arith.constant 0 : i32
      %sign3A_708 = arith.cmpi sgt, %jit3A, %sign3A_707 : i32
      %sign3A_709 = arith.extui %sign3A_708 : i1 to i32
      %sign3A_710 = arith.constant 0 : i32
      %sign3A_711 = arith.cmpi slt, %jit3A, %sign3A_710 : i32
      %sign3A_712 = arith.extui %sign3A_711 : i1 to i32
      %sign3A_713 = arith.subi %sign3A_709, %sign3A_712 : i32
      %ne3A = arith.cmpi ne, %sign3A_706, %sign3A_713 : i32
      %rem3A = arith.remsi %sub3A_318, %jit3A : i32
      %ne3A_714 = arith.constant 0 : i32
      %ne3A_715 = arith.cmpi ne, %rem3A, %ne3A_714 : i32
      %and3A_716 = arith.andi %ne3A, %ne3A_715 : i1
      %sub3A_717 = arith.constant 1 : i32
      %sub3A_718 = arith.subi %div3A, %sub3A_717 : i32
      %select_n3A = arith.select %and3A_716, %sub3A_718, %div3A : i32
      %mul3A_719 = arith.constant 128 : i32
      %mul3A_720 = arith.muli %select_n3A, %mul3A_719 : i32
      %multiple_of3A = tpu.assume_multiple %mul3A_720, 128 : i32
      %sub3A_721 = arith.subi %sub3A_318, %multiple_of3A : i32
      %eq3A = vector.broadcast %sub3A_721 : i32 to vector<1x128xi32>
      %eq3A_722 = arith.cmpi eq, %iota3A, %eq3A : vector<1x128xi32>
      %get3A_723 = arith.constant 0 : index
      %get3A_724 = arith.constant 29 : index
      %get3A_725 = vector.load %arg2[%get3A_723, %get3A_724] : memref<32x64xf32, #tpu.memory_space<vmem>>, vector<32x1xf32>
      %get3A_726 = arith.constant 0 : index
      %get3A_727 = arith.index_cast %multiple_of3A : i32 to index
      %get3A_728 = vector.load %arg3[%get3A_726, %get3A_727] : memref<32x16384xf32, #tpu.memory_space<vmem>>, vector<32x128xf32>
      %broadcast_in_dim3A_729 = vector.shape_cast %eq3A_722 : vector<1x128xi1> to vector<1x128xi1>
      %broadcast_in_dim3A_730 = vector.broadcast %broadcast_in_dim3A_729 : vector<1x128xi1> to vector<32x128xi1>
      %broadcast_in_dim3A_731 = vector.shape_cast %get3A_725 : vector<32x1xf32> to vector<32x1xf32>
      %broadcast_in_dim3A_732 = vector.broadcast %broadcast_in_dim3A_731 : vector<32x1xf32> to vector<32x128xf32>
      %select_n3A_733 = arith.select %broadcast_in_dim3A_730, %broadcast_in_dim3A_732, %get3A_728 : vector<32x128xi1>, vector<32x128xf32>
      %swap3A_734 = arith.constant 0 : index
      %swap3A_735 = arith.index_cast %multiple_of3A : i32 to index
      %swap3A_736 = vector.load %arg3[%swap3A_734, %swap3A_735] : memref<32x16384xf32, #tpu.memory_space<vmem>>, vector<32x128xf32>
      tpu.vector_store %arg3[%swap3A_734, %swap3A_735], %select_n3A_733 {strides = array<i32>} : memref<32x16384xf32, #tpu.memory_space<vmem>>, vector<32x128xf32>,
    } else {
    }
    %get3A_327 = arith.constant 30 : index
    %get3A_328 = memref.load %arg1[%get3A_327] : memref<64xi32, #tpu.memory_space<smem>>
    %sub3A_329 = arith.subi %get3A_328, %mul3A_0 : i32
    %ge3A_330 = arith.constant 0 : i32
    %ge3A_331 = arith.cmpi sge, %sub3A_329, %ge3A_330 : i32
    %lt3A_332 = arith.constant 16384 : i32
    %lt3A_333 = arith.cmpi slt, %sub3A_329, %lt3A_332 : i32
    %and3A_334 = arith.andi %ge3A_331, %lt3A_333 : i1
    %convert_element_type3A_335 = arith.extui %and3A_334 : i1 to i32
    %cond3A_336 = arith.constant 0 : i32
    %cond3A_337 = arith.cmpi ne, %convert_element_type3A_335, %cond3A_336 : i32
    scf.if %cond3A_337 {
      %jit3A = arith.constant 128 : i32
      %div3A = arith.divsi %sub3A_329, %jit3A : i32
      %sign3A = arith.constant 0 : i32
      %sign3A_701 = arith.cmpi sgt, %sub3A_329, %sign3A : i32
      %sign3A_702 = arith.extui %sign3A_701 : i1 to i32
      %sign3A_703 = arith.constant 0 : i32
      %sign3A_704 = arith.cmpi slt, %sub3A_329, %sign3A_703 : i32
      %sign3A_705 = arith.extui %sign3A_704 : i1 to i32
      %sign3A_706 = arith.subi %sign3A_702, %sign3A_705 : i32
      %sign3A_707 = arith.constant 0 : i32
      %sign3A_708 = arith.cmpi sgt, %jit3A, %sign3A_707 : i32
      %sign3A_709 = arith.extui %sign3A_708 : i1 to i32
      %sign3A_710 = arith.constant 0 : i32
      %sign3A_711 = arith.cmpi slt, %jit3A, %sign3A_710 : i32
      %sign3A_712 = arith.extui %sign3A_711 : i1 to i32
      %sign3A_713 = arith.subi %sign3A_709, %sign3A_712 : i32
      %ne3A = arith.cmpi ne, %sign3A_706, %sign3A_713 : i32
      %rem3A = arith.remsi %sub3A_329, %jit3A : i32
      %ne3A_714 = arith.constant 0 : i32
      %ne3A_715 = arith.cmpi ne, %rem3A, %ne3A_714 : i32
      %and3A_716 = arith.andi %ne3A, %ne3A_715 : i1
      %sub3A_717 = arith.constant 1 : i32
      %sub3A_718 = arith.subi %div3A, %sub3A_717 : i32
      %select_n3A = arith.select %and3A_716, %sub3A_718, %div3A : i32
      %mul3A_719 = arith.constant 128 : i32
      %mul3A_720 = arith.muli %select_n3A, %mul3A_719 : i32
      %multiple_of3A = tpu.assume_multiple %mul3A_720, 128 : i32
      %sub3A_721 = arith.subi %sub3A_329, %multiple_of3A : i32
      %eq3A = vector.broadcast %sub3A_721 : i32 to vector<1x128xi32>
      %eq3A_722 = arith.cmpi eq, %iota3A, %eq3A : vector<1x128xi32>
      %get3A_723 = arith.constant 0 : index
      %get3A_724 = arith.constant 30 : index
      %get3A_725 = vector.load %arg2[%get3A_723, %get3A_724] : memref<32x64xf32, #tpu.memory_space<vmem>>, vector<32x1xf32>
      %get3A_726 = arith.constant 0 : index
      %get3A_727 = arith.index_cast %multiple_of3A : i32 to index
      %get3A_728 = vector.load %arg3[%get3A_726, %get3A_727] : memref<32x16384xf32, #tpu.memory_space<vmem>>, vector<32x128xf32>
      %broadcast_in_dim3A_729 = vector.shape_cast %eq3A_722 : vector<1x128xi1> to vector<1x128xi1>
      %broadcast_in_dim3A_730 = vector.broadcast %broadcast_in_dim3A_729 : vector<1x128xi1> to vector<32x128xi1>
      %broadcast_in_dim3A_731 = vector.shape_cast %get3A_725 : vector<32x1xf32> to vector<32x1xf32>
      %broadcast_in_dim3A_732 = vector.broadcast %broadcast_in_dim3A_731 : vector<32x1xf32> to vector<32x128xf32>
      %select_n3A_733 = arith.select %broadcast_in_dim3A_730, %broadcast_in_dim3A_732, %get3A_728 : vector<32x128xi1>, vector<32x128xf32>
      %swap3A_734 = arith.constant 0 : index
      %swap3A_735 = arith.index_cast %multiple_of3A : i32 to index
      %swap3A_736 = vector.load %arg3[%swap3A_734, %swap3A_735] : memref<32x16384xf32, #tpu.memory_space<vmem>>, vector<32x128xf32>
      tpu.vector_store %arg3[%swap3A_734, %swap3A_735], %select_n3A_733 {strides = array<i32>} : memref<32x16384xf32, #tpu.memory_space<vmem>>, vector<32x128xf32>,
    } else {
    }
    %get3A_338 = arith.constant 31 : index
    %get3A_339 = memref.load %arg1[%get3A_338] : memref<64xi32, #tpu.memory_space<smem>>
    %sub3A_340 = arith.subi %get3A_339, %mul3A_0 : i32
    %ge3A_341 = arith.constant 0 : i32
    %ge3A_342 = arith.cmpi sge, %sub3A_340, %ge3A_341 : i32
    %lt3A_343 = arith.constant 16384 : i32
    %lt3A_344 = arith.cmpi slt, %sub3A_340, %lt3A_343 : i32
    %and3A_345 = arith.andi %ge3A_342, %lt3A_344 : i1
    %convert_element_type3A_346 = arith.extui %and3A_345 : i1 to i32
    %cond3A_347 = arith.constant 0 : i32
    %cond3A_348 = arith.cmpi ne, %convert_element_type3A_346, %cond3A_347 : i32
    scf.if %cond3A_348 {
      %jit3A = arith.constant 128 : i32
      %div3A = arith.divsi %sub3A_340, %jit3A : i32
      %sign3A = arith.constant 0 : i32
      %sign3A_701 = arith.cmpi sgt, %sub3A_340, %sign3A : i32
      %sign3A_702 = arith.extui %sign3A_701 : i1 to i32
      %sign3A_703 = arith.constant 0 : i32
      %sign3A_704 = arith.cmpi slt, %sub3A_340, %sign3A_703 : i32
      %sign3A_705 = arith.extui %sign3A_704 : i1 to i32
      %sign3A_706 = arith.subi %sign3A_702, %sign3A_705 : i32
      %sign3A_707 = arith.constant 0 : i32
      %sign3A_708 = arith.cmpi sgt, %jit3A, %sign3A_707 : i32
      %sign3A_709 = arith.extui %sign3A_708 : i1 to i32
      %sign3A_710 = arith.constant 0 : i32
      %sign3A_711 = arith.cmpi slt, %jit3A, %sign3A_710 : i32
      %sign3A_712 = arith.extui %sign3A_711 : i1 to i32
      %sign3A_713 = arith.subi %sign3A_709, %sign3A_712 : i32
      %ne3A = arith.cmpi ne, %sign3A_706, %sign3A_713 : i32
      %rem3A = arith.remsi %sub3A_340, %jit3A : i32
      %ne3A_714 = arith.constant 0 : i32
      %ne3A_715 = arith.cmpi ne, %rem3A, %ne3A_714 : i32
      %and3A_716 = arith.andi %ne3A, %ne3A_715 : i1
      %sub3A_717 = arith.constant 1 : i32
      %sub3A_718 = arith.subi %div3A, %sub3A_717 : i32
      %select_n3A = arith.select %and3A_716, %sub3A_718, %div3A : i32
      %mul3A_719 = arith.constant 128 : i32
      %mul3A_720 = arith.muli %select_n3A, %mul3A_719 : i32
      %multiple_of3A = tpu.assume_multiple %mul3A_720, 128 : i32
      %sub3A_721 = arith.subi %sub3A_340, %multiple_of3A : i32
      %eq3A = vector.broadcast %sub3A_721 : i32 to vector<1x128xi32>
      %eq3A_722 = arith.cmpi eq, %iota3A, %eq3A : vector<1x128xi32>
      %get3A_723 = arith.constant 0 : index
      %get3A_724 = arith.constant 31 : index
      %get3A_725 = vector.load %arg2[%get3A_723, %get3A_724] : memref<32x64xf32, #tpu.memory_space<vmem>>, vector<32x1xf32>
      %get3A_726 = arith.constant 0 : index
      %get3A_727 = arith.index_cast %multiple_of3A : i32 to index
      %get3A_728 = vector.load %arg3[%get3A_726, %get3A_727] : memref<32x16384xf32, #tpu.memory_space<vmem>>, vector<32x128xf32>
      %broadcast_in_dim3A_729 = vector.shape_cast %eq3A_722 : vector<1x128xi1> to vector<1x128xi1>
      %broadcast_in_dim3A_730 = vector.broadcast %broadcast_in_dim3A_729 : vector<1x128xi1> to vector<32x128xi1>
      %broadcast_in_dim3A_731 = vector.shape_cast %get3A_725 : vector<32x1xf32> to vector<32x1xf32>
      %broadcast_in_dim3A_732 = vector.broadcast %broadcast_in_dim3A_731 : vector<32x1xf32> to vector<32x128xf32>
      %select_n3A_733 = arith.select %broadcast_in_dim3A_730, %broadcast_in_dim3A_732, %get3A_728 : vector<32x128xi1>, vector<32x128xf32>
      %swap3A_734 = arith.constant 0 : index
      %swap3A_735 = arith.index_cast %multiple_of3A : i32 to index
      %swap3A_736 = vector.load %arg3[%swap3A_734, %swap3A_735] : memref<32x16384xf32, #tpu.memory_space<vmem>>, vector<32x128xf32>
      tpu.vector_store %arg3[%swap3A_734, %swap3A_735], %select_n3A_733 {strides = array<i32>} : memref<32x16384xf32, #tpu.memory_space<vmem>>, vector<32x128xf32>,
    } else {
    }
    %get3A_349 = arith.constant 32 : index
    %get3A_350 = memref.load %arg1[%get3A_349] : memref<64xi32, #tpu.memory_space<smem>>
    %sub3A_351 = arith.subi %get3A_350, %mul3A_0 : i32
    %ge3A_352 = arith.constant 0 : i32
    %ge3A_353 = arith.cmpi sge, %sub3A_351, %ge3A_352 : i32
    %lt3A_354 = arith.constant 16384 : i32
    %lt3A_355 = arith.cmpi slt, %sub3A_351, %lt3A_354 : i32
    %and3A_356 = arith.andi %ge3A_353, %lt3A_355 : i1
    %convert_element_type3A_357 = arith.extui %and3A_356 : i1 to i32
    %cond3A_358 = arith.constant 0 : i32
    %cond3A_359 = arith.cmpi ne, %convert_element_type3A_357, %cond3A_358 : i32
    scf.if %cond3A_359 {
      %jit3A = arith.constant 128 : i32
      %div3A = arith.divsi %sub3A_351, %jit3A : i32
      %sign3A = arith.constant 0 : i32
      %sign3A_701 = arith.cmpi sgt, %sub3A_351, %sign3A : i32
      %sign3A_702 = arith.extui %sign3A_701 : i1 to i32
      %sign3A_703 = arith.constant 0 : i32
      %sign3A_704 = arith.cmpi slt, %sub3A_351, %sign3A_703 : i32
      %sign3A_705 = arith.extui %sign3A_704 : i1 to i32
      %sign3A_706 = arith.subi %sign3A_702, %sign3A_705 : i32
      %sign3A_707 = arith.constant 0 : i32
      %sign3A_708 = arith.cmpi sgt, %jit3A, %sign3A_707 : i32
      %sign3A_709 = arith.extui %sign3A_708 : i1 to i32
      %sign3A_710 = arith.constant 0 : i32
      %sign3A_711 = arith.cmpi slt, %jit3A, %sign3A_710 : i32
      %sign3A_712 = arith.extui %sign3A_711 : i1 to i32
      %sign3A_713 = arith.subi %sign3A_709, %sign3A_712 : i32
      %ne3A = arith.cmpi ne, %sign3A_706, %sign3A_713 : i32
      %rem3A = arith.remsi %sub3A_351, %jit3A : i32
      %ne3A_714 = arith.constant 0 : i32
      %ne3A_715 = arith.cmpi ne, %rem3A, %ne3A_714 : i32
      %and3A_716 = arith.andi %ne3A, %ne3A_715 : i1
      %sub3A_717 = arith.constant 1 : i32
      %sub3A_718 = arith.subi %div3A, %sub3A_717 : i32
      %select_n3A = arith.select %and3A_716, %sub3A_718, %div3A : i32
      %mul3A_719 = arith.constant 128 : i32
      %mul3A_720 = arith.muli %select_n3A, %mul3A_719 : i32
      %multiple_of3A = tpu.assume_multiple %mul3A_720, 128 : i32
      %sub3A_721 = arith.subi %sub3A_351, %multiple_of3A : i32
      %eq3A = vector.broadcast %sub3A_721 : i32 to vector<1x128xi32>
      %eq3A_722 = arith.cmpi eq, %iota3A, %eq3A : vector<1x128xi32>
      %get3A_723 = arith.constant 0 : index
      %get3A_724 = arith.constant 32 : index
      %get3A_725 = vector.load %arg2[%get3A_723, %get3A_724] : memref<32x64xf32, #tpu.memory_space<vmem>>, vector<32x1xf32>
      %get3A_726 = arith.constant 0 : index
      %get3A_727 = arith.index_cast %multiple_of3A : i32 to index
      %get3A_728 = vector.load %arg3[%get3A_726, %get3A_727] : memref<32x16384xf32, #tpu.memory_space<vmem>>, vector<32x128xf32>
      %broadcast_in_dim3A_729 = vector.shape_cast %eq3A_722 : vector<1x128xi1> to vector<1x128xi1>
      %broadcast_in_dim3A_730 = vector.broadcast %broadcast_in_dim3A_729 : vector<1x128xi1> to vector<32x128xi1>
      %broadcast_in_dim3A_731 = vector.shape_cast %get3A_725 : vector<32x1xf32> to vector<32x1xf32>
      %broadcast_in_dim3A_732 = vector.broadcast %broadcast_in_dim3A_731 : vector<32x1xf32> to vector<32x128xf32>
      %select_n3A_733 = arith.select %broadcast_in_dim3A_730, %broadcast_in_dim3A_732, %get3A_728 : vector<32x128xi1>, vector<32x128xf32>
      %swap3A_734 = arith.constant 0 : index
      %swap3A_735 = arith.index_cast %multiple_of3A : i32 to index
      %swap3A_736 = vector.load %arg3[%swap3A_734, %swap3A_735] : memref<32x16384xf32, #tpu.memory_space<vmem>>, vector<32x128xf32>
      tpu.vector_store %arg3[%swap3A_734, %swap3A_735], %select_n3A_733 {strides = array<i32>} : memref<32x16384xf32, #tpu.memory_space<vmem>>, vector<32x128xf32>,
    } else {
    }
    %get3A_360 = arith.constant 33 : index
    %get3A_361 = memref.load %arg1[%get3A_360] : memref<64xi32, #tpu.memory_space<smem>>
    %sub3A_362 = arith.subi %get3A_361, %mul3A_0 : i32
    %ge3A_363 = arith.constant 0 : i32
    %ge3A_364 = arith.cmpi sge, %sub3A_362, %ge3A_363 : i32
    %lt3A_365 = arith.constant 16384 : i32
    %lt3A_366 = arith.cmpi slt, %sub3A_362, %lt3A_365 : i32
    %and3A_367 = arith.andi %ge3A_364, %lt3A_366 : i1
    %convert_element_type3A_368 = arith.extui %and3A_367 : i1 to i32
    %cond3A_369 = arith.constant 0 : i32
    %cond3A_370 = arith.cmpi ne, %convert_element_type3A_368, %cond3A_369 : i32
    scf.if %cond3A_370 {
      %jit3A = arith.constant 128 : i32
      %div3A = arith.divsi %sub3A_362, %jit3A : i32
      %sign3A = arith.constant 0 : i32
      %sign3A_701 = arith.cmpi sgt, %sub3A_362, %sign3A : i32
      %sign3A_702 = arith.extui %sign3A_701 : i1 to i32
      %sign3A_703 = arith.constant 0 : i32
      %sign3A_704 = arith.cmpi slt, %sub3A_362, %sign3A_703 : i32
      %sign3A_705 = arith.extui %sign3A_704 : i1 to i32
      %sign3A_706 = arith.subi %sign3A_702, %sign3A_705 : i32
      %sign3A_707 = arith.constant 0 : i32
      %sign3A_708 = arith.cmpi sgt, %jit3A, %sign3A_707 : i32
      %sign3A_709 = arith.extui %sign3A_708 : i1 to i32
      %sign3A_710 = arith.constant 0 : i32
      %sign3A_711 = arith.cmpi slt, %jit3A, %sign3A_710 : i32
      %sign3A_712 = arith.extui %sign3A_711 : i1 to i32
      %sign3A_713 = arith.subi %sign3A_709, %sign3A_712 : i32
      %ne3A = arith.cmpi ne, %sign3A_706, %sign3A_713 : i32
      %rem3A = arith.remsi %sub3A_362, %jit3A : i32
      %ne3A_714 = arith.constant 0 : i32
      %ne3A_715 = arith.cmpi ne, %rem3A, %ne3A_714 : i32
      %and3A_716 = arith.andi %ne3A, %ne3A_715 : i1
      %sub3A_717 = arith.constant 1 : i32
      %sub3A_718 = arith.subi %div3A, %sub3A_717 : i32
      %select_n3A = arith.select %and3A_716, %sub3A_718, %div3A : i32
      %mul3A_719 = arith.constant 128 : i32
      %mul3A_720 = arith.muli %select_n3A, %mul3A_719 : i32
      %multiple_of3A = tpu.assume_multiple %mul3A_720, 128 : i32
      %sub3A_721 = arith.subi %sub3A_362, %multiple_of3A : i32
      %eq3A = vector.broadcast %sub3A_721 : i32 to vector<1x128xi32>
      %eq3A_722 = arith.cmpi eq, %iota3A, %eq3A : vector<1x128xi32>
      %get3A_723 = arith.constant 0 : index
      %get3A_724 = arith.constant 33 : index
      %get3A_725 = vector.load %arg2[%get3A_723, %get3A_724] : memref<32x64xf32, #tpu.memory_space<vmem>>, vector<32x1xf32>
      %get3A_726 = arith.constant 0 : index
      %get3A_727 = arith.index_cast %multiple_of3A : i32 to index
      %get3A_728 = vector.load %arg3[%get3A_726, %get3A_727] : memref<32x16384xf32, #tpu.memory_space<vmem>>, vector<32x128xf32>
      %broadcast_in_dim3A_729 = vector.shape_cast %eq3A_722 : vector<1x128xi1> to vector<1x128xi1>
      %broadcast_in_dim3A_730 = vector.broadcast %broadcast_in_dim3A_729 : vector<1x128xi1> to vector<32x128xi1>
      %broadcast_in_dim3A_731 = vector.shape_cast %get3A_725 : vector<32x1xf32> to vector<32x1xf32>
      %broadcast_in_dim3A_732 = vector.broadcast %broadcast_in_dim3A_731 : vector<32x1xf32> to vector<32x128xf32>
      %select_n3A_733 = arith.select %broadcast_in_dim3A_730, %broadcast_in_dim3A_732, %get3A_728 : vector<32x128xi1>, vector<32x128xf32>
      %swap3A_734 = arith.constant 0 : index
      %swap3A_735 = arith.index_cast %multiple_of3A : i32 to index
      %swap3A_736 = vector.load %arg3[%swap3A_734, %swap3A_735] : memref<32x16384xf32, #tpu.memory_space<vmem>>, vector<32x128xf32>
      tpu.vector_store %arg3[%swap3A_734, %swap3A_735], %select_n3A_733 {strides = array<i32>} : memref<32x16384xf32, #tpu.memory_space<vmem>>, vector<32x128xf32>,
    } else {
    }
    %get3A_371 = arith.constant 34 : index
    %get3A_372 = memref.load %arg1[%get3A_371] : memref<64xi32, #tpu.memory_space<smem>>
    %sub3A_373 = arith.subi %get3A_372, %mul3A_0 : i32
    %ge3A_374 = arith.constant 0 : i32
    %ge3A_375 = arith.cmpi sge, %sub3A_373, %ge3A_374 : i32
    %lt3A_376 = arith.constant 16384 : i32
    %lt3A_377 = arith.cmpi slt, %sub3A_373, %lt3A_376 : i32
    %and3A_378 = arith.andi %ge3A_375, %lt3A_377 : i1
    %convert_element_type3A_379 = arith.extui %and3A_378 : i1 to i32
    %cond3A_380 = arith.constant 0 : i32
    %cond3A_381 = arith.cmpi ne, %convert_element_type3A_379, %cond3A_380 : i32
    scf.if %cond3A_381 {
      %jit3A = arith.constant 128 : i32
      %div3A = arith.divsi %sub3A_373, %jit3A : i32
      %sign3A = arith.constant 0 : i32
      %sign3A_701 = arith.cmpi sgt, %sub3A_373, %sign3A : i32
      %sign3A_702 = arith.extui %sign3A_701 : i1 to i32
      %sign3A_703 = arith.constant 0 : i32
      %sign3A_704 = arith.cmpi slt, %sub3A_373, %sign3A_703 : i32
      %sign3A_705 = arith.extui %sign3A_704 : i1 to i32
      %sign3A_706 = arith.subi %sign3A_702, %sign3A_705 : i32
      %sign3A_707 = arith.constant 0 : i32
      %sign3A_708 = arith.cmpi sgt, %jit3A, %sign3A_707 : i32
      %sign3A_709 = arith.extui %sign3A_708 : i1 to i32
      %sign3A_710 = arith.constant 0 : i32
      %sign3A_711 = arith.cmpi slt, %jit3A, %sign3A_710 : i32
      %sign3A_712 = arith.extui %sign3A_711 : i1 to i32
      %sign3A_713 = arith.subi %sign3A_709, %sign3A_712 : i32
      %ne3A = arith.cmpi ne, %sign3A_706, %sign3A_713 : i32
      %rem3A = arith.remsi %sub3A_373, %jit3A : i32
      %ne3A_714 = arith.constant 0 : i32
      %ne3A_715 = arith.cmpi ne, %rem3A, %ne3A_714 : i32
      %and3A_716 = arith.andi %ne3A, %ne3A_715 : i1
      %sub3A_717 = arith.constant 1 : i32
      %sub3A_718 = arith.subi %div3A, %sub3A_717 : i32
      %select_n3A = arith.select %and3A_716, %sub3A_718, %div3A : i32
      %mul3A_719 = arith.constant 128 : i32
      %mul3A_720 = arith.muli %select_n3A, %mul3A_719 : i32
      %multiple_of3A = tpu.assume_multiple %mul3A_720, 128 : i32
      %sub3A_721 = arith.subi %sub3A_373, %multiple_of3A : i32
      %eq3A = vector.broadcast %sub3A_721 : i32 to vector<1x128xi32>
      %eq3A_722 = arith.cmpi eq, %iota3A, %eq3A : vector<1x128xi32>
      %get3A_723 = arith.constant 0 : index
      %get3A_724 = arith.constant 34 : index
      %get3A_725 = vector.load %arg2[%get3A_723, %get3A_724] : memref<32x64xf32, #tpu.memory_space<vmem>>, vector<32x1xf32>
      %get3A_726 = arith.constant 0 : index
      %get3A_727 = arith.index_cast %multiple_of3A : i32 to index
      %get3A_728 = vector.load %arg3[%get3A_726, %get3A_727] : memref<32x16384xf32, #tpu.memory_space<vmem>>, vector<32x128xf32>
      %broadcast_in_dim3A_729 = vector.shape_cast %eq3A_722 : vector<1x128xi1> to vector<1x128xi1>
      %broadcast_in_dim3A_730 = vector.broadcast %broadcast_in_dim3A_729 : vector<1x128xi1> to vector<32x128xi1>
      %broadcast_in_dim3A_731 = vector.shape_cast %get3A_725 : vector<32x1xf32> to vector<32x1xf32>
      %broadcast_in_dim3A_732 = vector.broadcast %broadcast_in_dim3A_731 : vector<32x1xf32> to vector<32x128xf32>
      %select_n3A_733 = arith.select %broadcast_in_dim3A_730, %broadcast_in_dim3A_732, %get3A_728 : vector<32x128xi1>, vector<32x128xf32>
      %swap3A_734 = arith.constant 0 : index
      %swap3A_735 = arith.index_cast %multiple_of3A : i32 to index
      %swap3A_736 = vector.load %arg3[%swap3A_734, %swap3A_735] : memref<32x16384xf32, #tpu.memory_space<vmem>>, vector<32x128xf32>
      tpu.vector_store %arg3[%swap3A_734, %swap3A_735], %select_n3A_733 {strides = array<i32>} : memref<32x16384xf32, #tpu.memory_space<vmem>>, vector<32x128xf32>,
    } else {
    }
    %get3A_382 = arith.constant 35 : index
    %get3A_383 = memref.load %arg1[%get3A_382] : memref<64xi32, #tpu.memory_space<smem>>
    %sub3A_384 = arith.subi %get3A_383, %mul3A_0 : i32
    %ge3A_385 = arith.constant 0 : i32
    %ge3A_386 = arith.cmpi sge, %sub3A_384, %ge3A_385 : i32
    %lt3A_387 = arith.constant 16384 : i32
    %lt3A_388 = arith.cmpi slt, %sub3A_384, %lt3A_387 : i32
    %and3A_389 = arith.andi %ge3A_386, %lt3A_388 : i1
    %convert_element_type3A_390 = arith.extui %and3A_389 : i1 to i32
    %cond3A_391 = arith.constant 0 : i32
    %cond3A_392 = arith.cmpi ne, %convert_element_type3A_390, %cond3A_391 : i32
    scf.if %cond3A_392 {
      %jit3A = arith.constant 128 : i32
      %div3A = arith.divsi %sub3A_384, %jit3A : i32
      %sign3A = arith.constant 0 : i32
      %sign3A_701 = arith.cmpi sgt, %sub3A_384, %sign3A : i32
      %sign3A_702 = arith.extui %sign3A_701 : i1 to i32
      %sign3A_703 = arith.constant 0 : i32
      %sign3A_704 = arith.cmpi slt, %sub3A_384, %sign3A_703 : i32
      %sign3A_705 = arith.extui %sign3A_704 : i1 to i32
      %sign3A_706 = arith.subi %sign3A_702, %sign3A_705 : i32
      %sign3A_707 = arith.constant 0 : i32
      %sign3A_708 = arith.cmpi sgt, %jit3A, %sign3A_707 : i32
      %sign3A_709 = arith.extui %sign3A_708 : i1 to i32
      %sign3A_710 = arith.constant 0 : i32
      %sign3A_711 = arith.cmpi slt, %jit3A, %sign3A_710 : i32
      %sign3A_712 = arith.extui %sign3A_711 : i1 to i32
      %sign3A_713 = arith.subi %sign3A_709, %sign3A_712 : i32
      %ne3A = arith.cmpi ne, %sign3A_706, %sign3A_713 : i32
      %rem3A = arith.remsi %sub3A_384, %jit3A : i32
      %ne3A_714 = arith.constant 0 : i32
      %ne3A_715 = arith.cmpi ne, %rem3A, %ne3A_714 : i32
      %and3A_716 = arith.andi %ne3A, %ne3A_715 : i1
      %sub3A_717 = arith.constant 1 : i32
      %sub3A_718 = arith.subi %div3A, %sub3A_717 : i32
      %select_n3A = arith.select %and3A_716, %sub3A_718, %div3A : i32
      %mul3A_719 = arith.constant 128 : i32
      %mul3A_720 = arith.muli %select_n3A, %mul3A_719 : i32
      %multiple_of3A = tpu.assume_multiple %mul3A_720, 128 : i32
      %sub3A_721 = arith.subi %sub3A_384, %multiple_of3A : i32
      %eq3A = vector.broadcast %sub3A_721 : i32 to vector<1x128xi32>
      %eq3A_722 = arith.cmpi eq, %iota3A, %eq3A : vector<1x128xi32>
      %get3A_723 = arith.constant 0 : index
      %get3A_724 = arith.constant 35 : index
      %get3A_725 = vector.load %arg2[%get3A_723, %get3A_724] : memref<32x64xf32, #tpu.memory_space<vmem>>, vector<32x1xf32>
      %get3A_726 = arith.constant 0 : index
      %get3A_727 = arith.index_cast %multiple_of3A : i32 to index
      %get3A_728 = vector.load %arg3[%get3A_726, %get3A_727] : memref<32x16384xf32, #tpu.memory_space<vmem>>, vector<32x128xf32>
      %broadcast_in_dim3A_729 = vector.shape_cast %eq3A_722 : vector<1x128xi1> to vector<1x128xi1>
      %broadcast_in_dim3A_730 = vector.broadcast %broadcast_in_dim3A_729 : vector<1x128xi1> to vector<32x128xi1>
      %broadcast_in_dim3A_731 = vector.shape_cast %get3A_725 : vector<32x1xf32> to vector<32x1xf32>
      %broadcast_in_dim3A_732 = vector.broadcast %broadcast_in_dim3A_731 : vector<32x1xf32> to vector<32x128xf32>
      %select_n3A_733 = arith.select %broadcast_in_dim3A_730, %broadcast_in_dim3A_732, %get3A_728 : vector<32x128xi1>, vector<32x128xf32>
      %swap3A_734 = arith.constant 0 : index
      %swap3A_735 = arith.index_cast %multiple_of3A : i32 to index
      %swap3A_736 = vector.load %arg3[%swap3A_734, %swap3A_735] : memref<32x16384xf32, #tpu.memory_space<vmem>>, vector<32x128xf32>
      tpu.vector_store %arg3[%swap3A_734, %swap3A_735], %select_n3A_733 {strides = array<i32>} : memref<32x16384xf32, #tpu.memory_space<vmem>>, vector<32x128xf32>,
    } else {
    }
    %get3A_393 = arith.constant 36 : index
    %get3A_394 = memref.load %arg1[%get3A_393] : memref<64xi32, #tpu.memory_space<smem>>
    %sub3A_395 = arith.subi %get3A_394, %mul3A_0 : i32
    %ge3A_396 = arith.constant 0 : i32
    %ge3A_397 = arith.cmpi sge, %sub3A_395, %ge3A_396 : i32
    %lt3A_398 = arith.constant 16384 : i32
    %lt3A_399 = arith.cmpi slt, %sub3A_395, %lt3A_398 : i32
    %and3A_400 = arith.andi %ge3A_397, %lt3A_399 : i1
    %convert_element_type3A_401 = arith.extui %and3A_400 : i1 to i32
    %cond3A_402 = arith.constant 0 : i32
    %cond3A_403 = arith.cmpi ne, %convert_element_type3A_401, %cond3A_402 : i32
    scf.if %cond3A_403 {
      %jit3A = arith.constant 128 : i32
      %div3A = arith.divsi %sub3A_395, %jit3A : i32
      %sign3A = arith.constant 0 : i32
      %sign3A_701 = arith.cmpi sgt, %sub3A_395, %sign3A : i32
      %sign3A_702 = arith.extui %sign3A_701 : i1 to i32
      %sign3A_703 = arith.constant 0 : i32
      %sign3A_704 = arith.cmpi slt, %sub3A_395, %sign3A_703 : i32
      %sign3A_705 = arith.extui %sign3A_704 : i1 to i32
      %sign3A_706 = arith.subi %sign3A_702, %sign3A_705 : i32
      %sign3A_707 = arith.constant 0 : i32
      %sign3A_708 = arith.cmpi sgt, %jit3A, %sign3A_707 : i32
      %sign3A_709 = arith.extui %sign3A_708 : i1 to i32
      %sign3A_710 = arith.constant 0 : i32
      %sign3A_711 = arith.cmpi slt, %jit3A, %sign3A_710 : i32
      %sign3A_712 = arith.extui %sign3A_711 : i1 to i32
      %sign3A_713 = arith.subi %sign3A_709, %sign3A_712 : i32
      %ne3A = arith.cmpi ne, %sign3A_706, %sign3A_713 : i32
      %rem3A = arith.remsi %sub3A_395, %jit3A : i32
      %ne3A_714 = arith.constant 0 : i32
      %ne3A_715 = arith.cmpi ne, %rem3A, %ne3A_714 : i32
      %and3A_716 = arith.andi %ne3A, %ne3A_715 : i1
      %sub3A_717 = arith.constant 1 : i32
      %sub3A_718 = arith.subi %div3A, %sub3A_717 : i32
      %select_n3A = arith.select %and3A_716, %sub3A_718, %div3A : i32
      %mul3A_719 = arith.constant 128 : i32
      %mul3A_720 = arith.muli %select_n3A, %mul3A_719 : i32
      %multiple_of3A = tpu.assume_multiple %mul3A_720, 128 : i32
      %sub3A_721 = arith.subi %sub3A_395, %multiple_of3A : i32
      %eq3A = vector.broadcast %sub3A_721 : i32 to vector<1x128xi32>
      %eq3A_722 = arith.cmpi eq, %iota3A, %eq3A : vector<1x128xi32>
      %get3A_723 = arith.constant 0 : index
      %get3A_724 = arith.constant 36 : index
      %get3A_725 = vector.load %arg2[%get3A_723, %get3A_724] : memref<32x64xf32, #tpu.memory_space<vmem>>, vector<32x1xf32>
      %get3A_726 = arith.constant 0 : index
      %get3A_727 = arith.index_cast %multiple_of3A : i32 to index
      %get3A_728 = vector.load %arg3[%get3A_726, %get3A_727] : memref<32x16384xf32, #tpu.memory_space<vmem>>, vector<32x128xf32>
      %broadcast_in_dim3A_729 = vector.shape_cast %eq3A_722 : vector<1x128xi1> to vector<1x128xi1>
      %broadcast_in_dim3A_730 = vector.broadcast %broadcast_in_dim3A_729 : vector<1x128xi1> to vector<32x128xi1>
      %broadcast_in_dim3A_731 = vector.shape_cast %get3A_725 : vector<32x1xf32> to vector<32x1xf32>
      %broadcast_in_dim3A_732 = vector.broadcast %broadcast_in_dim3A_731 : vector<32x1xf32> to vector<32x128xf32>
      %select_n3A_733 = arith.select %broadcast_in_dim3A_730, %broadcast_in_dim3A_732, %get3A_728 : vector<32x128xi1>, vector<32x128xf32>
      %swap3A_734 = arith.constant 0 : index
      %swap3A_735 = arith.index_cast %multiple_of3A : i32 to index
      %swap3A_736 = vector.load %arg3[%swap3A_734, %swap3A_735] : memref<32x16384xf32, #tpu.memory_space<vmem>>, vector<32x128xf32>
      tpu.vector_store %arg3[%swap3A_734, %swap3A_735], %select_n3A_733 {strides = array<i32>} : memref<32x16384xf32, #tpu.memory_space<vmem>>, vector<32x128xf32>,
    } else {
    }
    %get3A_404 = arith.constant 37 : index
    %get3A_405 = memref.load %arg1[%get3A_404] : memref<64xi32, #tpu.memory_space<smem>>
    %sub3A_406 = arith.subi %get3A_405, %mul3A_0 : i32
    %ge3A_407 = arith.constant 0 : i32
    %ge3A_408 = arith.cmpi sge, %sub3A_406, %ge3A_407 : i32
    %lt3A_409 = arith.constant 16384 : i32
    %lt3A_410 = arith.cmpi slt, %sub3A_406, %lt3A_409 : i32
    %and3A_411 = arith.andi %ge3A_408, %lt3A_410 : i1
    %convert_element_type3A_412 = arith.extui %and3A_411 : i1 to i32
    %cond3A_413 = arith.constant 0 : i32
    %cond3A_414 = arith.cmpi ne, %convert_element_type3A_412, %cond3A_413 : i32
    scf.if %cond3A_414 {
      %jit3A = arith.constant 128 : i32
      %div3A = arith.divsi %sub3A_406, %jit3A : i32
      %sign3A = arith.constant 0 : i32
      %sign3A_701 = arith.cmpi sgt, %sub3A_406, %sign3A : i32
      %sign3A_702 = arith.extui %sign3A_701 : i1 to i32
      %sign3A_703 = arith.constant 0 : i32
      %sign3A_704 = arith.cmpi slt, %sub3A_406, %sign3A_703 : i32
      %sign3A_705 = arith.extui %sign3A_704 : i1 to i32
      %sign3A_706 = arith.subi %sign3A_702, %sign3A_705 : i32
      %sign3A_707 = arith.constant 0 : i32
      %sign3A_708 = arith.cmpi sgt, %jit3A, %sign3A_707 : i32
      %sign3A_709 = arith.extui %sign3A_708 : i1 to i32
      %sign3A_710 = arith.constant 0 : i32
      %sign3A_711 = arith.cmpi slt, %jit3A, %sign3A_710 : i32
      %sign3A_712 = arith.extui %sign3A_711 : i1 to i32
      %sign3A_713 = arith.subi %sign3A_709, %sign3A_712 : i32
      %ne3A = arith.cmpi ne, %sign3A_706, %sign3A_713 : i32
      %rem3A = arith.remsi %sub3A_406, %jit3A : i32
      %ne3A_714 = arith.constant 0 : i32
      %ne3A_715 = arith.cmpi ne, %rem3A, %ne3A_714 : i32
      %and3A_716 = arith.andi %ne3A, %ne3A_715 : i1
      %sub3A_717 = arith.constant 1 : i32
      %sub3A_718 = arith.subi %div3A, %sub3A_717 : i32
      %select_n3A = arith.select %and3A_716, %sub3A_718, %div3A : i32
      %mul3A_719 = arith.constant 128 : i32
      %mul3A_720 = arith.muli %select_n3A, %mul3A_719 : i32
      %multiple_of3A = tpu.assume_multiple %mul3A_720, 128 : i32
      %sub3A_721 = arith.subi %sub3A_406, %multiple_of3A : i32
      %eq3A = vector.broadcast %sub3A_721 : i32 to vector<1x128xi32>
      %eq3A_722 = arith.cmpi eq, %iota3A, %eq3A : vector<1x128xi32>
      %get3A_723 = arith.constant 0 : index
      %get3A_724 = arith.constant 37 : index
      %get3A_725 = vector.load %arg2[%get3A_723, %get3A_724] : memref<32x64xf32, #tpu.memory_space<vmem>>, vector<32x1xf32>
      %get3A_726 = arith.constant 0 : index
      %get3A_727 = arith.index_cast %multiple_of3A : i32 to index
      %get3A_728 = vector.load %arg3[%get3A_726, %get3A_727] : memref<32x16384xf32, #tpu.memory_space<vmem>>, vector<32x128xf32>
      %broadcast_in_dim3A_729 = vector.shape_cast %eq3A_722 : vector<1x128xi1> to vector<1x128xi1>
      %broadcast_in_dim3A_730 = vector.broadcast %broadcast_in_dim3A_729 : vector<1x128xi1> to vector<32x128xi1>
      %broadcast_in_dim3A_731 = vector.shape_cast %get3A_725 : vector<32x1xf32> to vector<32x1xf32>
      %broadcast_in_dim3A_732 = vector.broadcast %broadcast_in_dim3A_731 : vector<32x1xf32> to vector<32x128xf32>
      %select_n3A_733 = arith.select %broadcast_in_dim3A_730, %broadcast_in_dim3A_732, %get3A_728 : vector<32x128xi1>, vector<32x128xf32>
      %swap3A_734 = arith.constant 0 : index
      %swap3A_735 = arith.index_cast %multiple_of3A : i32 to index
      %swap3A_736 = vector.load %arg3[%swap3A_734, %swap3A_735] : memref<32x16384xf32, #tpu.memory_space<vmem>>, vector<32x128xf32>
      tpu.vector_store %arg3[%swap3A_734, %swap3A_735], %select_n3A_733 {strides = array<i32>} : memref<32x16384xf32, #tpu.memory_space<vmem>>, vector<32x128xf32>,
    } else {
    }
    %get3A_415 = arith.constant 38 : index
    %get3A_416 = memref.load %arg1[%get3A_415] : memref<64xi32, #tpu.memory_space<smem>>
    %sub3A_417 = arith.subi %get3A_416, %mul3A_0 : i32
    %ge3A_418 = arith.constant 0 : i32
    %ge3A_419 = arith.cmpi sge, %sub3A_417, %ge3A_418 : i32
    %lt3A_420 = arith.constant 16384 : i32
    %lt3A_421 = arith.cmpi slt, %sub3A_417, %lt3A_420 : i32
    %and3A_422 = arith.andi %ge3A_419, %lt3A_421 : i1
    %convert_element_type3A_423 = arith.extui %and3A_422 : i1 to i32
    %cond3A_424 = arith.constant 0 : i32
    %cond3A_425 = arith.cmpi ne, %convert_element_type3A_423, %cond3A_424 : i32
    scf.if %cond3A_425 {
      %jit3A = arith.constant 128 : i32
      %div3A = arith.divsi %sub3A_417, %jit3A : i32
      %sign3A = arith.constant 0 : i32
      %sign3A_701 = arith.cmpi sgt, %sub3A_417, %sign3A : i32
      %sign3A_702 = arith.extui %sign3A_701 : i1 to i32
      %sign3A_703 = arith.constant 0 : i32
      %sign3A_704 = arith.cmpi slt, %sub3A_417, %sign3A_703 : i32
      %sign3A_705 = arith.extui %sign3A_704 : i1 to i32
      %sign3A_706 = arith.subi %sign3A_702, %sign3A_705 : i32
      %sign3A_707 = arith.constant 0 : i32
      %sign3A_708 = arith.cmpi sgt, %jit3A, %sign3A_707 : i32
      %sign3A_709 = arith.extui %sign3A_708 : i1 to i32
      %sign3A_710 = arith.constant 0 : i32
      %sign3A_711 = arith.cmpi slt, %jit3A, %sign3A_710 : i32
      %sign3A_712 = arith.extui %sign3A_711 : i1 to i32
      %sign3A_713 = arith.subi %sign3A_709, %sign3A_712 : i32
      %ne3A = arith.cmpi ne, %sign3A_706, %sign3A_713 : i32
      %rem3A = arith.remsi %sub3A_417, %jit3A : i32
      %ne3A_714 = arith.constant 0 : i32
      %ne3A_715 = arith.cmpi ne, %rem3A, %ne3A_714 : i32
      %and3A_716 = arith.andi %ne3A, %ne3A_715 : i1
      %sub3A_717 = arith.constant 1 : i32
      %sub3A_718 = arith.subi %div3A, %sub3A_717 : i32
      %select_n3A = arith.select %and3A_716, %sub3A_718, %div3A : i32
      %mul3A_719 = arith.constant 128 : i32
      %mul3A_720 = arith.muli %select_n3A, %mul3A_719 : i32
      %multiple_of3A = tpu.assume_multiple %mul3A_720, 128 : i32
      %sub3A_721 = arith.subi %sub3A_417, %multiple_of3A : i32
      %eq3A = vector.broadcast %sub3A_721 : i32 to vector<1x128xi32>
      %eq3A_722 = arith.cmpi eq, %iota3A, %eq3A : vector<1x128xi32>
      %get3A_723 = arith.constant 0 : index
      %get3A_724 = arith.constant 38 : index
      %get3A_725 = vector.load %arg2[%get3A_723, %get3A_724] : memref<32x64xf32, #tpu.memory_space<vmem>>, vector<32x1xf32>
      %get3A_726 = arith.constant 0 : index
      %get3A_727 = arith.index_cast %multiple_of3A : i32 to index
      %get3A_728 = vector.load %arg3[%get3A_726, %get3A_727] : memref<32x16384xf32, #tpu.memory_space<vmem>>, vector<32x128xf32>
      %broadcast_in_dim3A_729 = vector.shape_cast %eq3A_722 : vector<1x128xi1> to vector<1x128xi1>
      %broadcast_in_dim3A_730 = vector.broadcast %broadcast_in_dim3A_729 : vector<1x128xi1> to vector<32x128xi1>
      %broadcast_in_dim3A_731 = vector.shape_cast %get3A_725 : vector<32x1xf32> to vector<32x1xf32>
      %broadcast_in_dim3A_732 = vector.broadcast %broadcast_in_dim3A_731 : vector<32x1xf32> to vector<32x128xf32>
      %select_n3A_733 = arith.select %broadcast_in_dim3A_730, %broadcast_in_dim3A_732, %get3A_728 : vector<32x128xi1>, vector<32x128xf32>
      %swap3A_734 = arith.constant 0 : index
      %swap3A_735 = arith.index_cast %multiple_of3A : i32 to index
      %swap3A_736 = vector.load %arg3[%swap3A_734, %swap3A_735] : memref<32x16384xf32, #tpu.memory_space<vmem>>, vector<32x128xf32>
      tpu.vector_store %arg3[%swap3A_734, %swap3A_735], %select_n3A_733 {strides = array<i32>} : memref<32x16384xf32, #tpu.memory_space<vmem>>, vector<32x128xf32>,
    } else {
    }
    %get3A_426 = arith.constant 39 : index
    %get3A_427 = memref.load %arg1[%get3A_426] : memref<64xi32, #tpu.memory_space<smem>>
    %sub3A_428 = arith.subi %get3A_427, %mul3A_0 : i32
    %ge3A_429 = arith.constant 0 : i32
    %ge3A_430 = arith.cmpi sge, %sub3A_428, %ge3A_429 : i32
    %lt3A_431 = arith.constant 16384 : i32
    %lt3A_432 = arith.cmpi slt, %sub3A_428, %lt3A_431 : i32
    %and3A_433 = arith.andi %ge3A_430, %lt3A_432 : i1
    %convert_element_type3A_434 = arith.extui %and3A_433 : i1 to i32
    %cond3A_435 = arith.constant 0 : i32
    %cond3A_436 = arith.cmpi ne, %convert_element_type3A_434, %cond3A_435 : i32
    scf.if %cond3A_436 {
      %jit3A = arith.constant 128 : i32
      %div3A = arith.divsi %sub3A_428, %jit3A : i32
      %sign3A = arith.constant 0 : i32
      %sign3A_701 = arith.cmpi sgt, %sub3A_428, %sign3A : i32
      %sign3A_702 = arith.extui %sign3A_701 : i1 to i32
      %sign3A_703 = arith.constant 0 : i32
      %sign3A_704 = arith.cmpi slt, %sub3A_428, %sign3A_703 : i32
      %sign3A_705 = arith.extui %sign3A_704 : i1 to i32
      %sign3A_706 = arith.subi %sign3A_702, %sign3A_705 : i32
      %sign3A_707 = arith.constant 0 : i32
      %sign3A_708 = arith.cmpi sgt, %jit3A, %sign3A_707 : i32
      %sign3A_709 = arith.extui %sign3A_708 : i1 to i32
      %sign3A_710 = arith.constant 0 : i32
      %sign3A_711 = arith.cmpi slt, %jit3A, %sign3A_710 : i32
      %sign3A_712 = arith.extui %sign3A_711 : i1 to i32
      %sign3A_713 = arith.subi %sign3A_709, %sign3A_712 : i32
      %ne3A = arith.cmpi ne, %sign3A_706, %sign3A_713 : i32
      %rem3A = arith.remsi %sub3A_428, %jit3A : i32
      %ne3A_714 = arith.constant 0 : i32
      %ne3A_715 = arith.cmpi ne, %rem3A, %ne3A_714 : i32
      %and3A_716 = arith.andi %ne3A, %ne3A_715 : i1
      %sub3A_717 = arith.constant 1 : i32
      %sub3A_718 = arith.subi %div3A, %sub3A_717 : i32
      %select_n3A = arith.select %and3A_716, %sub3A_718, %div3A : i32
      %mul3A_719 = arith.constant 128 : i32
      %mul3A_720 = arith.muli %select_n3A, %mul3A_719 : i32
      %multiple_of3A = tpu.assume_multiple %mul3A_720, 128 : i32
      %sub3A_721 = arith.subi %sub3A_428, %multiple_of3A : i32
      %eq3A = vector.broadcast %sub3A_721 : i32 to vector<1x128xi32>
      %eq3A_722 = arith.cmpi eq, %iota3A, %eq3A : vector<1x128xi32>
      %get3A_723 = arith.constant 0 : index
      %get3A_724 = arith.constant 39 : index
      %get3A_725 = vector.load %arg2[%get3A_723, %get3A_724] : memref<32x64xf32, #tpu.memory_space<vmem>>, vector<32x1xf32>
      %get3A_726 = arith.constant 0 : index
      %get3A_727 = arith.index_cast %multiple_of3A : i32 to index
      %get3A_728 = vector.load %arg3[%get3A_726, %get3A_727] : memref<32x16384xf32, #tpu.memory_space<vmem>>, vector<32x128xf32>
      %broadcast_in_dim3A_729 = vector.shape_cast %eq3A_722 : vector<1x128xi1> to vector<1x128xi1>
      %broadcast_in_dim3A_730 = vector.broadcast %broadcast_in_dim3A_729 : vector<1x128xi1> to vector<32x128xi1>
      %broadcast_in_dim3A_731 = vector.shape_cast %get3A_725 : vector<32x1xf32> to vector<32x1xf32>
      %broadcast_in_dim3A_732 = vector.broadcast %broadcast_in_dim3A_731 : vector<32x1xf32> to vector<32x128xf32>
      %select_n3A_733 = arith.select %broadcast_in_dim3A_730, %broadcast_in_dim3A_732, %get3A_728 : vector<32x128xi1>, vector<32x128xf32>
      %swap3A_734 = arith.constant 0 : index
      %swap3A_735 = arith.index_cast %multiple_of3A : i32 to index
      %swap3A_736 = vector.load %arg3[%swap3A_734, %swap3A_735] : memref<32x16384xf32, #tpu.memory_space<vmem>>, vector<32x128xf32>
      tpu.vector_store %arg3[%swap3A_734, %swap3A_735], %select_n3A_733 {strides = array<i32>} : memref<32x16384xf32, #tpu.memory_space<vmem>>, vector<32x128xf32>,
    } else {
    }
    %get3A_437 = arith.constant 40 : index
    %get3A_438 = memref.load %arg1[%get3A_437] : memref<64xi32, #tpu.memory_space<smem>>
    %sub3A_439 = arith.subi %get3A_438, %mul3A_0 : i32
    %ge3A_440 = arith.constant 0 : i32
    %ge3A_441 = arith.cmpi sge, %sub3A_439, %ge3A_440 : i32
    %lt3A_442 = arith.constant 16384 : i32
    %lt3A_443 = arith.cmpi slt, %sub3A_439, %lt3A_442 : i32
    %and3A_444 = arith.andi %ge3A_441, %lt3A_443 : i1
    %convert_element_type3A_445 = arith.extui %and3A_444 : i1 to i32
    %cond3A_446 = arith.constant 0 : i32
    %cond3A_447 = arith.cmpi ne, %convert_element_type3A_445, %cond3A_446 : i32
    scf.if %cond3A_447 {
      %jit3A = arith.constant 128 : i32
      %div3A = arith.divsi %sub3A_439, %jit3A : i32
      %sign3A = arith.constant 0 : i32
      %sign3A_701 = arith.cmpi sgt, %sub3A_439, %sign3A : i32
      %sign3A_702 = arith.extui %sign3A_701 : i1 to i32
      %sign3A_703 = arith.constant 0 : i32
      %sign3A_704 = arith.cmpi slt, %sub3A_439, %sign3A_703 : i32
      %sign3A_705 = arith.extui %sign3A_704 : i1 to i32
      %sign3A_706 = arith.subi %sign3A_702, %sign3A_705 : i32
      %sign3A_707 = arith.constant 0 : i32
      %sign3A_708 = arith.cmpi sgt, %jit3A, %sign3A_707 : i32
      %sign3A_709 = arith.extui %sign3A_708 : i1 to i32
      %sign3A_710 = arith.constant 0 : i32
      %sign3A_711 = arith.cmpi slt, %jit3A, %sign3A_710 : i32
      %sign3A_712 = arith.extui %sign3A_711 : i1 to i32
      %sign3A_713 = arith.subi %sign3A_709, %sign3A_712 : i32
      %ne3A = arith.cmpi ne, %sign3A_706, %sign3A_713 : i32
      %rem3A = arith.remsi %sub3A_439, %jit3A : i32
      %ne3A_714 = arith.constant 0 : i32
      %ne3A_715 = arith.cmpi ne, %rem3A, %ne3A_714 : i32
      %and3A_716 = arith.andi %ne3A, %ne3A_715 : i1
      %sub3A_717 = arith.constant 1 : i32
      %sub3A_718 = arith.subi %div3A, %sub3A_717 : i32
      %select_n3A = arith.select %and3A_716, %sub3A_718, %div3A : i32
      %mul3A_719 = arith.constant 128 : i32
      %mul3A_720 = arith.muli %select_n3A, %mul3A_719 : i32
      %multiple_of3A = tpu.assume_multiple %mul3A_720, 128 : i32
      %sub3A_721 = arith.subi %sub3A_439, %multiple_of3A : i32
      %eq3A = vector.broadcast %sub3A_721 : i32 to vector<1x128xi32>
      %eq3A_722 = arith.cmpi eq, %iota3A, %eq3A : vector<1x128xi32>
      %get3A_723 = arith.constant 0 : index
      %get3A_724 = arith.constant 40 : index
      %get3A_725 = vector.load %arg2[%get3A_723, %get3A_724] : memref<32x64xf32, #tpu.memory_space<vmem>>, vector<32x1xf32>
      %get3A_726 = arith.constant 0 : index
      %get3A_727 = arith.index_cast %multiple_of3A : i32 to index
      %get3A_728 = vector.load %arg3[%get3A_726, %get3A_727] : memref<32x16384xf32, #tpu.memory_space<vmem>>, vector<32x128xf32>
      %broadcast_in_dim3A_729 = vector.shape_cast %eq3A_722 : vector<1x128xi1> to vector<1x128xi1>
      %broadcast_in_dim3A_730 = vector.broadcast %broadcast_in_dim3A_729 : vector<1x128xi1> to vector<32x128xi1>
      %broadcast_in_dim3A_731 = vector.shape_cast %get3A_725 : vector<32x1xf32> to vector<32x1xf32>
      %broadcast_in_dim3A_732 = vector.broadcast %broadcast_in_dim3A_731 : vector<32x1xf32> to vector<32x128xf32>
      %select_n3A_733 = arith.select %broadcast_in_dim3A_730, %broadcast_in_dim3A_732, %get3A_728 : vector<32x128xi1>, vector<32x128xf32>
      %swap3A_734 = arith.constant 0 : index
      %swap3A_735 = arith.index_cast %multiple_of3A : i32 to index
      %swap3A_736 = vector.load %arg3[%swap3A_734, %swap3A_735] : memref<32x16384xf32, #tpu.memory_space<vmem>>, vector<32x128xf32>
      tpu.vector_store %arg3[%swap3A_734, %swap3A_735], %select_n3A_733 {strides = array<i32>} : memref<32x16384xf32, #tpu.memory_space<vmem>>, vector<32x128xf32>,
    } else {
    }
    %get3A_448 = arith.constant 41 : index
    %get3A_449 = memref.load %arg1[%get3A_448] : memref<64xi32, #tpu.memory_space<smem>>
    %sub3A_450 = arith.subi %get3A_449, %mul3A_0 : i32
    %ge3A_451 = arith.constant 0 : i32
    %ge3A_452 = arith.cmpi sge, %sub3A_450, %ge3A_451 : i32
    %lt3A_453 = arith.constant 16384 : i32
    %lt3A_454 = arith.cmpi slt, %sub3A_450, %lt3A_453 : i32
    %and3A_455 = arith.andi %ge3A_452, %lt3A_454 : i1
    %convert_element_type3A_456 = arith.extui %and3A_455 : i1 to i32
    %cond3A_457 = arith.constant 0 : i32
    %cond3A_458 = arith.cmpi ne, %convert_element_type3A_456, %cond3A_457 : i32
    scf.if %cond3A_458 {
      %jit3A = arith.constant 128 : i32
      %div3A = arith.divsi %sub3A_450, %jit3A : i32
      %sign3A = arith.constant 0 : i32
      %sign3A_701 = arith.cmpi sgt, %sub3A_450, %sign3A : i32
      %sign3A_702 = arith.extui %sign3A_701 : i1 to i32
      %sign3A_703 = arith.constant 0 : i32
      %sign3A_704 = arith.cmpi slt, %sub3A_450, %sign3A_703 : i32
      %sign3A_705 = arith.extui %sign3A_704 : i1 to i32
      %sign3A_706 = arith.subi %sign3A_702, %sign3A_705 : i32
      %sign3A_707 = arith.constant 0 : i32
      %sign3A_708 = arith.cmpi sgt, %jit3A, %sign3A_707 : i32
      %sign3A_709 = arith.extui %sign3A_708 : i1 to i32
      %sign3A_710 = arith.constant 0 : i32
      %sign3A_711 = arith.cmpi slt, %jit3A, %sign3A_710 : i32
      %sign3A_712 = arith.extui %sign3A_711 : i1 to i32
      %sign3A_713 = arith.subi %sign3A_709, %sign3A_712 : i32
      %ne3A = arith.cmpi ne, %sign3A_706, %sign3A_713 : i32
      %rem3A = arith.remsi %sub3A_450, %jit3A : i32
      %ne3A_714 = arith.constant 0 : i32
      %ne3A_715 = arith.cmpi ne, %rem3A, %ne3A_714 : i32
      %and3A_716 = arith.andi %ne3A, %ne3A_715 : i1
      %sub3A_717 = arith.constant 1 : i32
      %sub3A_718 = arith.subi %div3A, %sub3A_717 : i32
      %select_n3A = arith.select %and3A_716, %sub3A_718, %div3A : i32
      %mul3A_719 = arith.constant 128 : i32
      %mul3A_720 = arith.muli %select_n3A, %mul3A_719 : i32
      %multiple_of3A = tpu.assume_multiple %mul3A_720, 128 : i32
      %sub3A_721 = arith.subi %sub3A_450, %multiple_of3A : i32
      %eq3A = vector.broadcast %sub3A_721 : i32 to vector<1x128xi32>
      %eq3A_722 = arith.cmpi eq, %iota3A, %eq3A : vector<1x128xi32>
      %get3A_723 = arith.constant 0 : index
      %get3A_724 = arith.constant 41 : index
      %get3A_725 = vector.load %arg2[%get3A_723, %get3A_724] : memref<32x64xf32, #tpu.memory_space<vmem>>, vector<32x1xf32>
      %get3A_726 = arith.constant 0 : index
      %get3A_727 = arith.index_cast %multiple_of3A : i32 to index
      %get3A_728 = vector.load %arg3[%get3A_726, %get3A_727] : memref<32x16384xf32, #tpu.memory_space<vmem>>, vector<32x128xf32>
      %broadcast_in_dim3A_729 = vector.shape_cast %eq3A_722 : vector<1x128xi1> to vector<1x128xi1>
      %broadcast_in_dim3A_730 = vector.broadcast %broadcast_in_dim3A_729 : vector<1x128xi1> to vector<32x128xi1>
      %broadcast_in_dim3A_731 = vector.shape_cast %get3A_725 : vector<32x1xf32> to vector<32x1xf32>
      %broadcast_in_dim3A_732 = vector.broadcast %broadcast_in_dim3A_731 : vector<32x1xf32> to vector<32x128xf32>
      %select_n3A_733 = arith.select %broadcast_in_dim3A_730, %broadcast_in_dim3A_732, %get3A_728 : vector<32x128xi1>, vector<32x128xf32>
      %swap3A_734 = arith.constant 0 : index
      %swap3A_735 = arith.index_cast %multiple_of3A : i32 to index
      %swap3A_736 = vector.load %arg3[%swap3A_734, %swap3A_735] : memref<32x16384xf32, #tpu.memory_space<vmem>>, vector<32x128xf32>
      tpu.vector_store %arg3[%swap3A_734, %swap3A_735], %select_n3A_733 {strides = array<i32>} : memref<32x16384xf32, #tpu.memory_space<vmem>>, vector<32x128xf32>,
    } else {
    }
    %get3A_459 = arith.constant 42 : index
    %get3A_460 = memref.load %arg1[%get3A_459] : memref<64xi32, #tpu.memory_space<smem>>
    %sub3A_461 = arith.subi %get3A_460, %mul3A_0 : i32
    %ge3A_462 = arith.constant 0 : i32
    %ge3A_463 = arith.cmpi sge, %sub3A_461, %ge3A_462 : i32
    %lt3A_464 = arith.constant 16384 : i32
    %lt3A_465 = arith.cmpi slt, %sub3A_461, %lt3A_464 : i32
    %and3A_466 = arith.andi %ge3A_463, %lt3A_465 : i1
    %convert_element_type3A_467 = arith.extui %and3A_466 : i1 to i32
    %cond3A_468 = arith.constant 0 : i32
    %cond3A_469 = arith.cmpi ne, %convert_element_type3A_467, %cond3A_468 : i32
    scf.if %cond3A_469 {
      %jit3A = arith.constant 128 : i32
      %div3A = arith.divsi %sub3A_461, %jit3A : i32
      %sign3A = arith.constant 0 : i32
      %sign3A_701 = arith.cmpi sgt, %sub3A_461, %sign3A : i32
      %sign3A_702 = arith.extui %sign3A_701 : i1 to i32
      %sign3A_703 = arith.constant 0 : i32
      %sign3A_704 = arith.cmpi slt, %sub3A_461, %sign3A_703 : i32
      %sign3A_705 = arith.extui %sign3A_704 : i1 to i32
      %sign3A_706 = arith.subi %sign3A_702, %sign3A_705 : i32
      %sign3A_707 = arith.constant 0 : i32
      %sign3A_708 = arith.cmpi sgt, %jit3A, %sign3A_707 : i32
      %sign3A_709 = arith.extui %sign3A_708 : i1 to i32
      %sign3A_710 = arith.constant 0 : i32
      %sign3A_711 = arith.cmpi slt, %jit3A, %sign3A_710 : i32
      %sign3A_712 = arith.extui %sign3A_711 : i1 to i32
      %sign3A_713 = arith.subi %sign3A_709, %sign3A_712 : i32
      %ne3A = arith.cmpi ne, %sign3A_706, %sign3A_713 : i32
      %rem3A = arith.remsi %sub3A_461, %jit3A : i32
      %ne3A_714 = arith.constant 0 : i32
      %ne3A_715 = arith.cmpi ne, %rem3A, %ne3A_714 : i32
      %and3A_716 = arith.andi %ne3A, %ne3A_715 : i1
      %sub3A_717 = arith.constant 1 : i32
      %sub3A_718 = arith.subi %div3A, %sub3A_717 : i32
      %select_n3A = arith.select %and3A_716, %sub3A_718, %div3A : i32
      %mul3A_719 = arith.constant 128 : i32
      %mul3A_720 = arith.muli %select_n3A, %mul3A_719 : i32
      %multiple_of3A = tpu.assume_multiple %mul3A_720, 128 : i32
      %sub3A_721 = arith.subi %sub3A_461, %multiple_of3A : i32
      %eq3A = vector.broadcast %sub3A_721 : i32 to vector<1x128xi32>
      %eq3A_722 = arith.cmpi eq, %iota3A, %eq3A : vector<1x128xi32>
      %get3A_723 = arith.constant 0 : index
      %get3A_724 = arith.constant 42 : index
      %get3A_725 = vector.load %arg2[%get3A_723, %get3A_724] : memref<32x64xf32, #tpu.memory_space<vmem>>, vector<32x1xf32>
      %get3A_726 = arith.constant 0 : index
      %get3A_727 = arith.index_cast %multiple_of3A : i32 to index
      %get3A_728 = vector.load %arg3[%get3A_726, %get3A_727] : memref<32x16384xf32, #tpu.memory_space<vmem>>, vector<32x128xf32>
      %broadcast_in_dim3A_729 = vector.shape_cast %eq3A_722 : vector<1x128xi1> to vector<1x128xi1>
      %broadcast_in_dim3A_730 = vector.broadcast %broadcast_in_dim3A_729 : vector<1x128xi1> to vector<32x128xi1>
      %broadcast_in_dim3A_731 = vector.shape_cast %get3A_725 : vector<32x1xf32> to vector<32x1xf32>
      %broadcast_in_dim3A_732 = vector.broadcast %broadcast_in_dim3A_731 : vector<32x1xf32> to vector<32x128xf32>
      %select_n3A_733 = arith.select %broadcast_in_dim3A_730, %broadcast_in_dim3A_732, %get3A_728 : vector<32x128xi1>, vector<32x128xf32>
      %swap3A_734 = arith.constant 0 : index
      %swap3A_735 = arith.index_cast %multiple_of3A : i32 to index
      %swap3A_736 = vector.load %arg3[%swap3A_734, %swap3A_735] : memref<32x16384xf32, #tpu.memory_space<vmem>>, vector<32x128xf32>
      tpu.vector_store %arg3[%swap3A_734, %swap3A_735], %select_n3A_733 {strides = array<i32>} : memref<32x16384xf32, #tpu.memory_space<vmem>>, vector<32x128xf32>,
    } else {
    }
    %get3A_470 = arith.constant 43 : index
    %get3A_471 = memref.load %arg1[%get3A_470] : memref<64xi32, #tpu.memory_space<smem>>
    %sub3A_472 = arith.subi %get3A_471, %mul3A_0 : i32
    %ge3A_473 = arith.constant 0 : i32
    %ge3A_474 = arith.cmpi sge, %sub3A_472, %ge3A_473 : i32
    %lt3A_475 = arith.constant 16384 : i32
    %lt3A_476 = arith.cmpi slt, %sub3A_472, %lt3A_475 : i32
    %and3A_477 = arith.andi %ge3A_474, %lt3A_476 : i1
    %convert_element_type3A_478 = arith.extui %and3A_477 : i1 to i32
    %cond3A_479 = arith.constant 0 : i32
    %cond3A_480 = arith.cmpi ne, %convert_element_type3A_478, %cond3A_479 : i32
    scf.if %cond3A_480 {
      %jit3A = arith.constant 128 : i32
      %div3A = arith.divsi %sub3A_472, %jit3A : i32
      %sign3A = arith.constant 0 : i32
      %sign3A_701 = arith.cmpi sgt, %sub3A_472, %sign3A : i32
      %sign3A_702 = arith.extui %sign3A_701 : i1 to i32
      %sign3A_703 = arith.constant 0 : i32
      %sign3A_704 = arith.cmpi slt, %sub3A_472, %sign3A_703 : i32
      %sign3A_705 = arith.extui %sign3A_704 : i1 to i32
      %sign3A_706 = arith.subi %sign3A_702, %sign3A_705 : i32
      %sign3A_707 = arith.constant 0 : i32
      %sign3A_708 = arith.cmpi sgt, %jit3A, %sign3A_707 : i32
      %sign3A_709 = arith.extui %sign3A_708 : i1 to i32
      %sign3A_710 = arith.constant 0 : i32
      %sign3A_711 = arith.cmpi slt, %jit3A, %sign3A_710 : i32
      %sign3A_712 = arith.extui %sign3A_711 : i1 to i32
      %sign3A_713 = arith.subi %sign3A_709, %sign3A_712 : i32
      %ne3A = arith.cmpi ne, %sign3A_706, %sign3A_713 : i32
      %rem3A = arith.remsi %sub3A_472, %jit3A : i32
      %ne3A_714 = arith.constant 0 : i32
      %ne3A_715 = arith.cmpi ne, %rem3A, %ne3A_714 : i32
      %and3A_716 = arith.andi %ne3A, %ne3A_715 : i1
      %sub3A_717 = arith.constant 1 : i32
      %sub3A_718 = arith.subi %div3A, %sub3A_717 : i32
      %select_n3A = arith.select %and3A_716, %sub3A_718, %div3A : i32
      %mul3A_719 = arith.constant 128 : i32
      %mul3A_720 = arith.muli %select_n3A, %mul3A_719 : i32
      %multiple_of3A = tpu.assume_multiple %mul3A_720, 128 : i32
      %sub3A_721 = arith.subi %sub3A_472, %multiple_of3A : i32
      %eq3A = vector.broadcast %sub3A_721 : i32 to vector<1x128xi32>
      %eq3A_722 = arith.cmpi eq, %iota3A, %eq3A : vector<1x128xi32>
      %get3A_723 = arith.constant 0 : index
      %get3A_724 = arith.constant 43 : index
      %get3A_725 = vector.load %arg2[%get3A_723, %get3A_724] : memref<32x64xf32, #tpu.memory_space<vmem>>, vector<32x1xf32>
      %get3A_726 = arith.constant 0 : index
      %get3A_727 = arith.index_cast %multiple_of3A : i32 to index
      %get3A_728 = vector.load %arg3[%get3A_726, %get3A_727] : memref<32x16384xf32, #tpu.memory_space<vmem>>, vector<32x128xf32>
      %broadcast_in_dim3A_729 = vector.shape_cast %eq3A_722 : vector<1x128xi1> to vector<1x128xi1>
      %broadcast_in_dim3A_730 = vector.broadcast %broadcast_in_dim3A_729 : vector<1x128xi1> to vector<32x128xi1>
      %broadcast_in_dim3A_731 = vector.shape_cast %get3A_725 : vector<32x1xf32> to vector<32x1xf32>
      %broadcast_in_dim3A_732 = vector.broadcast %broadcast_in_dim3A_731 : vector<32x1xf32> to vector<32x128xf32>
      %select_n3A_733 = arith.select %broadcast_in_dim3A_730, %broadcast_in_dim3A_732, %get3A_728 : vector<32x128xi1>, vector<32x128xf32>
      %swap3A_734 = arith.constant 0 : index
      %swap3A_735 = arith.index_cast %multiple_of3A : i32 to index
      %swap3A_736 = vector.load %arg3[%swap3A_734, %swap3A_735] : memref<32x16384xf32, #tpu.memory_space<vmem>>, vector<32x128xf32>
      tpu.vector_store %arg3[%swap3A_734, %swap3A_735], %select_n3A_733 {strides = array<i32>} : memref<32x16384xf32, #tpu.memory_space<vmem>>, vector<32x128xf32>,
    } else {
    }
    %get3A_481 = arith.constant 44 : index
    %get3A_482 = memref.load %arg1[%get3A_481] : memref<64xi32, #tpu.memory_space<smem>>
    %sub3A_483 = arith.subi %get3A_482, %mul3A_0 : i32
    %ge3A_484 = arith.constant 0 : i32
    %ge3A_485 = arith.cmpi sge, %sub3A_483, %ge3A_484 : i32
    %lt3A_486 = arith.constant 16384 : i32
    %lt3A_487 = arith.cmpi slt, %sub3A_483, %lt3A_486 : i32
    %and3A_488 = arith.andi %ge3A_485, %lt3A_487 : i1
    %convert_element_type3A_489 = arith.extui %and3A_488 : i1 to i32
    %cond3A_490 = arith.constant 0 : i32
    %cond3A_491 = arith.cmpi ne, %convert_element_type3A_489, %cond3A_490 : i32
    scf.if %cond3A_491 {
      %jit3A = arith.constant 128 : i32
      %div3A = arith.divsi %sub3A_483, %jit3A : i32
      %sign3A = arith.constant 0 : i32
      %sign3A_701 = arith.cmpi sgt, %sub3A_483, %sign3A : i32
      %sign3A_702 = arith.extui %sign3A_701 : i1 to i32
      %sign3A_703 = arith.constant 0 : i32
      %sign3A_704 = arith.cmpi slt, %sub3A_483, %sign3A_703 : i32
      %sign3A_705 = arith.extui %sign3A_704 : i1 to i32
      %sign3A_706 = arith.subi %sign3A_702, %sign3A_705 : i32
      %sign3A_707 = arith.constant 0 : i32
      %sign3A_708 = arith.cmpi sgt, %jit3A, %sign3A_707 : i32
      %sign3A_709 = arith.extui %sign3A_708 : i1 to i32
      %sign3A_710 = arith.constant 0 : i32
      %sign3A_711 = arith.cmpi slt, %jit3A, %sign3A_710 : i32
      %sign3A_712 = arith.extui %sign3A_711 : i1 to i32
      %sign3A_713 = arith.subi %sign3A_709, %sign3A_712 : i32
      %ne3A = arith.cmpi ne, %sign3A_706, %sign3A_713 : i32
      %rem3A = arith.remsi %sub3A_483, %jit3A : i32
      %ne3A_714 = arith.constant 0 : i32
      %ne3A_715 = arith.cmpi ne, %rem3A, %ne3A_714 : i32
      %and3A_716 = arith.andi %ne3A, %ne3A_715 : i1
      %sub3A_717 = arith.constant 1 : i32
      %sub3A_718 = arith.subi %div3A, %sub3A_717 : i32
      %select_n3A = arith.select %and3A_716, %sub3A_718, %div3A : i32
      %mul3A_719 = arith.constant 128 : i32
      %mul3A_720 = arith.muli %select_n3A, %mul3A_719 : i32
      %multiple_of3A = tpu.assume_multiple %mul3A_720, 128 : i32
      %sub3A_721 = arith.subi %sub3A_483, %multiple_of3A : i32
      %eq3A = vector.broadcast %sub3A_721 : i32 to vector<1x128xi32>
      %eq3A_722 = arith.cmpi eq, %iota3A, %eq3A : vector<1x128xi32>
      %get3A_723 = arith.constant 0 : index
      %get3A_724 = arith.constant 44 : index
      %get3A_725 = vector.load %arg2[%get3A_723, %get3A_724] : memref<32x64xf32, #tpu.memory_space<vmem>>, vector<32x1xf32>
      %get3A_726 = arith.constant 0 : index
      %get3A_727 = arith.index_cast %multiple_of3A : i32 to index
      %get3A_728 = vector.load %arg3[%get3A_726, %get3A_727] : memref<32x16384xf32, #tpu.memory_space<vmem>>, vector<32x128xf32>
      %broadcast_in_dim3A_729 = vector.shape_cast %eq3A_722 : vector<1x128xi1> to vector<1x128xi1>
      %broadcast_in_dim3A_730 = vector.broadcast %broadcast_in_dim3A_729 : vector<1x128xi1> to vector<32x128xi1>
      %broadcast_in_dim3A_731 = vector.shape_cast %get3A_725 : vector<32x1xf32> to vector<32x1xf32>
      %broadcast_in_dim3A_732 = vector.broadcast %broadcast_in_dim3A_731 : vector<32x1xf32> to vector<32x128xf32>
      %select_n3A_733 = arith.select %broadcast_in_dim3A_730, %broadcast_in_dim3A_732, %get3A_728 : vector<32x128xi1>, vector<32x128xf32>
      %swap3A_734 = arith.constant 0 : index
      %swap3A_735 = arith.index_cast %multiple_of3A : i32 to index
      %swap3A_736 = vector.load %arg3[%swap3A_734, %swap3A_735] : memref<32x16384xf32, #tpu.memory_space<vmem>>, vector<32x128xf32>
      tpu.vector_store %arg3[%swap3A_734, %swap3A_735], %select_n3A_733 {strides = array<i32>} : memref<32x16384xf32, #tpu.memory_space<vmem>>, vector<32x128xf32>,
    } else {
    }
    %get3A_492 = arith.constant 45 : index
    %get3A_493 = memref.load %arg1[%get3A_492] : memref<64xi32, #tpu.memory_space<smem>>
    %sub3A_494 = arith.subi %get3A_493, %mul3A_0 : i32
    %ge3A_495 = arith.constant 0 : i32
    %ge3A_496 = arith.cmpi sge, %sub3A_494, %ge3A_495 : i32
    %lt3A_497 = arith.constant 16384 : i32
    %lt3A_498 = arith.cmpi slt, %sub3A_494, %lt3A_497 : i32
    %and3A_499 = arith.andi %ge3A_496, %lt3A_498 : i1
    %convert_element_type3A_500 = arith.extui %and3A_499 : i1 to i32
    %cond3A_501 = arith.constant 0 : i32
    %cond3A_502 = arith.cmpi ne, %convert_element_type3A_500, %cond3A_501 : i32
    scf.if %cond3A_502 {
      %jit3A = arith.constant 128 : i32
      %div3A = arith.divsi %sub3A_494, %jit3A : i32
      %sign3A = arith.constant 0 : i32
      %sign3A_701 = arith.cmpi sgt, %sub3A_494, %sign3A : i32
      %sign3A_702 = arith.extui %sign3A_701 : i1 to i32
      %sign3A_703 = arith.constant 0 : i32
      %sign3A_704 = arith.cmpi slt, %sub3A_494, %sign3A_703 : i32
      %sign3A_705 = arith.extui %sign3A_704 : i1 to i32
      %sign3A_706 = arith.subi %sign3A_702, %sign3A_705 : i32
      %sign3A_707 = arith.constant 0 : i32
      %sign3A_708 = arith.cmpi sgt, %jit3A, %sign3A_707 : i32
      %sign3A_709 = arith.extui %sign3A_708 : i1 to i32
      %sign3A_710 = arith.constant 0 : i32
      %sign3A_711 = arith.cmpi slt, %jit3A, %sign3A_710 : i32
      %sign3A_712 = arith.extui %sign3A_711 : i1 to i32
      %sign3A_713 = arith.subi %sign3A_709, %sign3A_712 : i32
      %ne3A = arith.cmpi ne, %sign3A_706, %sign3A_713 : i32
      %rem3A = arith.remsi %sub3A_494, %jit3A : i32
      %ne3A_714 = arith.constant 0 : i32
      %ne3A_715 = arith.cmpi ne, %rem3A, %ne3A_714 : i32
      %and3A_716 = arith.andi %ne3A, %ne3A_715 : i1
      %sub3A_717 = arith.constant 1 : i32
      %sub3A_718 = arith.subi %div3A, %sub3A_717 : i32
      %select_n3A = arith.select %and3A_716, %sub3A_718, %div3A : i32
      %mul3A_719 = arith.constant 128 : i32
      %mul3A_720 = arith.muli %select_n3A, %mul3A_719 : i32
      %multiple_of3A = tpu.assume_multiple %mul3A_720, 128 : i32
      %sub3A_721 = arith.subi %sub3A_494, %multiple_of3A : i32
      %eq3A = vector.broadcast %sub3A_721 : i32 to vector<1x128xi32>
      %eq3A_722 = arith.cmpi eq, %iota3A, %eq3A : vector<1x128xi32>
      %get3A_723 = arith.constant 0 : index
      %get3A_724 = arith.constant 45 : index
      %get3A_725 = vector.load %arg2[%get3A_723, %get3A_724] : memref<32x64xf32, #tpu.memory_space<vmem>>, vector<32x1xf32>
      %get3A_726 = arith.constant 0 : index
      %get3A_727 = arith.index_cast %multiple_of3A : i32 to index
      %get3A_728 = vector.load %arg3[%get3A_726, %get3A_727] : memref<32x16384xf32, #tpu.memory_space<vmem>>, vector<32x128xf32>
      %broadcast_in_dim3A_729 = vector.shape_cast %eq3A_722 : vector<1x128xi1> to vector<1x128xi1>
      %broadcast_in_dim3A_730 = vector.broadcast %broadcast_in_dim3A_729 : vector<1x128xi1> to vector<32x128xi1>
      %broadcast_in_dim3A_731 = vector.shape_cast %get3A_725 : vector<32x1xf32> to vector<32x1xf32>
      %broadcast_in_dim3A_732 = vector.broadcast %broadcast_in_dim3A_731 : vector<32x1xf32> to vector<32x128xf32>
      %select_n3A_733 = arith.select %broadcast_in_dim3A_730, %broadcast_in_dim3A_732, %get3A_728 : vector<32x128xi1>, vector<32x128xf32>
      %swap3A_734 = arith.constant 0 : index
      %swap3A_735 = arith.index_cast %multiple_of3A : i32 to index
      %swap3A_736 = vector.load %arg3[%swap3A_734, %swap3A_735] : memref<32x16384xf32, #tpu.memory_space<vmem>>, vector<32x128xf32>
      tpu.vector_store %arg3[%swap3A_734, %swap3A_735], %select_n3A_733 {strides = array<i32>} : memref<32x16384xf32, #tpu.memory_space<vmem>>, vector<32x128xf32>,
    } else {
    }
    %get3A_503 = arith.constant 46 : index
    %get3A_504 = memref.load %arg1[%get3A_503] : memref<64xi32, #tpu.memory_space<smem>>
    %sub3A_505 = arith.subi %get3A_504, %mul3A_0 : i32
    %ge3A_506 = arith.constant 0 : i32
    %ge3A_507 = arith.cmpi sge, %sub3A_505, %ge3A_506 : i32
    %lt3A_508 = arith.constant 16384 : i32
    %lt3A_509 = arith.cmpi slt, %sub3A_505, %lt3A_508 : i32
    %and3A_510 = arith.andi %ge3A_507, %lt3A_509 : i1
    %convert_element_type3A_511 = arith.extui %and3A_510 : i1 to i32
    %cond3A_512 = arith.constant 0 : i32
    %cond3A_513 = arith.cmpi ne, %convert_element_type3A_511, %cond3A_512 : i32
    scf.if %cond3A_513 {
      %jit3A = arith.constant 128 : i32
      %div3A = arith.divsi %sub3A_505, %jit3A : i32
      %sign3A = arith.constant 0 : i32
      %sign3A_701 = arith.cmpi sgt, %sub3A_505, %sign3A : i32
      %sign3A_702 = arith.extui %sign3A_701 : i1 to i32
      %sign3A_703 = arith.constant 0 : i32
      %sign3A_704 = arith.cmpi slt, %sub3A_505, %sign3A_703 : i32
      %sign3A_705 = arith.extui %sign3A_704 : i1 to i32
      %sign3A_706 = arith.subi %sign3A_702, %sign3A_705 : i32
      %sign3A_707 = arith.constant 0 : i32
      %sign3A_708 = arith.cmpi sgt, %jit3A, %sign3A_707 : i32
      %sign3A_709 = arith.extui %sign3A_708 : i1 to i32
      %sign3A_710 = arith.constant 0 : i32
      %sign3A_711 = arith.cmpi slt, %jit3A, %sign3A_710 : i32
      %sign3A_712 = arith.extui %sign3A_711 : i1 to i32
      %sign3A_713 = arith.subi %sign3A_709, %sign3A_712 : i32
      %ne3A = arith.cmpi ne, %sign3A_706, %sign3A_713 : i32
      %rem3A = arith.remsi %sub3A_505, %jit3A : i32
      %ne3A_714 = arith.constant 0 : i32
      %ne3A_715 = arith.cmpi ne, %rem3A, %ne3A_714 : i32
      %and3A_716 = arith.andi %ne3A, %ne3A_715 : i1
      %sub3A_717 = arith.constant 1 : i32
      %sub3A_718 = arith.subi %div3A, %sub3A_717 : i32
      %select_n3A = arith.select %and3A_716, %sub3A_718, %div3A : i32
      %mul3A_719 = arith.constant 128 : i32
      %mul3A_720 = arith.muli %select_n3A, %mul3A_719 : i32
      %multiple_of3A = tpu.assume_multiple %mul3A_720, 128 : i32
      %sub3A_721 = arith.subi %sub3A_505, %multiple_of3A : i32
      %eq3A = vector.broadcast %sub3A_721 : i32 to vector<1x128xi32>
      %eq3A_722 = arith.cmpi eq, %iota3A, %eq3A : vector<1x128xi32>
      %get3A_723 = arith.constant 0 : index
      %get3A_724 = arith.constant 46 : index
      %get3A_725 = vector.load %arg2[%get3A_723, %get3A_724] : memref<32x64xf32, #tpu.memory_space<vmem>>, vector<32x1xf32>
      %get3A_726 = arith.constant 0 : index
      %get3A_727 = arith.index_cast %multiple_of3A : i32 to index
      %get3A_728 = vector.load %arg3[%get3A_726, %get3A_727] : memref<32x16384xf32, #tpu.memory_space<vmem>>, vector<32x128xf32>
      %broadcast_in_dim3A_729 = vector.shape_cast %eq3A_722 : vector<1x128xi1> to vector<1x128xi1>
      %broadcast_in_dim3A_730 = vector.broadcast %broadcast_in_dim3A_729 : vector<1x128xi1> to vector<32x128xi1>
      %broadcast_in_dim3A_731 = vector.shape_cast %get3A_725 : vector<32x1xf32> to vector<32x1xf32>
      %broadcast_in_dim3A_732 = vector.broadcast %broadcast_in_dim3A_731 : vector<32x1xf32> to vector<32x128xf32>
      %select_n3A_733 = arith.select %broadcast_in_dim3A_730, %broadcast_in_dim3A_732, %get3A_728 : vector<32x128xi1>, vector<32x128xf32>
      %swap3A_734 = arith.constant 0 : index
      %swap3A_735 = arith.index_cast %multiple_of3A : i32 to index
      %swap3A_736 = vector.load %arg3[%swap3A_734, %swap3A_735] : memref<32x16384xf32, #tpu.memory_space<vmem>>, vector<32x128xf32>
      tpu.vector_store %arg3[%swap3A_734, %swap3A_735], %select_n3A_733 {strides = array<i32>} : memref<32x16384xf32, #tpu.memory_space<vmem>>, vector<32x128xf32>,
    } else {
    }
    %get3A_514 = arith.constant 47 : index
    %get3A_515 = memref.load %arg1[%get3A_514] : memref<64xi32, #tpu.memory_space<smem>>
    %sub3A_516 = arith.subi %get3A_515, %mul3A_0 : i32
    %ge3A_517 = arith.constant 0 : i32
    %ge3A_518 = arith.cmpi sge, %sub3A_516, %ge3A_517 : i32
    %lt3A_519 = arith.constant 16384 : i32
    %lt3A_520 = arith.cmpi slt, %sub3A_516, %lt3A_519 : i32
    %and3A_521 = arith.andi %ge3A_518, %lt3A_520 : i1
    %convert_element_type3A_522 = arith.extui %and3A_521 : i1 to i32
    %cond3A_523 = arith.constant 0 : i32
    %cond3A_524 = arith.cmpi ne, %convert_element_type3A_522, %cond3A_523 : i32
    scf.if %cond3A_524 {
      %jit3A = arith.constant 128 : i32
      %div3A = arith.divsi %sub3A_516, %jit3A : i32
      %sign3A = arith.constant 0 : i32
      %sign3A_701 = arith.cmpi sgt, %sub3A_516, %sign3A : i32
      %sign3A_702 = arith.extui %sign3A_701 : i1 to i32
      %sign3A_703 = arith.constant 0 : i32
      %sign3A_704 = arith.cmpi slt, %sub3A_516, %sign3A_703 : i32
      %sign3A_705 = arith.extui %sign3A_704 : i1 to i32
      %sign3A_706 = arith.subi %sign3A_702, %sign3A_705 : i32
      %sign3A_707 = arith.constant 0 : i32
      %sign3A_708 = arith.cmpi sgt, %jit3A, %sign3A_707 : i32
      %sign3A_709 = arith.extui %sign3A_708 : i1 to i32
      %sign3A_710 = arith.constant 0 : i32
      %sign3A_711 = arith.cmpi slt, %jit3A, %sign3A_710 : i32
      %sign3A_712 = arith.extui %sign3A_711 : i1 to i32
      %sign3A_713 = arith.subi %sign3A_709, %sign3A_712 : i32
      %ne3A = arith.cmpi ne, %sign3A_706, %sign3A_713 : i32
      %rem3A = arith.remsi %sub3A_516, %jit3A : i32
      %ne3A_714 = arith.constant 0 : i32
      %ne3A_715 = arith.cmpi ne, %rem3A, %ne3A_714 : i32
      %and3A_716 = arith.andi %ne3A, %ne3A_715 : i1
      %sub3A_717 = arith.constant 1 : i32
      %sub3A_718 = arith.subi %div3A, %sub3A_717 : i32
      %select_n3A = arith.select %and3A_716, %sub3A_718, %div3A : i32
      %mul3A_719 = arith.constant 128 : i32
      %mul3A_720 = arith.muli %select_n3A, %mul3A_719 : i32
      %multiple_of3A = tpu.assume_multiple %mul3A_720, 128 : i32
      %sub3A_721 = arith.subi %sub3A_516, %multiple_of3A : i32
      %eq3A = vector.broadcast %sub3A_721 : i32 to vector<1x128xi32>
      %eq3A_722 = arith.cmpi eq, %iota3A, %eq3A : vector<1x128xi32>
      %get3A_723 = arith.constant 0 : index
      %get3A_724 = arith.constant 47 : index
      %get3A_725 = vector.load %arg2[%get3A_723, %get3A_724] : memref<32x64xf32, #tpu.memory_space<vmem>>, vector<32x1xf32>
      %get3A_726 = arith.constant 0 : index
      %get3A_727 = arith.index_cast %multiple_of3A : i32 to index
      %get3A_728 = vector.load %arg3[%get3A_726, %get3A_727] : memref<32x16384xf32, #tpu.memory_space<vmem>>, vector<32x128xf32>
      %broadcast_in_dim3A_729 = vector.shape_cast %eq3A_722 : vector<1x128xi1> to vector<1x128xi1>
      %broadcast_in_dim3A_730 = vector.broadcast %broadcast_in_dim3A_729 : vector<1x128xi1> to vector<32x128xi1>
      %broadcast_in_dim3A_731 = vector.shape_cast %get3A_725 : vector<32x1xf32> to vector<32x1xf32>
      %broadcast_in_dim3A_732 = vector.broadcast %broadcast_in_dim3A_731 : vector<32x1xf32> to vector<32x128xf32>
      %select_n3A_733 = arith.select %broadcast_in_dim3A_730, %broadcast_in_dim3A_732, %get3A_728 : vector<32x128xi1>, vector<32x128xf32>
      %swap3A_734 = arith.constant 0 : index
      %swap3A_735 = arith.index_cast %multiple_of3A : i32 to index
      %swap3A_736 = vector.load %arg3[%swap3A_734, %swap3A_735] : memref<32x16384xf32, #tpu.memory_space<vmem>>, vector<32x128xf32>
      tpu.vector_store %arg3[%swap3A_734, %swap3A_735], %select_n3A_733 {strides = array<i32>} : memref<32x16384xf32, #tpu.memory_space<vmem>>, vector<32x128xf32>,
    } else {
    }
    %get3A_525 = arith.constant 48 : index
    %get3A_526 = memref.load %arg1[%get3A_525] : memref<64xi32, #tpu.memory_space<smem>>
    %sub3A_527 = arith.subi %get3A_526, %mul3A_0 : i32
    %ge3A_528 = arith.constant 0 : i32
    %ge3A_529 = arith.cmpi sge, %sub3A_527, %ge3A_528 : i32
    %lt3A_530 = arith.constant 16384 : i32
    %lt3A_531 = arith.cmpi slt, %sub3A_527, %lt3A_530 : i32
    %and3A_532 = arith.andi %ge3A_529, %lt3A_531 : i1
    %convert_element_type3A_533 = arith.extui %and3A_532 : i1 to i32
    %cond3A_534 = arith.constant 0 : i32
    %cond3A_535 = arith.cmpi ne, %convert_element_type3A_533, %cond3A_534 : i32
    scf.if %cond3A_535 {
      %jit3A = arith.constant 128 : i32
      %div3A = arith.divsi %sub3A_527, %jit3A : i32
      %sign3A = arith.constant 0 : i32
      %sign3A_701 = arith.cmpi sgt, %sub3A_527, %sign3A : i32
      %sign3A_702 = arith.extui %sign3A_701 : i1 to i32
      %sign3A_703 = arith.constant 0 : i32
      %sign3A_704 = arith.cmpi slt, %sub3A_527, %sign3A_703 : i32
      %sign3A_705 = arith.extui %sign3A_704 : i1 to i32
      %sign3A_706 = arith.subi %sign3A_702, %sign3A_705 : i32
      %sign3A_707 = arith.constant 0 : i32
      %sign3A_708 = arith.cmpi sgt, %jit3A, %sign3A_707 : i32
      %sign3A_709 = arith.extui %sign3A_708 : i1 to i32
      %sign3A_710 = arith.constant 0 : i32
      %sign3A_711 = arith.cmpi slt, %jit3A, %sign3A_710 : i32
      %sign3A_712 = arith.extui %sign3A_711 : i1 to i32
      %sign3A_713 = arith.subi %sign3A_709, %sign3A_712 : i32
      %ne3A = arith.cmpi ne, %sign3A_706, %sign3A_713 : i32
      %rem3A = arith.remsi %sub3A_527, %jit3A : i32
      %ne3A_714 = arith.constant 0 : i32
      %ne3A_715 = arith.cmpi ne, %rem3A, %ne3A_714 : i32
      %and3A_716 = arith.andi %ne3A, %ne3A_715 : i1
      %sub3A_717 = arith.constant 1 : i32
      %sub3A_718 = arith.subi %div3A, %sub3A_717 : i32
      %select_n3A = arith.select %and3A_716, %sub3A_718, %div3A : i32
      %mul3A_719 = arith.constant 128 : i32
      %mul3A_720 = arith.muli %select_n3A, %mul3A_719 : i32
      %multiple_of3A = tpu.assume_multiple %mul3A_720, 128 : i32
      %sub3A_721 = arith.subi %sub3A_527, %multiple_of3A : i32
      %eq3A = vector.broadcast %sub3A_721 : i32 to vector<1x128xi32>
      %eq3A_722 = arith.cmpi eq, %iota3A, %eq3A : vector<1x128xi32>
      %get3A_723 = arith.constant 0 : index
      %get3A_724 = arith.constant 48 : index
      %get3A_725 = vector.load %arg2[%get3A_723, %get3A_724] : memref<32x64xf32, #tpu.memory_space<vmem>>, vector<32x1xf32>
      %get3A_726 = arith.constant 0 : index
      %get3A_727 = arith.index_cast %multiple_of3A : i32 to index
      %get3A_728 = vector.load %arg3[%get3A_726, %get3A_727] : memref<32x16384xf32, #tpu.memory_space<vmem>>, vector<32x128xf32>
      %broadcast_in_dim3A_729 = vector.shape_cast %eq3A_722 : vector<1x128xi1> to vector<1x128xi1>
      %broadcast_in_dim3A_730 = vector.broadcast %broadcast_in_dim3A_729 : vector<1x128xi1> to vector<32x128xi1>
      %broadcast_in_dim3A_731 = vector.shape_cast %get3A_725 : vector<32x1xf32> to vector<32x1xf32>
      %broadcast_in_dim3A_732 = vector.broadcast %broadcast_in_dim3A_731 : vector<32x1xf32> to vector<32x128xf32>
      %select_n3A_733 = arith.select %broadcast_in_dim3A_730, %broadcast_in_dim3A_732, %get3A_728 : vector<32x128xi1>, vector<32x128xf32>
      %swap3A_734 = arith.constant 0 : index
      %swap3A_735 = arith.index_cast %multiple_of3A : i32 to index
      %swap3A_736 = vector.load %arg3[%swap3A_734, %swap3A_735] : memref<32x16384xf32, #tpu.memory_space<vmem>>, vector<32x128xf32>
      tpu.vector_store %arg3[%swap3A_734, %swap3A_735], %select_n3A_733 {strides = array<i32>} : memref<32x16384xf32, #tpu.memory_space<vmem>>, vector<32x128xf32>,
    } else {
    }
    %get3A_536 = arith.constant 49 : index
    %get3A_537 = memref.load %arg1[%get3A_536] : memref<64xi32, #tpu.memory_space<smem>>
    %sub3A_538 = arith.subi %get3A_537, %mul3A_0 : i32
    %ge3A_539 = arith.constant 0 : i32
    %ge3A_540 = arith.cmpi sge, %sub3A_538, %ge3A_539 : i32
    %lt3A_541 = arith.constant 16384 : i32
    %lt3A_542 = arith.cmpi slt, %sub3A_538, %lt3A_541 : i32
    %and3A_543 = arith.andi %ge3A_540, %lt3A_542 : i1
    %convert_element_type3A_544 = arith.extui %and3A_543 : i1 to i32
    %cond3A_545 = arith.constant 0 : i32
    %cond3A_546 = arith.cmpi ne, %convert_element_type3A_544, %cond3A_545 : i32
    scf.if %cond3A_546 {
      %jit3A = arith.constant 128 : i32
      %div3A = arith.divsi %sub3A_538, %jit3A : i32
      %sign3A = arith.constant 0 : i32
      %sign3A_701 = arith.cmpi sgt, %sub3A_538, %sign3A : i32
      %sign3A_702 = arith.extui %sign3A_701 : i1 to i32
      %sign3A_703 = arith.constant 0 : i32
      %sign3A_704 = arith.cmpi slt, %sub3A_538, %sign3A_703 : i32
      %sign3A_705 = arith.extui %sign3A_704 : i1 to i32
      %sign3A_706 = arith.subi %sign3A_702, %sign3A_705 : i32
      %sign3A_707 = arith.constant 0 : i32
      %sign3A_708 = arith.cmpi sgt, %jit3A, %sign3A_707 : i32
      %sign3A_709 = arith.extui %sign3A_708 : i1 to i32
      %sign3A_710 = arith.constant 0 : i32
      %sign3A_711 = arith.cmpi slt, %jit3A, %sign3A_710 : i32
      %sign3A_712 = arith.extui %sign3A_711 : i1 to i32
      %sign3A_713 = arith.subi %sign3A_709, %sign3A_712 : i32
      %ne3A = arith.cmpi ne, %sign3A_706, %sign3A_713 : i32
      %rem3A = arith.remsi %sub3A_538, %jit3A : i32
      %ne3A_714 = arith.constant 0 : i32
      %ne3A_715 = arith.cmpi ne, %rem3A, %ne3A_714 : i32
      %and3A_716 = arith.andi %ne3A, %ne3A_715 : i1
      %sub3A_717 = arith.constant 1 : i32
      %sub3A_718 = arith.subi %div3A, %sub3A_717 : i32
      %select_n3A = arith.select %and3A_716, %sub3A_718, %div3A : i32
      %mul3A_719 = arith.constant 128 : i32
      %mul3A_720 = arith.muli %select_n3A, %mul3A_719 : i32
      %multiple_of3A = tpu.assume_multiple %mul3A_720, 128 : i32
      %sub3A_721 = arith.subi %sub3A_538, %multiple_of3A : i32
      %eq3A = vector.broadcast %sub3A_721 : i32 to vector<1x128xi32>
      %eq3A_722 = arith.cmpi eq, %iota3A, %eq3A : vector<1x128xi32>
      %get3A_723 = arith.constant 0 : index
      %get3A_724 = arith.constant 49 : index
      %get3A_725 = vector.load %arg2[%get3A_723, %get3A_724] : memref<32x64xf32, #tpu.memory_space<vmem>>, vector<32x1xf32>
      %get3A_726 = arith.constant 0 : index
      %get3A_727 = arith.index_cast %multiple_of3A : i32 to index
      %get3A_728 = vector.load %arg3[%get3A_726, %get3A_727] : memref<32x16384xf32, #tpu.memory_space<vmem>>, vector<32x128xf32>
      %broadcast_in_dim3A_729 = vector.shape_cast %eq3A_722 : vector<1x128xi1> to vector<1x128xi1>
      %broadcast_in_dim3A_730 = vector.broadcast %broadcast_in_dim3A_729 : vector<1x128xi1> to vector<32x128xi1>
      %broadcast_in_dim3A_731 = vector.shape_cast %get3A_725 : vector<32x1xf32> to vector<32x1xf32>
      %broadcast_in_dim3A_732 = vector.broadcast %broadcast_in_dim3A_731 : vector<32x1xf32> to vector<32x128xf32>
      %select_n3A_733 = arith.select %broadcast_in_dim3A_730, %broadcast_in_dim3A_732, %get3A_728 : vector<32x128xi1>, vector<32x128xf32>
      %swap3A_734 = arith.constant 0 : index
      %swap3A_735 = arith.index_cast %multiple_of3A : i32 to index
      %swap3A_736 = vector.load %arg3[%swap3A_734, %swap3A_735] : memref<32x16384xf32, #tpu.memory_space<vmem>>, vector<32x128xf32>
      tpu.vector_store %arg3[%swap3A_734, %swap3A_735], %select_n3A_733 {strides = array<i32>} : memref<32x16384xf32, #tpu.memory_space<vmem>>, vector<32x128xf32>,
    } else {
    }
    %get3A_547 = arith.constant 50 : index
    %get3A_548 = memref.load %arg1[%get3A_547] : memref<64xi32, #tpu.memory_space<smem>>
    %sub3A_549 = arith.subi %get3A_548, %mul3A_0 : i32
    %ge3A_550 = arith.constant 0 : i32
    %ge3A_551 = arith.cmpi sge, %sub3A_549, %ge3A_550 : i32
    %lt3A_552 = arith.constant 16384 : i32
    %lt3A_553 = arith.cmpi slt, %sub3A_549, %lt3A_552 : i32
    %and3A_554 = arith.andi %ge3A_551, %lt3A_553 : i1
    %convert_element_type3A_555 = arith.extui %and3A_554 : i1 to i32
    %cond3A_556 = arith.constant 0 : i32
    %cond3A_557 = arith.cmpi ne, %convert_element_type3A_555, %cond3A_556 : i32
    scf.if %cond3A_557 {
      %jit3A = arith.constant 128 : i32
      %div3A = arith.divsi %sub3A_549, %jit3A : i32
      %sign3A = arith.constant 0 : i32
      %sign3A_701 = arith.cmpi sgt, %sub3A_549, %sign3A : i32
      %sign3A_702 = arith.extui %sign3A_701 : i1 to i32
      %sign3A_703 = arith.constant 0 : i32
      %sign3A_704 = arith.cmpi slt, %sub3A_549, %sign3A_703 : i32
      %sign3A_705 = arith.extui %sign3A_704 : i1 to i32
      %sign3A_706 = arith.subi %sign3A_702, %sign3A_705 : i32
      %sign3A_707 = arith.constant 0 : i32
      %sign3A_708 = arith.cmpi sgt, %jit3A, %sign3A_707 : i32
      %sign3A_709 = arith.extui %sign3A_708 : i1 to i32
      %sign3A_710 = arith.constant 0 : i32
      %sign3A_711 = arith.cmpi slt, %jit3A, %sign3A_710 : i32
      %sign3A_712 = arith.extui %sign3A_711 : i1 to i32
      %sign3A_713 = arith.subi %sign3A_709, %sign3A_712 : i32
      %ne3A = arith.cmpi ne, %sign3A_706, %sign3A_713 : i32
      %rem3A = arith.remsi %sub3A_549, %jit3A : i32
      %ne3A_714 = arith.constant 0 : i32
      %ne3A_715 = arith.cmpi ne, %rem3A, %ne3A_714 : i32
      %and3A_716 = arith.andi %ne3A, %ne3A_715 : i1
      %sub3A_717 = arith.constant 1 : i32
      %sub3A_718 = arith.subi %div3A, %sub3A_717 : i32
      %select_n3A = arith.select %and3A_716, %sub3A_718, %div3A : i32
      %mul3A_719 = arith.constant 128 : i32
      %mul3A_720 = arith.muli %select_n3A, %mul3A_719 : i32
      %multiple_of3A = tpu.assume_multiple %mul3A_720, 128 : i32
      %sub3A_721 = arith.subi %sub3A_549, %multiple_of3A : i32
      %eq3A = vector.broadcast %sub3A_721 : i32 to vector<1x128xi32>
      %eq3A_722 = arith.cmpi eq, %iota3A, %eq3A : vector<1x128xi32>
      %get3A_723 = arith.constant 0 : index
      %get3A_724 = arith.constant 50 : index
      %get3A_725 = vector.load %arg2[%get3A_723, %get3A_724] : memref<32x64xf32, #tpu.memory_space<vmem>>, vector<32x1xf32>
      %get3A_726 = arith.constant 0 : index
      %get3A_727 = arith.index_cast %multiple_of3A : i32 to index
      %get3A_728 = vector.load %arg3[%get3A_726, %get3A_727] : memref<32x16384xf32, #tpu.memory_space<vmem>>, vector<32x128xf32>
      %broadcast_in_dim3A_729 = vector.shape_cast %eq3A_722 : vector<1x128xi1> to vector<1x128xi1>
      %broadcast_in_dim3A_730 = vector.broadcast %broadcast_in_dim3A_729 : vector<1x128xi1> to vector<32x128xi1>
      %broadcast_in_dim3A_731 = vector.shape_cast %get3A_725 : vector<32x1xf32> to vector<32x1xf32>
      %broadcast_in_dim3A_732 = vector.broadcast %broadcast_in_dim3A_731 : vector<32x1xf32> to vector<32x128xf32>
      %select_n3A_733 = arith.select %broadcast_in_dim3A_730, %broadcast_in_dim3A_732, %get3A_728 : vector<32x128xi1>, vector<32x128xf32>
      %swap3A_734 = arith.constant 0 : index
      %swap3A_735 = arith.index_cast %multiple_of3A : i32 to index
      %swap3A_736 = vector.load %arg3[%swap3A_734, %swap3A_735] : memref<32x16384xf32, #tpu.memory_space<vmem>>, vector<32x128xf32>
      tpu.vector_store %arg3[%swap3A_734, %swap3A_735], %select_n3A_733 {strides = array<i32>} : memref<32x16384xf32, #tpu.memory_space<vmem>>, vector<32x128xf32>,
    } else {
    }
    %get3A_558 = arith.constant 51 : index
    %get3A_559 = memref.load %arg1[%get3A_558] : memref<64xi32, #tpu.memory_space<smem>>
    %sub3A_560 = arith.subi %get3A_559, %mul3A_0 : i32
    %ge3A_561 = arith.constant 0 : i32
    %ge3A_562 = arith.cmpi sge, %sub3A_560, %ge3A_561 : i32
    %lt3A_563 = arith.constant 16384 : i32
    %lt3A_564 = arith.cmpi slt, %sub3A_560, %lt3A_563 : i32
    %and3A_565 = arith.andi %ge3A_562, %lt3A_564 : i1
    %convert_element_type3A_566 = arith.extui %and3A_565 : i1 to i32
    %cond3A_567 = arith.constant 0 : i32
    %cond3A_568 = arith.cmpi ne, %convert_element_type3A_566, %cond3A_567 : i32
    scf.if %cond3A_568 {
      %jit3A = arith.constant 128 : i32
      %div3A = arith.divsi %sub3A_560, %jit3A : i32
      %sign3A = arith.constant 0 : i32
      %sign3A_701 = arith.cmpi sgt, %sub3A_560, %sign3A : i32
      %sign3A_702 = arith.extui %sign3A_701 : i1 to i32
      %sign3A_703 = arith.constant 0 : i32
      %sign3A_704 = arith.cmpi slt, %sub3A_560, %sign3A_703 : i32
      %sign3A_705 = arith.extui %sign3A_704 : i1 to i32
      %sign3A_706 = arith.subi %sign3A_702, %sign3A_705 : i32
      %sign3A_707 = arith.constant 0 : i32
      %sign3A_708 = arith.cmpi sgt, %jit3A, %sign3A_707 : i32
      %sign3A_709 = arith.extui %sign3A_708 : i1 to i32
      %sign3A_710 = arith.constant 0 : i32
      %sign3A_711 = arith.cmpi slt, %jit3A, %sign3A_710 : i32
      %sign3A_712 = arith.extui %sign3A_711 : i1 to i32
      %sign3A_713 = arith.subi %sign3A_709, %sign3A_712 : i32
      %ne3A = arith.cmpi ne, %sign3A_706, %sign3A_713 : i32
      %rem3A = arith.remsi %sub3A_560, %jit3A : i32
      %ne3A_714 = arith.constant 0 : i32
      %ne3A_715 = arith.cmpi ne, %rem3A, %ne3A_714 : i32
      %and3A_716 = arith.andi %ne3A, %ne3A_715 : i1
      %sub3A_717 = arith.constant 1 : i32
      %sub3A_718 = arith.subi %div3A, %sub3A_717 : i32
      %select_n3A = arith.select %and3A_716, %sub3A_718, %div3A : i32
      %mul3A_719 = arith.constant 128 : i32
      %mul3A_720 = arith.muli %select_n3A, %mul3A_719 : i32
      %multiple_of3A = tpu.assume_multiple %mul3A_720, 128 : i32
      %sub3A_721 = arith.subi %sub3A_560, %multiple_of3A : i32
      %eq3A = vector.broadcast %sub3A_721 : i32 to vector<1x128xi32>
      %eq3A_722 = arith.cmpi eq, %iota3A, %eq3A : vector<1x128xi32>
      %get3A_723 = arith.constant 0 : index
      %get3A_724 = arith.constant 51 : index
      %get3A_725 = vector.load %arg2[%get3A_723, %get3A_724] : memref<32x64xf32, #tpu.memory_space<vmem>>, vector<32x1xf32>
      %get3A_726 = arith.constant 0 : index
      %get3A_727 = arith.index_cast %multiple_of3A : i32 to index
      %get3A_728 = vector.load %arg3[%get3A_726, %get3A_727] : memref<32x16384xf32, #tpu.memory_space<vmem>>, vector<32x128xf32>
      %broadcast_in_dim3A_729 = vector.shape_cast %eq3A_722 : vector<1x128xi1> to vector<1x128xi1>
      %broadcast_in_dim3A_730 = vector.broadcast %broadcast_in_dim3A_729 : vector<1x128xi1> to vector<32x128xi1>
      %broadcast_in_dim3A_731 = vector.shape_cast %get3A_725 : vector<32x1xf32> to vector<32x1xf32>
      %broadcast_in_dim3A_732 = vector.broadcast %broadcast_in_dim3A_731 : vector<32x1xf32> to vector<32x128xf32>
      %select_n3A_733 = arith.select %broadcast_in_dim3A_730, %broadcast_in_dim3A_732, %get3A_728 : vector<32x128xi1>, vector<32x128xf32>
      %swap3A_734 = arith.constant 0 : index
      %swap3A_735 = arith.index_cast %multiple_of3A : i32 to index
      %swap3A_736 = vector.load %arg3[%swap3A_734, %swap3A_735] : memref<32x16384xf32, #tpu.memory_space<vmem>>, vector<32x128xf32>
      tpu.vector_store %arg3[%swap3A_734, %swap3A_735], %select_n3A_733 {strides = array<i32>} : memref<32x16384xf32, #tpu.memory_space<vmem>>, vector<32x128xf32>,
    } else {
    }
    %get3A_569 = arith.constant 52 : index
    %get3A_570 = memref.load %arg1[%get3A_569] : memref<64xi32, #tpu.memory_space<smem>>
    %sub3A_571 = arith.subi %get3A_570, %mul3A_0 : i32
    %ge3A_572 = arith.constant 0 : i32
    %ge3A_573 = arith.cmpi sge, %sub3A_571, %ge3A_572 : i32
    %lt3A_574 = arith.constant 16384 : i32
    %lt3A_575 = arith.cmpi slt, %sub3A_571, %lt3A_574 : i32
    %and3A_576 = arith.andi %ge3A_573, %lt3A_575 : i1
    %convert_element_type3A_577 = arith.extui %and3A_576 : i1 to i32
    %cond3A_578 = arith.constant 0 : i32
    %cond3A_579 = arith.cmpi ne, %convert_element_type3A_577, %cond3A_578 : i32
    scf.if %cond3A_579 {
      %jit3A = arith.constant 128 : i32
      %div3A = arith.divsi %sub3A_571, %jit3A : i32
      %sign3A = arith.constant 0 : i32
      %sign3A_701 = arith.cmpi sgt, %sub3A_571, %sign3A : i32
      %sign3A_702 = arith.extui %sign3A_701 : i1 to i32
      %sign3A_703 = arith.constant 0 : i32
      %sign3A_704 = arith.cmpi slt, %sub3A_571, %sign3A_703 : i32
      %sign3A_705 = arith.extui %sign3A_704 : i1 to i32
      %sign3A_706 = arith.subi %sign3A_702, %sign3A_705 : i32
      %sign3A_707 = arith.constant 0 : i32
      %sign3A_708 = arith.cmpi sgt, %jit3A, %sign3A_707 : i32
      %sign3A_709 = arith.extui %sign3A_708 : i1 to i32
      %sign3A_710 = arith.constant 0 : i32
      %sign3A_711 = arith.cmpi slt, %jit3A, %sign3A_710 : i32
      %sign3A_712 = arith.extui %sign3A_711 : i1 to i32
      %sign3A_713 = arith.subi %sign3A_709, %sign3A_712 : i32
      %ne3A = arith.cmpi ne, %sign3A_706, %sign3A_713 : i32
      %rem3A = arith.remsi %sub3A_571, %jit3A : i32
      %ne3A_714 = arith.constant 0 : i32
      %ne3A_715 = arith.cmpi ne, %rem3A, %ne3A_714 : i32
      %and3A_716 = arith.andi %ne3A, %ne3A_715 : i1
      %sub3A_717 = arith.constant 1 : i32
      %sub3A_718 = arith.subi %div3A, %sub3A_717 : i32
      %select_n3A = arith.select %and3A_716, %sub3A_718, %div3A : i32
      %mul3A_719 = arith.constant 128 : i32
      %mul3A_720 = arith.muli %select_n3A, %mul3A_719 : i32
      %multiple_of3A = tpu.assume_multiple %mul3A_720, 128 : i32
      %sub3A_721 = arith.subi %sub3A_571, %multiple_of3A : i32
      %eq3A = vector.broadcast %sub3A_721 : i32 to vector<1x128xi32>
      %eq3A_722 = arith.cmpi eq, %iota3A, %eq3A : vector<1x128xi32>
      %get3A_723 = arith.constant 0 : index
      %get3A_724 = arith.constant 52 : index
      %get3A_725 = vector.load %arg2[%get3A_723, %get3A_724] : memref<32x64xf32, #tpu.memory_space<vmem>>, vector<32x1xf32>
      %get3A_726 = arith.constant 0 : index
      %get3A_727 = arith.index_cast %multiple_of3A : i32 to index
      %get3A_728 = vector.load %arg3[%get3A_726, %get3A_727] : memref<32x16384xf32, #tpu.memory_space<vmem>>, vector<32x128xf32>
      %broadcast_in_dim3A_729 = vector.shape_cast %eq3A_722 : vector<1x128xi1> to vector<1x128xi1>
      %broadcast_in_dim3A_730 = vector.broadcast %broadcast_in_dim3A_729 : vector<1x128xi1> to vector<32x128xi1>
      %broadcast_in_dim3A_731 = vector.shape_cast %get3A_725 : vector<32x1xf32> to vector<32x1xf32>
      %broadcast_in_dim3A_732 = vector.broadcast %broadcast_in_dim3A_731 : vector<32x1xf32> to vector<32x128xf32>
      %select_n3A_733 = arith.select %broadcast_in_dim3A_730, %broadcast_in_dim3A_732, %get3A_728 : vector<32x128xi1>, vector<32x128xf32>
      %swap3A_734 = arith.constant 0 : index
      %swap3A_735 = arith.index_cast %multiple_of3A : i32 to index
      %swap3A_736 = vector.load %arg3[%swap3A_734, %swap3A_735] : memref<32x16384xf32, #tpu.memory_space<vmem>>, vector<32x128xf32>
      tpu.vector_store %arg3[%swap3A_734, %swap3A_735], %select_n3A_733 {strides = array<i32>} : memref<32x16384xf32, #tpu.memory_space<vmem>>, vector<32x128xf32>,
    } else {
    }
    %get3A_580 = arith.constant 53 : index
    %get3A_581 = memref.load %arg1[%get3A_580] : memref<64xi32, #tpu.memory_space<smem>>
    %sub3A_582 = arith.subi %get3A_581, %mul3A_0 : i32
    %ge3A_583 = arith.constant 0 : i32
    %ge3A_584 = arith.cmpi sge, %sub3A_582, %ge3A_583 : i32
    %lt3A_585 = arith.constant 16384 : i32
    %lt3A_586 = arith.cmpi slt, %sub3A_582, %lt3A_585 : i32
    %and3A_587 = arith.andi %ge3A_584, %lt3A_586 : i1
    %convert_element_type3A_588 = arith.extui %and3A_587 : i1 to i32
    %cond3A_589 = arith.constant 0 : i32
    %cond3A_590 = arith.cmpi ne, %convert_element_type3A_588, %cond3A_589 : i32
    scf.if %cond3A_590 {
      %jit3A = arith.constant 128 : i32
      %div3A = arith.divsi %sub3A_582, %jit3A : i32
      %sign3A = arith.constant 0 : i32
      %sign3A_701 = arith.cmpi sgt, %sub3A_582, %sign3A : i32
      %sign3A_702 = arith.extui %sign3A_701 : i1 to i32
      %sign3A_703 = arith.constant 0 : i32
      %sign3A_704 = arith.cmpi slt, %sub3A_582, %sign3A_703 : i32
      %sign3A_705 = arith.extui %sign3A_704 : i1 to i32
      %sign3A_706 = arith.subi %sign3A_702, %sign3A_705 : i32
      %sign3A_707 = arith.constant 0 : i32
      %sign3A_708 = arith.cmpi sgt, %jit3A, %sign3A_707 : i32
      %sign3A_709 = arith.extui %sign3A_708 : i1 to i32
      %sign3A_710 = arith.constant 0 : i32
      %sign3A_711 = arith.cmpi slt, %jit3A, %sign3A_710 : i32
      %sign3A_712 = arith.extui %sign3A_711 : i1 to i32
      %sign3A_713 = arith.subi %sign3A_709, %sign3A_712 : i32
      %ne3A = arith.cmpi ne, %sign3A_706, %sign3A_713 : i32
      %rem3A = arith.remsi %sub3A_582, %jit3A : i32
      %ne3A_714 = arith.constant 0 : i32
      %ne3A_715 = arith.cmpi ne, %rem3A, %ne3A_714 : i32
      %and3A_716 = arith.andi %ne3A, %ne3A_715 : i1
      %sub3A_717 = arith.constant 1 : i32
      %sub3A_718 = arith.subi %div3A, %sub3A_717 : i32
      %select_n3A = arith.select %and3A_716, %sub3A_718, %div3A : i32
      %mul3A_719 = arith.constant 128 : i32
      %mul3A_720 = arith.muli %select_n3A, %mul3A_719 : i32
      %multiple_of3A = tpu.assume_multiple %mul3A_720, 128 : i32
      %sub3A_721 = arith.subi %sub3A_582, %multiple_of3A : i32
      %eq3A = vector.broadcast %sub3A_721 : i32 to vector<1x128xi32>
      %eq3A_722 = arith.cmpi eq, %iota3A, %eq3A : vector<1x128xi32>
      %get3A_723 = arith.constant 0 : index
      %get3A_724 = arith.constant 53 : index
      %get3A_725 = vector.load %arg2[%get3A_723, %get3A_724] : memref<32x64xf32, #tpu.memory_space<vmem>>, vector<32x1xf32>
      %get3A_726 = arith.constant 0 : index
      %get3A_727 = arith.index_cast %multiple_of3A : i32 to index
      %get3A_728 = vector.load %arg3[%get3A_726, %get3A_727] : memref<32x16384xf32, #tpu.memory_space<vmem>>, vector<32x128xf32>
      %broadcast_in_dim3A_729 = vector.shape_cast %eq3A_722 : vector<1x128xi1> to vector<1x128xi1>
      %broadcast_in_dim3A_730 = vector.broadcast %broadcast_in_dim3A_729 : vector<1x128xi1> to vector<32x128xi1>
      %broadcast_in_dim3A_731 = vector.shape_cast %get3A_725 : vector<32x1xf32> to vector<32x1xf32>
      %broadcast_in_dim3A_732 = vector.broadcast %broadcast_in_dim3A_731 : vector<32x1xf32> to vector<32x128xf32>
      %select_n3A_733 = arith.select %broadcast_in_dim3A_730, %broadcast_in_dim3A_732, %get3A_728 : vector<32x128xi1>, vector<32x128xf32>
      %swap3A_734 = arith.constant 0 : index
      %swap3A_735 = arith.index_cast %multiple_of3A : i32 to index
      %swap3A_736 = vector.load %arg3[%swap3A_734, %swap3A_735] : memref<32x16384xf32, #tpu.memory_space<vmem>>, vector<32x128xf32>
      tpu.vector_store %arg3[%swap3A_734, %swap3A_735], %select_n3A_733 {strides = array<i32>} : memref<32x16384xf32, #tpu.memory_space<vmem>>, vector<32x128xf32>,
    } else {
    }
    %get3A_591 = arith.constant 54 : index
    %get3A_592 = memref.load %arg1[%get3A_591] : memref<64xi32, #tpu.memory_space<smem>>
    %sub3A_593 = arith.subi %get3A_592, %mul3A_0 : i32
    %ge3A_594 = arith.constant 0 : i32
    %ge3A_595 = arith.cmpi sge, %sub3A_593, %ge3A_594 : i32
    %lt3A_596 = arith.constant 16384 : i32
    %lt3A_597 = arith.cmpi slt, %sub3A_593, %lt3A_596 : i32
    %and3A_598 = arith.andi %ge3A_595, %lt3A_597 : i1
    %convert_element_type3A_599 = arith.extui %and3A_598 : i1 to i32
    %cond3A_600 = arith.constant 0 : i32
    %cond3A_601 = arith.cmpi ne, %convert_element_type3A_599, %cond3A_600 : i32
    scf.if %cond3A_601 {
      %jit3A = arith.constant 128 : i32
      %div3A = arith.divsi %sub3A_593, %jit3A : i32
      %sign3A = arith.constant 0 : i32
      %sign3A_701 = arith.cmpi sgt, %sub3A_593, %sign3A : i32
      %sign3A_702 = arith.extui %sign3A_701 : i1 to i32
      %sign3A_703 = arith.constant 0 : i32
      %sign3A_704 = arith.cmpi slt, %sub3A_593, %sign3A_703 : i32
      %sign3A_705 = arith.extui %sign3A_704 : i1 to i32
      %sign3A_706 = arith.subi %sign3A_702, %sign3A_705 : i32
      %sign3A_707 = arith.constant 0 : i32
      %sign3A_708 = arith.cmpi sgt, %jit3A, %sign3A_707 : i32
      %sign3A_709 = arith.extui %sign3A_708 : i1 to i32
      %sign3A_710 = arith.constant 0 : i32
      %sign3A_711 = arith.cmpi slt, %jit3A, %sign3A_710 : i32
      %sign3A_712 = arith.extui %sign3A_711 : i1 to i32
      %sign3A_713 = arith.subi %sign3A_709, %sign3A_712 : i32
      %ne3A = arith.cmpi ne, %sign3A_706, %sign3A_713 : i32
      %rem3A = arith.remsi %sub3A_593, %jit3A : i32
      %ne3A_714 = arith.constant 0 : i32
      %ne3A_715 = arith.cmpi ne, %rem3A, %ne3A_714 : i32
      %and3A_716 = arith.andi %ne3A, %ne3A_715 : i1
      %sub3A_717 = arith.constant 1 : i32
      %sub3A_718 = arith.subi %div3A, %sub3A_717 : i32
      %select_n3A = arith.select %and3A_716, %sub3A_718, %div3A : i32
      %mul3A_719 = arith.constant 128 : i32
      %mul3A_720 = arith.muli %select_n3A, %mul3A_719 : i32
      %multiple_of3A = tpu.assume_multiple %mul3A_720, 128 : i32
      %sub3A_721 = arith.subi %sub3A_593, %multiple_of3A : i32
      %eq3A = vector.broadcast %sub3A_721 : i32 to vector<1x128xi32>
      %eq3A_722 = arith.cmpi eq, %iota3A, %eq3A : vector<1x128xi32>
      %get3A_723 = arith.constant 0 : index
      %get3A_724 = arith.constant 54 : index
      %get3A_725 = vector.load %arg2[%get3A_723, %get3A_724] : memref<32x64xf32, #tpu.memory_space<vmem>>, vector<32x1xf32>
      %get3A_726 = arith.constant 0 : index
      %get3A_727 = arith.index_cast %multiple_of3A : i32 to index
      %get3A_728 = vector.load %arg3[%get3A_726, %get3A_727] : memref<32x16384xf32, #tpu.memory_space<vmem>>, vector<32x128xf32>
      %broadcast_in_dim3A_729 = vector.shape_cast %eq3A_722 : vector<1x128xi1> to vector<1x128xi1>
      %broadcast_in_dim3A_730 = vector.broadcast %broadcast_in_dim3A_729 : vector<1x128xi1> to vector<32x128xi1>
      %broadcast_in_dim3A_731 = vector.shape_cast %get3A_725 : vector<32x1xf32> to vector<32x1xf32>
      %broadcast_in_dim3A_732 = vector.broadcast %broadcast_in_dim3A_731 : vector<32x1xf32> to vector<32x128xf32>
      %select_n3A_733 = arith.select %broadcast_in_dim3A_730, %broadcast_in_dim3A_732, %get3A_728 : vector<32x128xi1>, vector<32x128xf32>
      %swap3A_734 = arith.constant 0 : index
      %swap3A_735 = arith.index_cast %multiple_of3A : i32 to index
      %swap3A_736 = vector.load %arg3[%swap3A_734, %swap3A_735] : memref<32x16384xf32, #tpu.memory_space<vmem>>, vector<32x128xf32>
      tpu.vector_store %arg3[%swap3A_734, %swap3A_735], %select_n3A_733 {strides = array<i32>} : memref<32x16384xf32, #tpu.memory_space<vmem>>, vector<32x128xf32>,
    } else {
    }
    %get3A_602 = arith.constant 55 : index
    %get3A_603 = memref.load %arg1[%get3A_602] : memref<64xi32, #tpu.memory_space<smem>>
    %sub3A_604 = arith.subi %get3A_603, %mul3A_0 : i32
    %ge3A_605 = arith.constant 0 : i32
    %ge3A_606 = arith.cmpi sge, %sub3A_604, %ge3A_605 : i32
    %lt3A_607 = arith.constant 16384 : i32
    %lt3A_608 = arith.cmpi slt, %sub3A_604, %lt3A_607 : i32
    %and3A_609 = arith.andi %ge3A_606, %lt3A_608 : i1
    %convert_element_type3A_610 = arith.extui %and3A_609 : i1 to i32
    %cond3A_611 = arith.constant 0 : i32
    %cond3A_612 = arith.cmpi ne, %convert_element_type3A_610, %cond3A_611 : i32
    scf.if %cond3A_612 {
      %jit3A = arith.constant 128 : i32
      %div3A = arith.divsi %sub3A_604, %jit3A : i32
      %sign3A = arith.constant 0 : i32
      %sign3A_701 = arith.cmpi sgt, %sub3A_604, %sign3A : i32
      %sign3A_702 = arith.extui %sign3A_701 : i1 to i32
      %sign3A_703 = arith.constant 0 : i32
      %sign3A_704 = arith.cmpi slt, %sub3A_604, %sign3A_703 : i32
      %sign3A_705 = arith.extui %sign3A_704 : i1 to i32
      %sign3A_706 = arith.subi %sign3A_702, %sign3A_705 : i32
      %sign3A_707 = arith.constant 0 : i32
      %sign3A_708 = arith.cmpi sgt, %jit3A, %sign3A_707 : i32
      %sign3A_709 = arith.extui %sign3A_708 : i1 to i32
      %sign3A_710 = arith.constant 0 : i32
      %sign3A_711 = arith.cmpi slt, %jit3A, %sign3A_710 : i32
      %sign3A_712 = arith.extui %sign3A_711 : i1 to i32
      %sign3A_713 = arith.subi %sign3A_709, %sign3A_712 : i32
      %ne3A = arith.cmpi ne, %sign3A_706, %sign3A_713 : i32
      %rem3A = arith.remsi %sub3A_604, %jit3A : i32
      %ne3A_714 = arith.constant 0 : i32
      %ne3A_715 = arith.cmpi ne, %rem3A, %ne3A_714 : i32
      %and3A_716 = arith.andi %ne3A, %ne3A_715 : i1
      %sub3A_717 = arith.constant 1 : i32
      %sub3A_718 = arith.subi %div3A, %sub3A_717 : i32
      %select_n3A = arith.select %and3A_716, %sub3A_718, %div3A : i32
      %mul3A_719 = arith.constant 128 : i32
      %mul3A_720 = arith.muli %select_n3A, %mul3A_719 : i32
      %multiple_of3A = tpu.assume_multiple %mul3A_720, 128 : i32
      %sub3A_721 = arith.subi %sub3A_604, %multiple_of3A : i32
      %eq3A = vector.broadcast %sub3A_721 : i32 to vector<1x128xi32>
      %eq3A_722 = arith.cmpi eq, %iota3A, %eq3A : vector<1x128xi32>
      %get3A_723 = arith.constant 0 : index
      %get3A_724 = arith.constant 55 : index
      %get3A_725 = vector.load %arg2[%get3A_723, %get3A_724] : memref<32x64xf32, #tpu.memory_space<vmem>>, vector<32x1xf32>
      %get3A_726 = arith.constant 0 : index
      %get3A_727 = arith.index_cast %multiple_of3A : i32 to index
      %get3A_728 = vector.load %arg3[%get3A_726, %get3A_727] : memref<32x16384xf32, #tpu.memory_space<vmem>>, vector<32x128xf32>
      %broadcast_in_dim3A_729 = vector.shape_cast %eq3A_722 : vector<1x128xi1> to vector<1x128xi1>
      %broadcast_in_dim3A_730 = vector.broadcast %broadcast_in_dim3A_729 : vector<1x128xi1> to vector<32x128xi1>
      %broadcast_in_dim3A_731 = vector.shape_cast %get3A_725 : vector<32x1xf32> to vector<32x1xf32>
      %broadcast_in_dim3A_732 = vector.broadcast %broadcast_in_dim3A_731 : vector<32x1xf32> to vector<32x128xf32>
      %select_n3A_733 = arith.select %broadcast_in_dim3A_730, %broadcast_in_dim3A_732, %get3A_728 : vector<32x128xi1>, vector<32x128xf32>
      %swap3A_734 = arith.constant 0 : index
      %swap3A_735 = arith.index_cast %multiple_of3A : i32 to index
      %swap3A_736 = vector.load %arg3[%swap3A_734, %swap3A_735] : memref<32x16384xf32, #tpu.memory_space<vmem>>, vector<32x128xf32>
      tpu.vector_store %arg3[%swap3A_734, %swap3A_735], %select_n3A_733 {strides = array<i32>} : memref<32x16384xf32, #tpu.memory_space<vmem>>, vector<32x128xf32>,
    } else {
    }
    %get3A_613 = arith.constant 56 : index
    %get3A_614 = memref.load %arg1[%get3A_613] : memref<64xi32, #tpu.memory_space<smem>>
    %sub3A_615 = arith.subi %get3A_614, %mul3A_0 : i32
    %ge3A_616 = arith.constant 0 : i32
    %ge3A_617 = arith.cmpi sge, %sub3A_615, %ge3A_616 : i32
    %lt3A_618 = arith.constant 16384 : i32
    %lt3A_619 = arith.cmpi slt, %sub3A_615, %lt3A_618 : i32
    %and3A_620 = arith.andi %ge3A_617, %lt3A_619 : i1
    %convert_element_type3A_621 = arith.extui %and3A_620 : i1 to i32
    %cond3A_622 = arith.constant 0 : i32
    %cond3A_623 = arith.cmpi ne, %convert_element_type3A_621, %cond3A_622 : i32
    scf.if %cond3A_623 {
      %jit3A = arith.constant 128 : i32
      %div3A = arith.divsi %sub3A_615, %jit3A : i32
      %sign3A = arith.constant 0 : i32
      %sign3A_701 = arith.cmpi sgt, %sub3A_615, %sign3A : i32
      %sign3A_702 = arith.extui %sign3A_701 : i1 to i32
      %sign3A_703 = arith.constant 0 : i32
      %sign3A_704 = arith.cmpi slt, %sub3A_615, %sign3A_703 : i32
      %sign3A_705 = arith.extui %sign3A_704 : i1 to i32
      %sign3A_706 = arith.subi %sign3A_702, %sign3A_705 : i32
      %sign3A_707 = arith.constant 0 : i32
      %sign3A_708 = arith.cmpi sgt, %jit3A, %sign3A_707 : i32
      %sign3A_709 = arith.extui %sign3A_708 : i1 to i32
      %sign3A_710 = arith.constant 0 : i32
      %sign3A_711 = arith.cmpi slt, %jit3A, %sign3A_710 : i32
      %sign3A_712 = arith.extui %sign3A_711 : i1 to i32
      %sign3A_713 = arith.subi %sign3A_709, %sign3A_712 : i32
      %ne3A = arith.cmpi ne, %sign3A_706, %sign3A_713 : i32
      %rem3A = arith.remsi %sub3A_615, %jit3A : i32
      %ne3A_714 = arith.constant 0 : i32
      %ne3A_715 = arith.cmpi ne, %rem3A, %ne3A_714 : i32
      %and3A_716 = arith.andi %ne3A, %ne3A_715 : i1
      %sub3A_717 = arith.constant 1 : i32
      %sub3A_718 = arith.subi %div3A, %sub3A_717 : i32
      %select_n3A = arith.select %and3A_716, %sub3A_718, %div3A : i32
      %mul3A_719 = arith.constant 128 : i32
      %mul3A_720 = arith.muli %select_n3A, %mul3A_719 : i32
      %multiple_of3A = tpu.assume_multiple %mul3A_720, 128 : i32
      %sub3A_721 = arith.subi %sub3A_615, %multiple_of3A : i32
      %eq3A = vector.broadcast %sub3A_721 : i32 to vector<1x128xi32>
      %eq3A_722 = arith.cmpi eq, %iota3A, %eq3A : vector<1x128xi32>
      %get3A_723 = arith.constant 0 : index
      %get3A_724 = arith.constant 56 : index
      %get3A_725 = vector.load %arg2[%get3A_723, %get3A_724] : memref<32x64xf32, #tpu.memory_space<vmem>>, vector<32x1xf32>
      %get3A_726 = arith.constant 0 : index
      %get3A_727 = arith.index_cast %multiple_of3A : i32 to index
      %get3A_728 = vector.load %arg3[%get3A_726, %get3A_727] : memref<32x16384xf32, #tpu.memory_space<vmem>>, vector<32x128xf32>
      %broadcast_in_dim3A_729 = vector.shape_cast %eq3A_722 : vector<1x128xi1> to vector<1x128xi1>
      %broadcast_in_dim3A_730 = vector.broadcast %broadcast_in_dim3A_729 : vector<1x128xi1> to vector<32x128xi1>
      %broadcast_in_dim3A_731 = vector.shape_cast %get3A_725 : vector<32x1xf32> to vector<32x1xf32>
      %broadcast_in_dim3A_732 = vector.broadcast %broadcast_in_dim3A_731 : vector<32x1xf32> to vector<32x128xf32>
      %select_n3A_733 = arith.select %broadcast_in_dim3A_730, %broadcast_in_dim3A_732, %get3A_728 : vector<32x128xi1>, vector<32x128xf32>
      %swap3A_734 = arith.constant 0 : index
      %swap3A_735 = arith.index_cast %multiple_of3A : i32 to index
      %swap3A_736 = vector.load %arg3[%swap3A_734, %swap3A_735] : memref<32x16384xf32, #tpu.memory_space<vmem>>, vector<32x128xf32>
      tpu.vector_store %arg3[%swap3A_734, %swap3A_735], %select_n3A_733 {strides = array<i32>} : memref<32x16384xf32, #tpu.memory_space<vmem>>, vector<32x128xf32>,
    } else {
    }
    %get3A_624 = arith.constant 57 : index
    %get3A_625 = memref.load %arg1[%get3A_624] : memref<64xi32, #tpu.memory_space<smem>>
    %sub3A_626 = arith.subi %get3A_625, %mul3A_0 : i32
    %ge3A_627 = arith.constant 0 : i32
    %ge3A_628 = arith.cmpi sge, %sub3A_626, %ge3A_627 : i32
    %lt3A_629 = arith.constant 16384 : i32
    %lt3A_630 = arith.cmpi slt, %sub3A_626, %lt3A_629 : i32
    %and3A_631 = arith.andi %ge3A_628, %lt3A_630 : i1
    %convert_element_type3A_632 = arith.extui %and3A_631 : i1 to i32
    %cond3A_633 = arith.constant 0 : i32
    %cond3A_634 = arith.cmpi ne, %convert_element_type3A_632, %cond3A_633 : i32
    scf.if %cond3A_634 {
      %jit3A = arith.constant 128 : i32
      %div3A = arith.divsi %sub3A_626, %jit3A : i32
      %sign3A = arith.constant 0 : i32
      %sign3A_701 = arith.cmpi sgt, %sub3A_626, %sign3A : i32
      %sign3A_702 = arith.extui %sign3A_701 : i1 to i32
      %sign3A_703 = arith.constant 0 : i32
      %sign3A_704 = arith.cmpi slt, %sub3A_626, %sign3A_703 : i32
      %sign3A_705 = arith.extui %sign3A_704 : i1 to i32
      %sign3A_706 = arith.subi %sign3A_702, %sign3A_705 : i32
      %sign3A_707 = arith.constant 0 : i32
      %sign3A_708 = arith.cmpi sgt, %jit3A, %sign3A_707 : i32
      %sign3A_709 = arith.extui %sign3A_708 : i1 to i32
      %sign3A_710 = arith.constant 0 : i32
      %sign3A_711 = arith.cmpi slt, %jit3A, %sign3A_710 : i32
      %sign3A_712 = arith.extui %sign3A_711 : i1 to i32
      %sign3A_713 = arith.subi %sign3A_709, %sign3A_712 : i32
      %ne3A = arith.cmpi ne, %sign3A_706, %sign3A_713 : i32
      %rem3A = arith.remsi %sub3A_626, %jit3A : i32
      %ne3A_714 = arith.constant 0 : i32
      %ne3A_715 = arith.cmpi ne, %rem3A, %ne3A_714 : i32
      %and3A_716 = arith.andi %ne3A, %ne3A_715 : i1
      %sub3A_717 = arith.constant 1 : i32
      %sub3A_718 = arith.subi %div3A, %sub3A_717 : i32
      %select_n3A = arith.select %and3A_716, %sub3A_718, %div3A : i32
      %mul3A_719 = arith.constant 128 : i32
      %mul3A_720 = arith.muli %select_n3A, %mul3A_719 : i32
      %multiple_of3A = tpu.assume_multiple %mul3A_720, 128 : i32
      %sub3A_721 = arith.subi %sub3A_626, %multiple_of3A : i32
      %eq3A = vector.broadcast %sub3A_721 : i32 to vector<1x128xi32>
      %eq3A_722 = arith.cmpi eq, %iota3A, %eq3A : vector<1x128xi32>
      %get3A_723 = arith.constant 0 : index
      %get3A_724 = arith.constant 57 : index
      %get3A_725 = vector.load %arg2[%get3A_723, %get3A_724] : memref<32x64xf32, #tpu.memory_space<vmem>>, vector<32x1xf32>
      %get3A_726 = arith.constant 0 : index
      %get3A_727 = arith.index_cast %multiple_of3A : i32 to index
      %get3A_728 = vector.load %arg3[%get3A_726, %get3A_727] : memref<32x16384xf32, #tpu.memory_space<vmem>>, vector<32x128xf32>
      %broadcast_in_dim3A_729 = vector.shape_cast %eq3A_722 : vector<1x128xi1> to vector<1x128xi1>
      %broadcast_in_dim3A_730 = vector.broadcast %broadcast_in_dim3A_729 : vector<1x128xi1> to vector<32x128xi1>
      %broadcast_in_dim3A_731 = vector.shape_cast %get3A_725 : vector<32x1xf32> to vector<32x1xf32>
      %broadcast_in_dim3A_732 = vector.broadcast %broadcast_in_dim3A_731 : vector<32x1xf32> to vector<32x128xf32>
      %select_n3A_733 = arith.select %broadcast_in_dim3A_730, %broadcast_in_dim3A_732, %get3A_728 : vector<32x128xi1>, vector<32x128xf32>
      %swap3A_734 = arith.constant 0 : index
      %swap3A_735 = arith.index_cast %multiple_of3A : i32 to index
      %swap3A_736 = vector.load %arg3[%swap3A_734, %swap3A_735] : memref<32x16384xf32, #tpu.memory_space<vmem>>, vector<32x128xf32>
      tpu.vector_store %arg3[%swap3A_734, %swap3A_735], %select_n3A_733 {strides = array<i32>} : memref<32x16384xf32, #tpu.memory_space<vmem>>, vector<32x128xf32>,
    } else {
    }
    %get3A_635 = arith.constant 58 : index
    %get3A_636 = memref.load %arg1[%get3A_635] : memref<64xi32, #tpu.memory_space<smem>>
    %sub3A_637 = arith.subi %get3A_636, %mul3A_0 : i32
    %ge3A_638 = arith.constant 0 : i32
    %ge3A_639 = arith.cmpi sge, %sub3A_637, %ge3A_638 : i32
    %lt3A_640 = arith.constant 16384 : i32
    %lt3A_641 = arith.cmpi slt, %sub3A_637, %lt3A_640 : i32
    %and3A_642 = arith.andi %ge3A_639, %lt3A_641 : i1
    %convert_element_type3A_643 = arith.extui %and3A_642 : i1 to i32
    %cond3A_644 = arith.constant 0 : i32
    %cond3A_645 = arith.cmpi ne, %convert_element_type3A_643, %cond3A_644 : i32
    scf.if %cond3A_645 {
      %jit3A = arith.constant 128 : i32
      %div3A = arith.divsi %sub3A_637, %jit3A : i32
      %sign3A = arith.constant 0 : i32
      %sign3A_701 = arith.cmpi sgt, %sub3A_637, %sign3A : i32
      %sign3A_702 = arith.extui %sign3A_701 : i1 to i32
      %sign3A_703 = arith.constant 0 : i32
      %sign3A_704 = arith.cmpi slt, %sub3A_637, %sign3A_703 : i32
      %sign3A_705 = arith.extui %sign3A_704 : i1 to i32
      %sign3A_706 = arith.subi %sign3A_702, %sign3A_705 : i32
      %sign3A_707 = arith.constant 0 : i32
      %sign3A_708 = arith.cmpi sgt, %jit3A, %sign3A_707 : i32
      %sign3A_709 = arith.extui %sign3A_708 : i1 to i32
      %sign3A_710 = arith.constant 0 : i32
      %sign3A_711 = arith.cmpi slt, %jit3A, %sign3A_710 : i32
      %sign3A_712 = arith.extui %sign3A_711 : i1 to i32
      %sign3A_713 = arith.subi %sign3A_709, %sign3A_712 : i32
      %ne3A = arith.cmpi ne, %sign3A_706, %sign3A_713 : i32
      %rem3A = arith.remsi %sub3A_637, %jit3A : i32
      %ne3A_714 = arith.constant 0 : i32
      %ne3A_715 = arith.cmpi ne, %rem3A, %ne3A_714 : i32
      %and3A_716 = arith.andi %ne3A, %ne3A_715 : i1
      %sub3A_717 = arith.constant 1 : i32
      %sub3A_718 = arith.subi %div3A, %sub3A_717 : i32
      %select_n3A = arith.select %and3A_716, %sub3A_718, %div3A : i32
      %mul3A_719 = arith.constant 128 : i32
      %mul3A_720 = arith.muli %select_n3A, %mul3A_719 : i32
      %multiple_of3A = tpu.assume_multiple %mul3A_720, 128 : i32
      %sub3A_721 = arith.subi %sub3A_637, %multiple_of3A : i32
      %eq3A = vector.broadcast %sub3A_721 : i32 to vector<1x128xi32>
      %eq3A_722 = arith.cmpi eq, %iota3A, %eq3A : vector<1x128xi32>
      %get3A_723 = arith.constant 0 : index
      %get3A_724 = arith.constant 58 : index
      %get3A_725 = vector.load %arg2[%get3A_723, %get3A_724] : memref<32x64xf32, #tpu.memory_space<vmem>>, vector<32x1xf32>
      %get3A_726 = arith.constant 0 : index
      %get3A_727 = arith.index_cast %multiple_of3A : i32 to index
      %get3A_728 = vector.load %arg3[%get3A_726, %get3A_727] : memref<32x16384xf32, #tpu.memory_space<vmem>>, vector<32x128xf32>
      %broadcast_in_dim3A_729 = vector.shape_cast %eq3A_722 : vector<1x128xi1> to vector<1x128xi1>
      %broadcast_in_dim3A_730 = vector.broadcast %broadcast_in_dim3A_729 : vector<1x128xi1> to vector<32x128xi1>
      %broadcast_in_dim3A_731 = vector.shape_cast %get3A_725 : vector<32x1xf32> to vector<32x1xf32>
      %broadcast_in_dim3A_732 = vector.broadcast %broadcast_in_dim3A_731 : vector<32x1xf32> to vector<32x128xf32>
      %select_n3A_733 = arith.select %broadcast_in_dim3A_730, %broadcast_in_dim3A_732, %get3A_728 : vector<32x128xi1>, vector<32x128xf32>
      %swap3A_734 = arith.constant 0 : index
      %swap3A_735 = arith.index_cast %multiple_of3A : i32 to index
      %swap3A_736 = vector.load %arg3[%swap3A_734, %swap3A_735] : memref<32x16384xf32, #tpu.memory_space<vmem>>, vector<32x128xf32>
      tpu.vector_store %arg3[%swap3A_734, %swap3A_735], %select_n3A_733 {strides = array<i32>} : memref<32x16384xf32, #tpu.memory_space<vmem>>, vector<32x128xf32>,
    } else {
    }
    %get3A_646 = arith.constant 59 : index
    %get3A_647 = memref.load %arg1[%get3A_646] : memref<64xi32, #tpu.memory_space<smem>>
    %sub3A_648 = arith.subi %get3A_647, %mul3A_0 : i32
    %ge3A_649 = arith.constant 0 : i32
    %ge3A_650 = arith.cmpi sge, %sub3A_648, %ge3A_649 : i32
    %lt3A_651 = arith.constant 16384 : i32
    %lt3A_652 = arith.cmpi slt, %sub3A_648, %lt3A_651 : i32
    %and3A_653 = arith.andi %ge3A_650, %lt3A_652 : i1
    %convert_element_type3A_654 = arith.extui %and3A_653 : i1 to i32
    %cond3A_655 = arith.constant 0 : i32
    %cond3A_656 = arith.cmpi ne, %convert_element_type3A_654, %cond3A_655 : i32
    scf.if %cond3A_656 {
      %jit3A = arith.constant 128 : i32
      %div3A = arith.divsi %sub3A_648, %jit3A : i32
      %sign3A = arith.constant 0 : i32
      %sign3A_701 = arith.cmpi sgt, %sub3A_648, %sign3A : i32
      %sign3A_702 = arith.extui %sign3A_701 : i1 to i32
      %sign3A_703 = arith.constant 0 : i32
      %sign3A_704 = arith.cmpi slt, %sub3A_648, %sign3A_703 : i32
      %sign3A_705 = arith.extui %sign3A_704 : i1 to i32
      %sign3A_706 = arith.subi %sign3A_702, %sign3A_705 : i32
      %sign3A_707 = arith.constant 0 : i32
      %sign3A_708 = arith.cmpi sgt, %jit3A, %sign3A_707 : i32
      %sign3A_709 = arith.extui %sign3A_708 : i1 to i32
      %sign3A_710 = arith.constant 0 : i32
      %sign3A_711 = arith.cmpi slt, %jit3A, %sign3A_710 : i32
      %sign3A_712 = arith.extui %sign3A_711 : i1 to i32
      %sign3A_713 = arith.subi %sign3A_709, %sign3A_712 : i32
      %ne3A = arith.cmpi ne, %sign3A_706, %sign3A_713 : i32
      %rem3A = arith.remsi %sub3A_648, %jit3A : i32
      %ne3A_714 = arith.constant 0 : i32
      %ne3A_715 = arith.cmpi ne, %rem3A, %ne3A_714 : i32
      %and3A_716 = arith.andi %ne3A, %ne3A_715 : i1
      %sub3A_717 = arith.constant 1 : i32
      %sub3A_718 = arith.subi %div3A, %sub3A_717 : i32
      %select_n3A = arith.select %and3A_716, %sub3A_718, %div3A : i32
      %mul3A_719 = arith.constant 128 : i32
      %mul3A_720 = arith.muli %select_n3A, %mul3A_719 : i32
      %multiple_of3A = tpu.assume_multiple %mul3A_720, 128 : i32
      %sub3A_721 = arith.subi %sub3A_648, %multiple_of3A : i32
      %eq3A = vector.broadcast %sub3A_721 : i32 to vector<1x128xi32>
      %eq3A_722 = arith.cmpi eq, %iota3A, %eq3A : vector<1x128xi32>
      %get3A_723 = arith.constant 0 : index
      %get3A_724 = arith.constant 59 : index
      %get3A_725 = vector.load %arg2[%get3A_723, %get3A_724] : memref<32x64xf32, #tpu.memory_space<vmem>>, vector<32x1xf32>
      %get3A_726 = arith.constant 0 : index
      %get3A_727 = arith.index_cast %multiple_of3A : i32 to index
      %get3A_728 = vector.load %arg3[%get3A_726, %get3A_727] : memref<32x16384xf32, #tpu.memory_space<vmem>>, vector<32x128xf32>
      %broadcast_in_dim3A_729 = vector.shape_cast %eq3A_722 : vector<1x128xi1> to vector<1x128xi1>
      %broadcast_in_dim3A_730 = vector.broadcast %broadcast_in_dim3A_729 : vector<1x128xi1> to vector<32x128xi1>
      %broadcast_in_dim3A_731 = vector.shape_cast %get3A_725 : vector<32x1xf32> to vector<32x1xf32>
      %broadcast_in_dim3A_732 = vector.broadcast %broadcast_in_dim3A_731 : vector<32x1xf32> to vector<32x128xf32>
      %select_n3A_733 = arith.select %broadcast_in_dim3A_730, %broadcast_in_dim3A_732, %get3A_728 : vector<32x128xi1>, vector<32x128xf32>
      %swap3A_734 = arith.constant 0 : index
      %swap3A_735 = arith.index_cast %multiple_of3A : i32 to index
      %swap3A_736 = vector.load %arg3[%swap3A_734, %swap3A_735] : memref<32x16384xf32, #tpu.memory_space<vmem>>, vector<32x128xf32>
      tpu.vector_store %arg3[%swap3A_734, %swap3A_735], %select_n3A_733 {strides = array<i32>} : memref<32x16384xf32, #tpu.memory_space<vmem>>, vector<32x128xf32>,
    } else {
    }
    %get3A_657 = arith.constant 60 : index
    %get3A_658 = memref.load %arg1[%get3A_657] : memref<64xi32, #tpu.memory_space<smem>>
    %sub3A_659 = arith.subi %get3A_658, %mul3A_0 : i32
    %ge3A_660 = arith.constant 0 : i32
    %ge3A_661 = arith.cmpi sge, %sub3A_659, %ge3A_660 : i32
    %lt3A_662 = arith.constant 16384 : i32
    %lt3A_663 = arith.cmpi slt, %sub3A_659, %lt3A_662 : i32
    %and3A_664 = arith.andi %ge3A_661, %lt3A_663 : i1
    %convert_element_type3A_665 = arith.extui %and3A_664 : i1 to i32
    %cond3A_666 = arith.constant 0 : i32
    %cond3A_667 = arith.cmpi ne, %convert_element_type3A_665, %cond3A_666 : i32
    scf.if %cond3A_667 {
      %jit3A = arith.constant 128 : i32
      %div3A = arith.divsi %sub3A_659, %jit3A : i32
      %sign3A = arith.constant 0 : i32
      %sign3A_701 = arith.cmpi sgt, %sub3A_659, %sign3A : i32
      %sign3A_702 = arith.extui %sign3A_701 : i1 to i32
      %sign3A_703 = arith.constant 0 : i32
      %sign3A_704 = arith.cmpi slt, %sub3A_659, %sign3A_703 : i32
      %sign3A_705 = arith.extui %sign3A_704 : i1 to i32
      %sign3A_706 = arith.subi %sign3A_702, %sign3A_705 : i32
      %sign3A_707 = arith.constant 0 : i32
      %sign3A_708 = arith.cmpi sgt, %jit3A, %sign3A_707 : i32
      %sign3A_709 = arith.extui %sign3A_708 : i1 to i32
      %sign3A_710 = arith.constant 0 : i32
      %sign3A_711 = arith.cmpi slt, %jit3A, %sign3A_710 : i32
      %sign3A_712 = arith.extui %sign3A_711 : i1 to i32
      %sign3A_713 = arith.subi %sign3A_709, %sign3A_712 : i32
      %ne3A = arith.cmpi ne, %sign3A_706, %sign3A_713 : i32
      %rem3A = arith.remsi %sub3A_659, %jit3A : i32
      %ne3A_714 = arith.constant 0 : i32
      %ne3A_715 = arith.cmpi ne, %rem3A, %ne3A_714 : i32
      %and3A_716 = arith.andi %ne3A, %ne3A_715 : i1
      %sub3A_717 = arith.constant 1 : i32
      %sub3A_718 = arith.subi %div3A, %sub3A_717 : i32
      %select_n3A = arith.select %and3A_716, %sub3A_718, %div3A : i32
      %mul3A_719 = arith.constant 128 : i32
      %mul3A_720 = arith.muli %select_n3A, %mul3A_719 : i32
      %multiple_of3A = tpu.assume_multiple %mul3A_720, 128 : i32
      %sub3A_721 = arith.subi %sub3A_659, %multiple_of3A : i32
      %eq3A = vector.broadcast %sub3A_721 : i32 to vector<1x128xi32>
      %eq3A_722 = arith.cmpi eq, %iota3A, %eq3A : vector<1x128xi32>
      %get3A_723 = arith.constant 0 : index
      %get3A_724 = arith.constant 60 : index
      %get3A_725 = vector.load %arg2[%get3A_723, %get3A_724] : memref<32x64xf32, #tpu.memory_space<vmem>>, vector<32x1xf32>
      %get3A_726 = arith.constant 0 : index
      %get3A_727 = arith.index_cast %multiple_of3A : i32 to index
      %get3A_728 = vector.load %arg3[%get3A_726, %get3A_727] : memref<32x16384xf32, #tpu.memory_space<vmem>>, vector<32x128xf32>
      %broadcast_in_dim3A_729 = vector.shape_cast %eq3A_722 : vector<1x128xi1> to vector<1x128xi1>
      %broadcast_in_dim3A_730 = vector.broadcast %broadcast_in_dim3A_729 : vector<1x128xi1> to vector<32x128xi1>
      %broadcast_in_dim3A_731 = vector.shape_cast %get3A_725 : vector<32x1xf32> to vector<32x1xf32>
      %broadcast_in_dim3A_732 = vector.broadcast %broadcast_in_dim3A_731 : vector<32x1xf32> to vector<32x128xf32>
      %select_n3A_733 = arith.select %broadcast_in_dim3A_730, %broadcast_in_dim3A_732, %get3A_728 : vector<32x128xi1>, vector<32x128xf32>
      %swap3A_734 = arith.constant 0 : index
      %swap3A_735 = arith.index_cast %multiple_of3A : i32 to index
      %swap3A_736 = vector.load %arg3[%swap3A_734, %swap3A_735] : memref<32x16384xf32, #tpu.memory_space<vmem>>, vector<32x128xf32>
      tpu.vector_store %arg3[%swap3A_734, %swap3A_735], %select_n3A_733 {strides = array<i32>} : memref<32x16384xf32, #tpu.memory_space<vmem>>, vector<32x128xf32>,
    } else {
    }
    %get3A_668 = arith.constant 61 : index
    %get3A_669 = memref.load %arg1[%get3A_668] : memref<64xi32, #tpu.memory_space<smem>>
    %sub3A_670 = arith.subi %get3A_669, %mul3A_0 : i32
    %ge3A_671 = arith.constant 0 : i32
    %ge3A_672 = arith.cmpi sge, %sub3A_670, %ge3A_671 : i32
    %lt3A_673 = arith.constant 16384 : i32
    %lt3A_674 = arith.cmpi slt, %sub3A_670, %lt3A_673 : i32
    %and3A_675 = arith.andi %ge3A_672, %lt3A_674 : i1
    %convert_element_type3A_676 = arith.extui %and3A_675 : i1 to i32
    %cond3A_677 = arith.constant 0 : i32
    %cond3A_678 = arith.cmpi ne, %convert_element_type3A_676, %cond3A_677 : i32
    scf.if %cond3A_678 {
      %jit3A = arith.constant 128 : i32
      %div3A = arith.divsi %sub3A_670, %jit3A : i32
      %sign3A = arith.constant 0 : i32
      %sign3A_701 = arith.cmpi sgt, %sub3A_670, %sign3A : i32
      %sign3A_702 = arith.extui %sign3A_701 : i1 to i32
      %sign3A_703 = arith.constant 0 : i32
      %sign3A_704 = arith.cmpi slt, %sub3A_670, %sign3A_703 : i32
      %sign3A_705 = arith.extui %sign3A_704 : i1 to i32
      %sign3A_706 = arith.subi %sign3A_702, %sign3A_705 : i32
      %sign3A_707 = arith.constant 0 : i32
      %sign3A_708 = arith.cmpi sgt, %jit3A, %sign3A_707 : i32
      %sign3A_709 = arith.extui %sign3A_708 : i1 to i32
      %sign3A_710 = arith.constant 0 : i32
      %sign3A_711 = arith.cmpi slt, %jit3A, %sign3A_710 : i32
      %sign3A_712 = arith.extui %sign3A_711 : i1 to i32
      %sign3A_713 = arith.subi %sign3A_709, %sign3A_712 : i32
      %ne3A = arith.cmpi ne, %sign3A_706, %sign3A_713 : i32
      %rem3A = arith.remsi %sub3A_670, %jit3A : i32
      %ne3A_714 = arith.constant 0 : i32
      %ne3A_715 = arith.cmpi ne, %rem3A, %ne3A_714 : i32
      %and3A_716 = arith.andi %ne3A, %ne3A_715 : i1
      %sub3A_717 = arith.constant 1 : i32
      %sub3A_718 = arith.subi %div3A, %sub3A_717 : i32
      %select_n3A = arith.select %and3A_716, %sub3A_718, %div3A : i32
      %mul3A_719 = arith.constant 128 : i32
      %mul3A_720 = arith.muli %select_n3A, %mul3A_719 : i32
      %multiple_of3A = tpu.assume_multiple %mul3A_720, 128 : i32
      %sub3A_721 = arith.subi %sub3A_670, %multiple_of3A : i32
      %eq3A = vector.broadcast %sub3A_721 : i32 to vector<1x128xi32>
      %eq3A_722 = arith.cmpi eq, %iota3A, %eq3A : vector<1x128xi32>
      %get3A_723 = arith.constant 0 : index
      %get3A_724 = arith.constant 61 : index
      %get3A_725 = vector.load %arg2[%get3A_723, %get3A_724] : memref<32x64xf32, #tpu.memory_space<vmem>>, vector<32x1xf32>
      %get3A_726 = arith.constant 0 : index
      %get3A_727 = arith.index_cast %multiple_of3A : i32 to index
      %get3A_728 = vector.load %arg3[%get3A_726, %get3A_727] : memref<32x16384xf32, #tpu.memory_space<vmem>>, vector<32x128xf32>
      %broadcast_in_dim3A_729 = vector.shape_cast %eq3A_722 : vector<1x128xi1> to vector<1x128xi1>
      %broadcast_in_dim3A_730 = vector.broadcast %broadcast_in_dim3A_729 : vector<1x128xi1> to vector<32x128xi1>
      %broadcast_in_dim3A_731 = vector.shape_cast %get3A_725 : vector<32x1xf32> to vector<32x1xf32>
      %broadcast_in_dim3A_732 = vector.broadcast %broadcast_in_dim3A_731 : vector<32x1xf32> to vector<32x128xf32>
      %select_n3A_733 = arith.select %broadcast_in_dim3A_730, %broadcast_in_dim3A_732, %get3A_728 : vector<32x128xi1>, vector<32x128xf32>
      %swap3A_734 = arith.constant 0 : index
      %swap3A_735 = arith.index_cast %multiple_of3A : i32 to index
      %swap3A_736 = vector.load %arg3[%swap3A_734, %swap3A_735] : memref<32x16384xf32, #tpu.memory_space<vmem>>, vector<32x128xf32>
      tpu.vector_store %arg3[%swap3A_734, %swap3A_735], %select_n3A_733 {strides = array<i32>} : memref<32x16384xf32, #tpu.memory_space<vmem>>, vector<32x128xf32>,
    } else {
    }
    %get3A_679 = arith.constant 62 : index
    %get3A_680 = memref.load %arg1[%get3A_679] : memref<64xi32, #tpu.memory_space<smem>>
    %sub3A_681 = arith.subi %get3A_680, %mul3A_0 : i32
    %ge3A_682 = arith.constant 0 : i32
    %ge3A_683 = arith.cmpi sge, %sub3A_681, %ge3A_682 : i32
    %lt3A_684 = arith.constant 16384 : i32
    %lt3A_685 = arith.cmpi slt, %sub3A_681, %lt3A_684 : i32
    %and3A_686 = arith.andi %ge3A_683, %lt3A_685 : i1
    %convert_element_type3A_687 = arith.extui %and3A_686 : i1 to i32
    %cond3A_688 = arith.constant 0 : i32
    %cond3A_689 = arith.cmpi ne, %convert_element_type3A_687, %cond3A_688 : i32
    scf.if %cond3A_689 {
      %jit3A = arith.constant 128 : i32
      %div3A = arith.divsi %sub3A_681, %jit3A : i32
      %sign3A = arith.constant 0 : i32
      %sign3A_701 = arith.cmpi sgt, %sub3A_681, %sign3A : i32
      %sign3A_702 = arith.extui %sign3A_701 : i1 to i32
      %sign3A_703 = arith.constant 0 : i32
      %sign3A_704 = arith.cmpi slt, %sub3A_681, %sign3A_703 : i32
      %sign3A_705 = arith.extui %sign3A_704 : i1 to i32
      %sign3A_706 = arith.subi %sign3A_702, %sign3A_705 : i32
      %sign3A_707 = arith.constant 0 : i32
      %sign3A_708 = arith.cmpi sgt, %jit3A, %sign3A_707 : i32
      %sign3A_709 = arith.extui %sign3A_708 : i1 to i32
      %sign3A_710 = arith.constant 0 : i32
      %sign3A_711 = arith.cmpi slt, %jit3A, %sign3A_710 : i32
      %sign3A_712 = arith.extui %sign3A_711 : i1 to i32
      %sign3A_713 = arith.subi %sign3A_709, %sign3A_712 : i32
      %ne3A = arith.cmpi ne, %sign3A_706, %sign3A_713 : i32
      %rem3A = arith.remsi %sub3A_681, %jit3A : i32
      %ne3A_714 = arith.constant 0 : i32
      %ne3A_715 = arith.cmpi ne, %rem3A, %ne3A_714 : i32
      %and3A_716 = arith.andi %ne3A, %ne3A_715 : i1
      %sub3A_717 = arith.constant 1 : i32
      %sub3A_718 = arith.subi %div3A, %sub3A_717 : i32
      %select_n3A = arith.select %and3A_716, %sub3A_718, %div3A : i32
      %mul3A_719 = arith.constant 128 : i32
      %mul3A_720 = arith.muli %select_n3A, %mul3A_719 : i32
      %multiple_of3A = tpu.assume_multiple %mul3A_720, 128 : i32
      %sub3A_721 = arith.subi %sub3A_681, %multiple_of3A : i32
      %eq3A = vector.broadcast %sub3A_721 : i32 to vector<1x128xi32>
      %eq3A_722 = arith.cmpi eq, %iota3A, %eq3A : vector<1x128xi32>
      %get3A_723 = arith.constant 0 : index
      %get3A_724 = arith.constant 62 : index
      %get3A_725 = vector.load %arg2[%get3A_723, %get3A_724] : memref<32x64xf32, #tpu.memory_space<vmem>>, vector<32x1xf32>
      %get3A_726 = arith.constant 0 : index
      %get3A_727 = arith.index_cast %multiple_of3A : i32 to index
      %get3A_728 = vector.load %arg3[%get3A_726, %get3A_727] : memref<32x16384xf32, #tpu.memory_space<vmem>>, vector<32x128xf32>
      %broadcast_in_dim3A_729 = vector.shape_cast %eq3A_722 : vector<1x128xi1> to vector<1x128xi1>
      %broadcast_in_dim3A_730 = vector.broadcast %broadcast_in_dim3A_729 : vector<1x128xi1> to vector<32x128xi1>
      %broadcast_in_dim3A_731 = vector.shape_cast %get3A_725 : vector<32x1xf32> to vector<32x1xf32>
      %broadcast_in_dim3A_732 = vector.broadcast %broadcast_in_dim3A_731 : vector<32x1xf32> to vector<32x128xf32>
      %select_n3A_733 = arith.select %broadcast_in_dim3A_730, %broadcast_in_dim3A_732, %get3A_728 : vector<32x128xi1>, vector<32x128xf32>
      %swap3A_734 = arith.constant 0 : index
      %swap3A_735 = arith.index_cast %multiple_of3A : i32 to index
      %swap3A_736 = vector.load %arg3[%swap3A_734, %swap3A_735] : memref<32x16384xf32, #tpu.memory_space<vmem>>, vector<32x128xf32>
      tpu.vector_store %arg3[%swap3A_734, %swap3A_735], %select_n3A_733 {strides = array<i32>} : memref<32x16384xf32, #tpu.memory_space<vmem>>, vector<32x128xf32>,
    } else {
    }
    %get3A_690 = arith.constant 63 : index
    %get3A_691 = memref.load %arg1[%get3A_690] : memref<64xi32, #tpu.memory_space<smem>>
    %sub3A_692 = arith.subi %get3A_691, %mul3A_0 : i32
    %ge3A_693 = arith.constant 0 : i32
    %ge3A_694 = arith.cmpi sge, %sub3A_692, %ge3A_693 : i32
    %lt3A_695 = arith.constant 16384 : i32
    %lt3A_696 = arith.cmpi slt, %sub3A_692, %lt3A_695 : i32
    %and3A_697 = arith.andi %ge3A_694, %lt3A_696 : i1
    %convert_element_type3A_698 = arith.extui %and3A_697 : i1 to i32
    %cond3A_699 = arith.constant 0 : i32
    %cond3A_700 = arith.cmpi ne, %convert_element_type3A_698, %cond3A_699 : i32
    scf.if %cond3A_700 {
      %jit3A = arith.constant 128 : i32
      %div3A = arith.divsi %sub3A_692, %jit3A : i32
      %sign3A = arith.constant 0 : i32
      %sign3A_701 = arith.cmpi sgt, %sub3A_692, %sign3A : i32
      %sign3A_702 = arith.extui %sign3A_701 : i1 to i32
      %sign3A_703 = arith.constant 0 : i32
      %sign3A_704 = arith.cmpi slt, %sub3A_692, %sign3A_703 : i32
      %sign3A_705 = arith.extui %sign3A_704 : i1 to i32
      %sign3A_706 = arith.subi %sign3A_702, %sign3A_705 : i32
      %sign3A_707 = arith.constant 0 : i32
      %sign3A_708 = arith.cmpi sgt, %jit3A, %sign3A_707 : i32
      %sign3A_709 = arith.extui %sign3A_708 : i1 to i32
      %sign3A_710 = arith.constant 0 : i32
      %sign3A_711 = arith.cmpi slt, %jit3A, %sign3A_710 : i32
      %sign3A_712 = arith.extui %sign3A_711 : i1 to i32
      %sign3A_713 = arith.subi %sign3A_709, %sign3A_712 : i32
      %ne3A = arith.cmpi ne, %sign3A_706, %sign3A_713 : i32
      %rem3A = arith.remsi %sub3A_692, %jit3A : i32
      %ne3A_714 = arith.constant 0 : i32
      %ne3A_715 = arith.cmpi ne, %rem3A, %ne3A_714 : i32
      %and3A_716 = arith.andi %ne3A, %ne3A_715 : i1
      %sub3A_717 = arith.constant 1 : i32
      %sub3A_718 = arith.subi %div3A, %sub3A_717 : i32
      %select_n3A = arith.select %and3A_716, %sub3A_718, %div3A : i32
      %mul3A_719 = arith.constant 128 : i32
      %mul3A_720 = arith.muli %select_n3A, %mul3A_719 : i32
      %multiple_of3A = tpu.assume_multiple %mul3A_720, 128 : i32
      %sub3A_721 = arith.subi %sub3A_692, %multiple_of3A : i32
      %eq3A = vector.broadcast %sub3A_721 : i32 to vector<1x128xi32>
      %eq3A_722 = arith.cmpi eq, %iota3A, %eq3A : vector<1x128xi32>
      %get3A_723 = arith.constant 0 : index
      %get3A_724 = arith.constant 63 : index
      %get3A_725 = vector.load %arg2[%get3A_723, %get3A_724] : memref<32x64xf32, #tpu.memory_space<vmem>>, vector<32x1xf32>
      %get3A_726 = arith.constant 0 : index
      %get3A_727 = arith.index_cast %multiple_of3A : i32 to index
      %get3A_728 = vector.load %arg3[%get3A_726, %get3A_727] : memref<32x16384xf32, #tpu.memory_space<vmem>>, vector<32x128xf32>
      %broadcast_in_dim3A_729 = vector.shape_cast %eq3A_722 : vector<1x128xi1> to vector<1x128xi1>
      %broadcast_in_dim3A_730 = vector.broadcast %broadcast_in_dim3A_729 : vector<1x128xi1> to vector<32x128xi1>
      %broadcast_in_dim3A_731 = vector.shape_cast %get3A_725 : vector<32x1xf32> to vector<32x1xf32>
      %broadcast_in_dim3A_732 = vector.broadcast %broadcast_in_dim3A_731 : vector<32x1xf32> to vector<32x128xf32>
      %select_n3A_733 = arith.select %broadcast_in_dim3A_730, %broadcast_in_dim3A_732, %get3A_728 : vector<32x128xi1>, vector<32x128xf32>
      %swap3A_734 = arith.constant 0 : index
      %swap3A_735 = arith.index_cast %multiple_of3A : i32 to index
      %swap3A_736 = vector.load %arg3[%swap3A_734, %swap3A_735] : memref<32x16384xf32, #tpu.memory_space<vmem>>, vector<32x128xf32>
      tpu.vector_store %arg3[%swap3A_734, %swap3A_735], %select_n3A_733 {strides = array<i32>} : memref<32x16384xf32, #tpu.memory_space<vmem>>, vector<32x128xf32>,
    } else {
    }
    return
  }
  func.func @transform_0(%arg0: i32, %arg1: memref<64xi32, #tpu.memory_space<smem>>) -> (i32, i32) {
    %c0_i32 = arith.constant 0 : i32
    %c0_i32_0 = arith.constant 0 : i32
    %c0_i32_1 = arith.constant 0 : i32
    return %c0_i32, %c0_i32_0 : i32, i32
  }
  func.func @transform_1(%arg0: i32, %arg1: memref<64xi32, #tpu.memory_space<smem>>) -> (i32, i32) {
    %c0_i32 = arith.constant 0 : i32
    %c0_i32_0 = arith.constant 0 : i32
    return %c0_i32, %arg0 : i32, i32
  }
}

</mosaic_0001>

<sc_bundles>
// kernel: kernel.4.cloned.1.call-start
scs
__scs_entry_jumppad:
0x0: {  	(pc) =	sbr.rel $0x88, $3  }
0x1: {  	(tag) =	ssettag $0x0;
	lr =	simm.s32 $0x1  }
0x2: {  	[smem:$0x3F9F] =	sst lr;
	_ =	strace $0xD0000000  }
0x3: {  	_ = 	snop  }
0x4: {  	_ = 	snop  }
0x5: {  	_ = 	snop  }
0x6: {  	_ = 	snop  }
0x7: {  	_ = 	snop  }
__scs_overlays_trampoline_lowered:
0x8: {  	[smem:$0x3FAE] =	sst s0  }
0x9: {  	[smem:$0x3FAF] =	sst s1  }
0xa: {  	[smem:$0x3FB0] =	sst s2  }
0xb: {  	[smem:$0x3FB1] =	sst s3  }
0xc: {  	[smem:$0x3FB2] =	sst s4  }
0xd: {  	[smem:$0x3FB3] =	sst s5  }
0xe: {  	[smem:$0x3FB4] =	sst s6  }
0xf: {  	[smem:$0x3FB5] =	sst s7  }
0x10: {  	[smem:$0x3FB6] =	sst s8  }
0x11: {  	[smem:$0x3FB7] =	sst s9;
	s0 =	simm.s32 @!p0 $0x0  }
0x12: {  	s1 =	sld [smem:$0x3F9D];
	s0 =	simm.s32 @p0 $0x1  }
0x13: {  	[smem:$0x3FB8] =	sst s0;
	s0 =	simm.s32 @!p1 $0x0  }
0x14: {  	s2 =	sld [smem:$0x3F9C];
	s0 =	simm.s32 @p1 $0x1  }
0x15: {  	[smem:$0x3FB9] =	sst s0;
	s0 =	simm.s32 @!p2 $0x0  }
0x16: {  	s3 =	sld [smem:$0x3FDB];
	s0 =	simm.s32 @p2 $0x1  }
0x17: {  	s4 =	simm.s32 $0x1BF5;
	[smem:$0x3FBB] =	sst s0  }
0x18: {  	s0 =	sld [smem:$0x3F9E];
	_ =	swait.ge [sflag:s4], $0x0  }
0x19: {  	s7 =	sld [smem:$0x3F9F]  }
0x1a: {  	s8 =	sadd.s32 $0xFFFFE003, lr  }
0x1b: {  	s9 =	sadd.s32 $0xFFFFFEF7, lr;
	s5 =	simm.s32 $0xFFFFFFFF;
	p2 =	slt.u32 s8, $0xFFFFF086  }
0x1c: {  	p1 =	slt.u32 s9, $0xF7A;
	s5 =	simm.s32 @!p2 $0x0  }
0x1d: {  	s5 =	simm.s32 @p1 $0x1;
	p0 =	seq.s32 s7, s2  }
0x1e: {  	s7 =	smul.u32 @!p0 $0xF7A, s2;
	p2 =	seq.s32 @!p0 s5, $0x0  }
0x1f: {  	s9 =	smul.u32 $0xF7A, s1;
	s8 =	simm.s32 @!p0 $0x1BF5;
	p2 =	por !p2, p0  }
0x20: {  	[sflag:s8] =	ssyncset.s32 @!p0 $0xFFFFF086;
	s6 =	sadd.s32 @!p0 s3, s7;
	s7 =	simm.s32 @!p0 $0x108  }
0x21: {  	s3 =	sadd.s32 s3, s9;
	s6 =	sadd.s32 @!p0 $0x88, s6;
	s7 =	simm.s32 @p2 $0x1082  }
0x22: {  	[simem:s7], [sflag:s8] =	dma.local @!p0 [hbm:s6], $0xF7A  }
0x23: {  	s9 =	sor.u32 $0xD0000000, s2;
	s6 =	simm.s32 $0x108;
	_ =	swait.ge @!p0 [sflag:s8], $0x0  }
0x24: {  	s3 =	sadd.s32 $0x88, s3;
	s6 =	simm.s32 @!p1 $0x1082;
	[sflag:s4] =	ssyncset.s32 $0xFFFFF086  }
0x25: {  	[simem:s6], [sflag:s4] =	dma.local [hbm:s3], $0xF7A  }
0x26: {  	[smem:$0x3F9F] =	sst s1;
	(tag) =	ssettag s2;
	_ =	strace s9  }
0x27: {  	s1 =	sld [smem:$0x3FAF]  }
0x28: {  	s2 =	sld [smem:$0x3FB0]  }
0x29: {  	s4 =	sld [smem:$0x3FB2]  }
0x2a: {  	p0 =	seq.s32 s5, $0x0;
	s5 =	sld [smem:$0x3FB3]  }
0x2b: {  	s6 =	sld [smem:$0x3FB4]  }
0x2c: {  	s7 =	sld [smem:$0x3FB5]  }
0x2d: {  	s3 =	simm.s32 $0x108;
	s8 =	sld [smem:$0x3FB6]  }
0x2e: {  	s3 =	simm.s32 @!p0 $0x1082;
	s9 =	sld [smem:$0x3FB7]  }
0x2f: {  	lr =	sadd.s32 s0, s3;
	s0 =	sld [smem:$0x3FAE]  }
0x30: {  	s3 =	sld [smem:$0x3FB1]  }
0x31: {  	[smem:$0x3FBA] =	sst s10  }
0x32: {  	s10 =	sld [smem:$0x3FB8];
	_ =	sdelay $0x3  }
0x33: {  	p0 =	seq.s32 s10, $0x1;
	s10 =	sld [smem:$0x3FBA];
	_ =	sdelay $0x3  }
0x34: {  	[smem:$0x3FBA] =	sst s10  }
0x35: {  	s10 =	sld [smem:$0x3FB9];
	_ =	sdelay $0x3  }
0x36: {  	p1 =	seq.s32 s10, $0x1;
	s10 =	sld [smem:$0x3FBA];
	_ =	sdelay $0x3  }
0x37: {  	[smem:$0x3FBA] =	sst s10  }
0x38: {  	s10 =	sld [smem:$0x3FBB]  }
0x39: {  	_ = 	snop;
	(pc) =	sbr.ind lr, $3  }
0x3a: {  	_ = 	snop  }
0x3b: {  	_ = 	snop  }
0x3c: {  	p2 =	seq.s32 s10, $0x1;
	s10 =	sld [smem:$0x3FBA]  }
0x3d: {  	_ =	shalt  }
0x3e: {  	_ =	shalt  }
0x3f: {  	_ =	shalt  }
0x40: {  	_ =	shalt  }
0x41: {  	_ =	shalt  }
0x42: {  	_ =	shalt  }
0x43: {  	_ =	shalt  }
0x44: {  	_ =	shalt  }
0x45: {  	_ =	shalt  }
0x46: {  	_ =	shalt  }
0x47: {  	_ =	shalt  }
0x48: {  	_ =	shalt  }
0x49: {  	_ =	shalt  }
0x4a: {  	_ =	shalt  }
0x4b: {  	_ =	shalt  }
0x4c: {  	_ =	shalt  }
0x4d: {  	_ =	shalt  }
0x4e: {  	_ =	shalt  }
0x4f: {  	_ =	shalt  }
0x50: {  	_ =	shalt  }
0x51: {  	_ =	shalt  }
0x52: {  	_ =	shalt  }
0x53: {  	_ =	shalt  }
0x54: {  	_ =	shalt  }
0x55: {  	_ =	shalt  }
0x56: {  	_ =	shalt  }
0x57: {  	_ =	shalt  }
0x58: {  	_ =	shalt  }
0x59: {  	_ =	shalt  }
0x5a: {  	_ =	shalt  }
0x5b: {  	_ =	shalt  }
0x5c: {  	_ =	shalt  }
0x5d: {  	_ =	shalt  }
0x5e: {  	_ =	shalt  }
0x5f: {  	_ =	shalt  }
0x60: {  	_ =	shalt  }
0x61: {  	_ =	shalt  }
0x62: {  	_ =	shalt  }
0x63: {  	_ =	shalt  }
0x64: {  	_ =	shalt  }
0x65: {  	_ =	shalt  }
0x66: {  	_ =	shalt  }
0x67: {  	_ =	shalt  }
0x68: {  	_ =	shalt  }
0x69: {  	_ =	shalt  }
0x6a: {  	_ =	shalt  }
0x6b: {  	_ =	shalt  }
0x6c: {  	_ =	shalt  }
0x6d: {  	_ =	shalt  }
0x6e: {  	_ =	shalt  }
0x6f: {  	_ =	shalt  }
0x70: {  	_ =	shalt  }
0x71: {  	_ =	shalt  }
0x72: {  	_ =	shalt  }
0x73: {  	_ =	shalt  }
0x74: {  	_ =	shalt  }
0x75: {  	_ =	shalt  }
0x76: {  	_ =	shalt  }
0x77: {  	_ =	shalt  }
0x78: {  	_ =	shalt  }
0x79: {  	_ =	shalt  }
0x7a: {  	_ =	shalt  }
0x7b: {  	_ =	shalt  }
0x7c: {  	_ =	shalt  }
0x7d: {  	_ =	shalt  }
0x7e: {  	_ =	shalt  }
0x7f: {  	_ =	shalt  }
0x80: {  	_ =	shalt  }
0x81: {  	_ =	shalt  }
0x82: {  	_ =	shalt  }
0x83: {  	_ =	shalt  }
0x84: {  	_ =	shalt  }
0x85: {  	_ =	shalt  }
0x86: {  	_ =	shalt  }
0x87: {  	_ =	shalt  }
.Lfunc_end0:
.L_simem_size_0:
called_computation_lowered:
.L_overlay_start_0:
0x88: {  	s2 =	sld [smem:$0x3FD9]  }
0x89: {  	s3 =	sld [smem:$0x3FFE];
	_ =	sdelay $0x1  }
0x8a: {  	s1 =	srdreg.scid  }
0x8b: {  	s0 =	sand.u32 $0x1, s1  }
0x8c: {  	s17 =	sshll.u32 s0, $0xA;
	s2 =	sadd.s32 s3, s2  }
0x8d: {  	s2 =	sadd.s32 s2, s17  }
0x8e: {  	[smem:$0x3FC6] =	sst s2  }
0x8f: {  	_ = 	snop  }
0x90: {  	s2 =	sld [smem:$0x3FC8]  }
0x91: {  	s18 =	sld [smem:$0x3FD0];
	(tm) =	ssettm $0x1  }
0x92: {  	s4 =	sld [smem:$0x3FFB];
	_ =	sdelay $0x3  }
0x93: {  	_ =	strace s4  }
0x94: {  	s4 =	sld [smem:$0x3FFC];
	_ =	sdelay $0x3  }
0x95: {  	_ =	strace s4  }
0x96: {  	s4 =	sld [smem:$0x3FFD];
	_ =	sdelay $0x3  }
0x97: {  	_ =	strace s4  }
0x98: {  	_ =	strace $0x8FFFFFFF  }
0x99: {  	s19 =	sld [smem:$0x3FDB];
	_ =	sdelay $0x1  }
0x9a: {  	s5 =	simm.s32 $_scs_section_size  }
0x9b: {  	s6 =	simm.s32 $_size__tile_overlayer_lowered;
	s7 =	simm.s32 $_tile_overlayer_lowered  }
0x9c: {  	s22 =	simm.s32 $0x1BFF;
	s21 =	sshll.u32 s7, $0x1;
	s4 =	sadd.s32 s5, s19  }
0x9d: {  	s8 =	simm.s32 $0x0;
	s20 =	sshll.u32 s6, $0x1;
	s6 =	sadd.s32 s21, s4  }
0x9e: {  	[timem:s8], [sflag:s22] =	dma.local [hbm:s6], s20  }
0x9f: {  	_ =	swait.ge [sflag:s22], s20  }
0xa0: {  	s5 =	ssub.s32 $0x0, s20;
	[sflag:s22] =	ssyncset.done $0x0  }
0xa1: {  	[sflag:s22] =	ssyncadd.s32 s5;
	_ =	sdelay $0x1  }
0xa2: {  	s23 =	simm.s32 $0x1B8B  }
0xa3: {  	_ =	swait.ge [sflag:s23], $0x1  }
0xa4: {  	[sflag:s23] =	ssyncset.done $0x0  }
0xa5: {  	s25 =	simm.s32 $0x1B8E;
	s24 =	sld [smem:$0x3FFE];
	[sflag:s23] =	ssyncadd.s32 $0xFFFFFFFF  }
0xa6: {  	s26 =	simm.s32 $execute0_lowered;
	[smem:$0x3FD2] =	sst s25  }
0xa7: {  	s6 =	sshll.u32 s26, $0x1;
	_ =	strace $0x80000046;
	[dreg:$0x1] =	wrdreg $0xFFFFFFFF  }
0xa8: {  	s28 =	simm.s32 $_size_execute0_lowered;
	s4 =	sadd.s32 s4, s6;
	[dreg:$0x0] =	wrdreg $0x0  }
0xa9: {  	s6 =	sshll.u32 s28, $0x1;
	[dreg:$0x2] =	wrdreg s4  }
0xaa: {  	[dreg:$0x3] =	wrdreg s6  }
0xab: {  	[dreg:$0x4] =	wrdreg $0xC0  }
0xac: {  	_ =	task [dreg:s8], $0x5FFFF  }
0xad: {  	[dreg:$0x1] =	wrdreg $0xFFFFFFFF  }
0xae: {  	[dreg:$0x0] =	wrdreg $0x60  }
0xaf: {  	[dreg:$0x2] =	wrdreg s24  }
0xb0: {  	[dreg:$0x3] =	wrdreg s2  }
0xb1: {  	[dreg:$0x4] =	wrdreg s18  }
0xb2: {  	[dreg:$0x5] =	wrdreg $0x9  }
0xb3: {  	_ =	task.clear_ibuf [dreg:s8], $0x6FFFF;
	_ =	strace $0x90000046  }
0xb4: {  	s29 =	simm.s32 $0x9;
	_ =	strace $0x80000048  }
0xb5: {  	_ =	swait.ge [sflag:s29], $0x1  }
0xb6: {  	[sflag:s29] =	ssyncadd.s32 $0xFFFFFFFF  }
0xb7: {  	_ =	strace $0x90000048  }
0xb8: {  	_ =	sfence  }
0xb9: {  	s30 =	sld [smem:$0x0];
	_ =	sdelay $0x2  }
0xba: {  	s31 =	sshll.u32 s1, $0xD;
	s1 =	sshrl.u32 s1, $0x2  }
0xbb: {  	s3 =	sand.u32 $0x4000, s31;
	s1 =	sadd.s32 s1, s30  }
0xbc: {  	s0 =	sor.u32 s3, s0;
	s1 =	sshll.u32 s1, $0x11  }
0xbd: {  	s0 =	sor.u32 s1, s0  }
0xbe: {  	s0 =	sadd.s32 $0x8F2B, s0  }
0xbf: {  	[sflag:s0] =	ssyncadd.remote.s32 $0x1  }
0xc0: {  	_ =	sfence.sel $0xFFFF  }
0xc1: {  	[dreg:$0x0] =	wrdreg $0xFFFFFFFF;
	(pc) =	sbr.abs _section_cstart, $3  }
0xc2: {  	[dreg:$0x1] =	wrdreg $0xFFFFFFFF  }
0xc3: {  	_ =	task.clear_ibuf [dreg:s8], $0x2FFFF;
	_ =	strace $0x9FFFFFFF  }
0xc4: {  	(tm) =	ssettm $0x7FFFFFFF  }
0xc5: {  	_ =	shalt  }
tec
execute0_lowered:
.L_overlay_start_1:
0x0: {  	(tag) =	ssettag $0x1  }
0x1: {  	s5 =	rddreg [dreg:$0x0]  }
0x2: {  	s2 =	rddreg [dreg:$0x1]  }
0x3: {  	s9 =	rddreg [dreg:$0x2]  }
0x4: {  	s0 =	rddreg [dreg:$0x3]  }
0x5: {  	s3 =	simm.s32 $0x0;
	s4 =	srdreg.scid;
	s1 =	stileid.u32  }
0x6: {  	[smem:$0x7FF] =	sst s3;
	s6 =	sand.u32 $0x1, s4;
	s29 =	sshll.u32 s1, $0x1  }
0x7: {  	s4 =	simm.s32 $0x2;
	_ =	strace $0x80000047;
	s10 =	sor.u32 s6, s29  }
0x8: {  	[tilespmem:s3], [sflag:$0x2] =	stream.linear.gather [hbm4b:s2+s3], $0x80, $0x38;
	[tilespmem:$0x100] =	vst v63  }
0x9: {  	s7 =	sshll.u32 s10, $0x6;
	_ =	swait.ge [sflag:s4], $0x80  }
0xa: {  	v3 =	vlaneseq.u32;
	s6 =	ssub.s32 $0x2, s6;
	s8 =	sor.u32 $0x30, s7;
	[sflag:s4] =	ssyncset.done $0x0  }
0xb: {  	s30 =	sshrl.u32 s6, $0x1;
	s11 =	sor.u32 $0x20, s7;
	v0 =	vor.u32 s8, v3;
	[sflag:s4] =	ssyncadd.s32 $0xFFFFFF80  }
0xc: {  	s31 =	ssub.s32 s6, s30;
	v1 =	vor.u32 s11, v3;
	[tilespmem:$0x30] =	vst v0  }
0xd: {  	v2 =	vor.u32 s7, v3;
	s7 =	sor.u32 $0x10, s7;
	s11 =	smax.u32 s31, $0x1;
	[tilespmem:$0x20] =	vst v1  }
0xe: {  	s5 =	sadd.s32 $0x800, s5;
	s6 =	simm.s32 $0x80;
	v3 =	vor.u32 s7, v3;
	p0 =	sne.s32 s11, $0x1;
	[tilespmem:$0x0] =	vst v2  }
.Ltmp0:
0xf: {  	s7 =	simm.s32 $0x40;
	s8 =	simm.s32 $0x1;
	[tilespmem:$0x10] =	vst v3;
	(pc) =	sbr.rel @!p0 .LBB2_2-.Ltmp0, $4  }
0x10: {  	[tilespmem:s6], [sflag:$0x1] =	stream.indirect.gather [hbm4b:s5+s7], $0x1, s3, s7, $0xb8;
	[tilespmem:$0x100] =	vst v63  }
0x11: {  	_ =	swait.ge [sflag:s8], $0x40  }
0x12: {  	s10 =	sshll.u32 s10, $0x4;
	[sflag:s8] =	ssyncset.done $0x0  }
0x13: {  	s9 =	sadd.s32 s9, s10;
	s10 =	sadd.s32 $0xFFFFFFFF, s11;
	[sflag:s8] =	ssyncadd.s32 $0xFFFFFFC0  }
.LBB2_1:
0x14: {  	[hbm4b:s9+s3] =	stream.linear.scatter [tilespmem:s6], [sflag:$0x2], $0x80, $0x38;
	[tilespmem:$0x100] =	vst v63  }
0x15: {  	p0 =	sne.s32 s10, $0x1;
	s10 =	sadd.s32 $0xFFFFFFFF, s10;
	_ =	swait.ge [sflag:s4], $0x80  }
0x16: {  	[sflag:s4] =	ssyncset.done $0x0  }
0x17: {  	[sflag:s4] =	ssyncadd.s32 $0xFFFFFF80  }
0x18: {  	[tilespmem:s3], [sflag:$0x2] =	stream.linear.gather [hbm4b:s2+s3], $0x80, $0x38;
	[tilespmem:$0x100] =	vst v63  }
0x19: {  	_ =	swait.ge [sflag:s4], $0x80  }
0x1a: {  	[sflag:s4] =	ssyncset.done $0x0  }
0x1b: {  	[sflag:s4] =	ssyncadd.s32 $0xFFFFFF80  }
0x1c: {  	[tilespmem:$0x30] =	vst v0  }
0x1d: {  	[tilespmem:$0x20] =	vst v1  }
0x1e: {  	[tilespmem:$0x0] =	vst v2  }
.Ltmp1:
0x1f: {  	[tilespmem:$0x10] =	vst v3;
	(pc) =	sbr.rel @p0 .LBB2_1-.Ltmp1, $4  }
0x20: {  	[tilespmem:s6], [sflag:$0x1] =	stream.indirect.gather [hbm4b:s5+s7], $0x1, s3, s7, $0xb8;
	[tilespmem:$0x100] =	vst v63  }
0x21: {  	_ =	swait.ge [sflag:s8], $0x40  }
0x22: {  	[sflag:s8] =	ssyncset.done $0x0  }
0x23: {  	[sflag:s8] =	ssyncadd.s32 $0xFFFFFFC0  }
.LBB2_2:
0x24: {  	[hbm4b:s9+s3] =	stream.linear.scatter [tilespmem:s6], [sflag:$0x2], $0x80, $0x38;
	[tilespmem:$0x100] =	vst v63  }
0x25: {  	_ =	swait.ge [sflag:s4], $0x80  }
0x26: {  	[sflag:s4] =	ssyncset.done $0x0  }
0x27: {  	[sflag:s4] =	ssyncadd.s32 $0xFFFFFF80  }
0x28: {  	_ =	sfence.sel $0x180000  }
0x29: {  	[bflag:$0x0] =	sbarrier.arrive $0xFFFF  }
0x2a: {  	p0 =	sne.s32 s1, $0x0;
	_ =	strace $0x90000047  }
0x2b: {  	s0 =	sadd.s32 @!p0 $0x100000, s0;
	[bflag:$0x2] =	sbarrier.arrive $0xFFFF  }
0x2c: {  	[sflag:s0] =	ssyncadd.tile.s32 @!p0 $0x1;
	_ =	shalt  }
.Lfunc_end2:
_tile_overlayer_lowered:
.L_overlay_start_2:
0x2d: {  	(tag) =	ssettag $0x2  }
0x2e: {  	s0 =	rddreg [dreg:$0x0];
	s2 =	stileid.u32  }
0x2f: {  	s1 =	rddreg [dreg:$0x1];
	p0 =	sne.s32 s2, $0x0  }
0x30: {  	s3 =	rddreg [dreg:$0x2];
	[bflag:$0x3] =	sbarrier.arrive $0xFFFF;
	s2 =	simm.s32 @!p0 $0x1C02  }
0x31: {  	[timem:s3], [sflag:s2] =	dma.local @!p0 [hbm:s0], s1  }
0x32: {  	s0 =	simm.s32 @!p0 $0x2  }
0x33: {  	_ =	swait.ge @!p0 [sflag:s0], s1  }
0x34: {  	s1 =	ssub.s32 @!p0 $0x0, s1;
	[sflag:s0] =	ssyncset.done @!p0 $0x0  }
0x35: {  	[sflag:s0] =	ssyncadd.s32 @!p0 s1  }
0x36: {  	[bflag:$0x3] =	sbarrier.arrive $0xFFFF  }
0x37: {  	_ =	shalt  }

</sc_bundles>
